<compile_context>
chip_gen: v7x
topology: tpu7x:2x2x1
jax: 0.10.2.dev20260603
libtpu: 0.0.44.dev20260713+nightly
codegen_flags: <defaults>
</compile_context>

<pallas_src>
import functools

import jax
import jax.numpy as jnp
import numpy as np
from jax import lax
from jax.experimental import pallas as pl
from jax.experimental.pallas import tpu as pltpu
from jax.experimental.pallas import tpu_sc as plsc

N_NODES = 10000
N_EDGES = 320000
D = 128

NC = 2
NS = 16
NW = NC * NS
N_PAD = 10240
RPT = N_PAD // NW
CC = 3200
N_CHUNKS = N_EDGES // CC
SUB = 128
GK = 8
GR = SUB // GK
CCP = CC + SUB + 16
NPAIR = N_NODES // 2


def _prep_body(ns_ref, w_ref, wp_ref, a8_ref, hb_ref, s1_ref, s2_ref):
    ns = ns_ref[...]
    hp = jnp.dot(ns, wp_ref[...], preferred_element_type=jnp.float32)
    hb_ref[...] = hp.astype(jnp.bfloat16)
    wa = jnp.dot(w_ref[...], a8_ref[...], preferred_element_type=jnp.float32)
    s8 = jnp.dot(ns, wa, preferred_element_type=jnp.float32)
    s1_ref[...] = s8[:, 0]
    s2_ref[...] = s8[:, 1]


def _prep(node_states, w, wp, a8):
    return pl.pallas_call(
        _prep_body,
        out_shape=(
            jax.ShapeDtypeStruct((N_NODES, D), jnp.bfloat16),
            jax.ShapeDtypeStruct((N_NODES,), jnp.float32),
            jax.ShapeDtypeStruct((N_NODES,), jnp.float32),
        ),
    )(node_states, w, wp, a8)


def _sc_body(h_hbm, s1_hbm, s2_hbm, dst_hbm, src_hbm,
             num_out, den_out,
             s1r_v, s2_v, dstc_v, srcc_v, cd_v, ch_v,
             w_v, rows_v, acc_v, den_v, h_sh, esem, gsem):
    cid = lax.axis_index("c")
    sid = lax.axis_index("s")
    wid = sid * NC + cid
    lo = wid * RPT
    hi = lo + RPT

    pltpu.sync_copy(s1_hbm.at[pl.ds(lo, RPT)], s1r_v)
    pltpu.sync_copy(s2_hbm, s2_v)

    @pl.when(sid == 0)
    def _():
        pltpu.sync_copy(h_hbm, h_sh)

    zeros = jnp.zeros((16,), jnp.float32)
    izeros = jnp.zeros((16,), jnp.int32)
    lane0 = lax.iota(jnp.int32, 16) == 0

    def _zero(i, _):
        for j in range(D // 16):
            acc_v[i, pl.ds(j * 16, 16)] = zeros
        return 0
    lax.fori_loop(0, RPT, _zero, 0)

    def _zden(z, _):
        den_v[pl.ds(z * 16, 16)] = zeros
        return 0
    lax.fori_loop(0, (RPT + 16) // 16, _zden, 0)

    plsc.subcore_barrier()

    def issue_edges(c):
        e0 = c * CC
        pltpu.async_copy(dst_hbm.at[pl.ds(e0, CC)], dstc_v, esem)
        pltpu.async_copy(src_hbm.at[pl.ds(e0, CC)], srcc_v, esem)

    def wait_edges():
        pltpu.make_async_copy(dst_hbm.at[pl.ds(0, CC)], dstc_v, esem).wait()
        pltpu.make_async_copy(src_hbm.at[pl.ds(0, CC)], srcc_v, esem).wait()

    def compact():
        def _cmp(g, cnt):
            sl = pl.ds(g * 16, 16)
            d16 = dstc_v[sl]
            s16 = srcc_v[sl]
            msk = (d16 >= lo) & (d16 < hi)
            packed = (d16 - lo) | ((s16 & 1) << 12)
            plsc.store_compressed(cd_v.at[pl.ds(cnt, 16)], packed, mask=msk)
            plsc.store_compressed(ch_v.at[pl.ds(cnt, 16)],
                                  lax.shift_right_logical(s16, 1), mask=msk)
            return cnt + plsc.all_reduce_population_count(msk)[0]
        m = lax.fori_loop(0, CC // 16, _cmp, jnp.int32(0), unroll=8)

        def _pad(p, _):
            cd_v[pl.ds(m + p * 16, 16)] = izeros
            ch_v[pl.ds(m + p * 16, 16)] = izeros
            return 0
        lax.fori_loop(0, SUB // 16, _pad, 0)
        return m

    def issue_gather(i0):
        for j in range(GK):
            pltpu.async_copy(h_sh.at[ch_v.at[pl.ds(i0 + j * GR, GR)]],
                             rows_v.at[pl.ds(j * GR, GR)], gsem)

    def wait_gather(i0):
        for j in range(GK):
            pltpu.make_async_copy(h_sh.at[ch_v.at[pl.ds(i0 + j * GR, GR)]],
                                  rows_v.at[pl.ds(j * GR, GR)], gsem).wait()

    def wcompute(i0, m):
        def _wg(g, _):
            csl = pl.ds(i0 + g * 16, 16)
            raw16 = cd_v[csl]
            dl16 = raw16 & 4095
            s16 = (ch_v[csl] << 1) | (lax.shift_right_logical(raw16, 12) & 1)
            x = (plsc.load_gather(s1r_v, [dl16])
                 + plsc.load_gather(s2_v, [s16]))
            x = jnp.where(x >= 0.0, x, 0.01 * x)
            x = jnp.minimum(jnp.maximum(x, -2.0), 2.0)
            lane = i0 + g * 16 + lax.iota(jnp.int32, 16)
            w_v[pl.ds(g * 16, 16)] = jnp.where(lane < m, jnp.exp(x), 0.0)
            return 0
        lax.fori_loop(0, SUB // 16, _wg, 0, unroll=4)

    def accum(i0, n):
        def _edge(e, raw):
            raw_next = cd_v[pl.ds(i0 + e + 1, 16)][0]
            dloc = raw & 4095
            coff = lax.shift_right_logical(raw, 12) * 64
            wv = jnp.full((16,), w_v[pl.ds(e, 16)][0], jnp.float32)
            prods = []
            for j in range(D // 32):
                x32 = plsc.bitcast(rows_v[e, pl.ds(coff + j * 16, 16)],
                                   jnp.bfloat16)
                a, b = plsc.unpack(x32, format=plsc.PackFormat.INTERLEAVED)
                prods += [a * wv, b * wv]
            plsc.addupdate(den_v.at[pl.ds(dloc, 16)],
                           jnp.where(lane0, wv, 0.0))
            for j in range(D // 16):
                plsc.addupdate(acc_v.at[dloc, pl.ds(j * 16, 16)], prods[j])
            return raw_next
        lax.fori_loop(0, n, _edge, cd_v[pl.ds(i0, 16)][0])

    issue_edges(0)

    def _chunk(c, _):
        wait_edges()
        m = compact()

        @pl.when(c + 1 < N_CHUNKS)
        def _():
            issue_edges(c + 1)
        issue_gather(0)
        wcompute(0, m)
        wait_gather(0)
        accum(0, jnp.minimum(m, SUB))

        nsub = (m + SUB - 1) // SUB

        def _slow(q, _):
            i0 = q * SUB
            issue_gather(i0)
            wcompute(i0, m)
            wait_gather(i0)
            accum(i0, jnp.minimum(m - i0, SUB))
            return 0
        lax.fori_loop(1, nsub, _slow, 0)
        return 0

    lax.fori_loop(0, N_CHUNKS, _chunk, 0)

    pltpu.sync_copy(acc_v, num_out.at[pl.ds(lo, RPT)])
    pltpu.sync_copy(den_v.at[pl.ds(0, RPT)], den_out.at[pl.ds(lo, RPT)])


def _sc_accum(h, s1p, s2p, dst, src):
    mesh = plsc.VectorSubcoreMesh(core_axis_name="c", subcore_axis_name="s",
                                  num_cores=NC)
    fn = functools.partial(
        pl.kernel,
        mesh=mesh,
        out_type=(
            jax.ShapeDtypeStruct((N_PAD, D), jnp.float32),
            jax.ShapeDtypeStruct((N_PAD,), jnp.float32),
        ),
        scratch_types=[
            pltpu.VMEM((RPT,), jnp.float32),
            pltpu.VMEM((N_PAD,), jnp.float32),
            pltpu.VMEM((CC,), jnp.int32),
            pltpu.VMEM((CC,), jnp.int32),
            pltpu.VMEM((CCP,), jnp.int32),
            pltpu.VMEM((CCP,), jnp.int32),
            pltpu.VMEM((SUB + 16,), jnp.float32),
            pltpu.VMEM((SUB, D), jnp.int32),
            pltpu.VMEM((RPT, D), jnp.float32),
            pltpu.VMEM((RPT + 16,), jnp.float32),
            pltpu.VMEM_SHARED((NPAIR, D), jnp.int32),
            pltpu.SemaphoreType.DMA,
            pltpu.SemaphoreType.DMA,
        ],
        compiler_params=pltpu.CompilerParams(needs_layout_passes=False),
    )(_sc_body)
    return fn(h, s1p, s2p, dst, src)


def _fin_body(num_ref, den_ref, out_ref):
    den = den_ref[...]
    den = jnp.where(den > 0.0, den, 1.0)
    out_ref[...] = num_ref[...] / den


def _finish(num, den):
    blk = 1000
    grid = N_NODES // blk
    return pl.pallas_call(
        _fin_body,
        grid=(grid,),
        in_specs=[
            pl.BlockSpec((blk, D), lambda i: (i, 0)),
            pl.BlockSpec((blk, 1), lambda i: (i, 0)),
        ],
        out_specs=pl.BlockSpec((blk, D), lambda i: (i, 0)),
        out_shape=jax.ShapeDtypeStruct((N_NODES, D), jnp.float32),
    )(num, den)


def kernel(node_states, edges, kernel, kernel_attention):
    a = kernel_attention[:, 0]
    a8 = jnp.stack([a[:D], a[D:]] + [jnp.zeros((D,), jnp.float32)] * 6,
                   axis=1)
    g = np.empty((D,), np.int32)
    for j in range(D // 32):
        for t in range(16):
            g[32 * j + 2 * t] = 32 * j + t
            g[32 * j + 2 * t + 1] = 32 * j + 16 + t
    wp = kernel[:, g]
    h, s1, s2 = _prep(node_states, kernel, wp, a8)
    h = lax.bitcast_convert_type(h.reshape(N_NODES, D // 2, 2), jnp.int32)
    h = h.reshape(NPAIR, D)
    s1p = jnp.pad(s1, (0, N_PAD - N_NODES))
    s2p = jnp.pad(s2, (0, N_PAD - N_NODES))
    dst = edges[:, 0].astype(jnp.int32)
    src = edges[:, 1].astype(jnp.int32)
    num, den = _sc_accum(h, s1p, s2p, dst, src)
    return _finish(num, den.reshape(N_PAD, 1))

# --- scband reference (transcript-rebuilt; emitter-appended) ---
"""Pipeline reference for scband-graph-attention-5935644803685 (READ-ONLY COPY).

The authoritative reference and input builder live on the scoring server;
editing this copy changes nothing except your own understanding.
"""

import jax, jax.numpy as jnp
import numpy as np

N_NODES = 10000
N_EDGES = 320000
D_FEAT = 128
UNITS = 128


def setup_inputs(seed: int = 0) -> dict:
    key = jax.random.key(seed)
    k1, k2, k3, k4 = jax.random.split(key, 4)
    node_states = jax.random.normal(k1, (N_NODES, D_FEAT), dtype=jnp.float32)
    edges = jax.random.randint(k2, (N_EDGES, 2), 0, N_NODES, dtype=jnp.int64)
    kernel = jax.random.normal(k3, (D_FEAT, UNITS), dtype=jnp.float32) * 0.05
    kernel_attention = jax.random.normal(k4, (UNITS * 2, 1), dtype=jnp.float32) * 0.05
    return {"node_states": node_states, "edges": edges, "kernel": kernel, "kernel_attention": kernel_attention}


def reference(node_states, edges, kernel, kernel_attention):
    # node_states: [N, d], edges: [E, 2] with columns (dst, src)
    node_states_transformed = jnp.matmul(node_states, kernel)  # [N, U]
    # gather both endpoints: [E, 2, U] -> [E, 2U]
    node_states_expanded = jnp.take(node_states_transformed, edges, axis=0)
    node_states_expanded = node_states_expanded.reshape(edges.shape[0], -1)
    attention_scores = jax.nn.leaky_relu(jnp.matmul(node_states_expanded, kernel_attention))
    attention_scores = jnp.squeeze(attention_scores, -1)  # [E]
    attention_scores = jnp.exp(jnp.clip(attention_scores, -2.0, 2.0))
    seg = edges[:, 0]
    # segment-wise softmax denominator (gather per-edge denominators;
    # equivalent to tf.repeat(sums, bincount) semantics for grouped edges)
    attention_scores_sum = jax.ops.segment_sum(attention_scores, seg, num_segments=N_NODES)
    attention_scores_norm = attention_scores / jnp.take(attention_scores_sum, seg, axis=0)
    node_states_neighbors = jnp.take(node_states_transformed, edges[:, 1], axis=0)  # [E, U]
    out = jax.ops.segment_sum(node_states_neighbors * attention_scores_norm[:, None], seg, num_segments=N_NODES)
    return out

if __name__ == "__main__":
    import jax
    _d = setup_inputs()
    print(jax.jit(kernel)(*tuple(_d.values())))

</pallas_src>

<mosaic_0001>
#map = affine_map<(d0, d1) -> (0, 0)>
#map1 = affine_map<(d0, d1) -> (0)>
module attributes {stable_mosaic.version = 14 : i64} {
  func.func @_sc_body(%arg0: i32, %arg1: i32, %arg2: memref<5000x128xi32, #tpu.memory_space<hbm>>, %arg3: memref<10240xf32, #tpu.memory_space<hbm>>, %arg4: memref<10240xf32, #tpu.memory_space<hbm>>, %arg5: memref<320000xi32, #tpu.memory_space<hbm>>, %arg6: memref<320000xi32, #tpu.memory_space<hbm>>, %arg7: memref<10240x128xf32, #tpu.memory_space<hbm>>, %arg8: memref<10240xf32, #tpu.memory_space<hbm>>, %arg9: memref<320xf32, #tpu.memory_space<vmem>>, %arg10: memref<10240xf32, #tpu.memory_space<vmem>>, %arg11: memref<3200xi32, #tpu.memory_space<vmem>>, %arg12: memref<3200xi32, #tpu.memory_space<vmem>>, %arg13: memref<3344xi32, #tpu.memory_space<vmem>>, %arg14: memref<3344xi32, #tpu.memory_space<vmem>>, %arg15: memref<144xf32, #tpu.memory_space<vmem>>, %arg16: memref<128x128xi32, #tpu.memory_space<vmem>>, %arg17: memref<320x128xf32, #tpu.memory_space<vmem>>, %arg18: memref<336xf32, #tpu.memory_space<vmem>>, %arg19: memref<5000x128xi32, #tpu.memory_space<vmem_shared>>, %arg20: memref<!tpu.dma_semaphore, #tpu.memory_space<semaphore_mem>>, %arg21: memref<!tpu.dma_semaphore, #tpu.memory_space<semaphore_mem>>) attributes {dimension_semantics = [#tpu.dimension_semantics<core_parallel>, #tpu.dimension_semantics<subcore_parallel>], iteration_bounds = array<i64: 2, 16>, scalar_prefetch = 0 : i64, scratch_operands = 13 : i64, tpu.core_type = #tpu.core_type<sc_vector_subcore>, window_params = [{transform_indices = #map}, {transform_indices = #map1}, {transform_indices = #map1}, {transform_indices = #map1}, {transform_indices = #map1}, {transform_indices = #map}, {transform_indices = #map1}]} {
    %mul3A = arith.constant 2 : i32
    %mul3A_0 = arith.muli %arg1, %mul3A : i32
    %add3A = arith.addi %mul3A_0, %arg0 : i32
    %mul3A_1 = arith.constant 320 : i32
    %mul3A_2 = arith.muli %add3A, %mul3A_1 : i32
    %add3A_3 = arith.constant 320 : i32
    %add3A_4 = arith.addi %mul3A_2, %add3A_3 : i32
    "tpu.region"() ({
      %run_scoped3A = tpu.sem_alloc : memref<!tpu.dma_semaphore, #tpu.memory_space<semaphore_mem>>
      %dma_start3A_40 = tpu.memref_slice %arg3[%mul3A_2] : memref<10240xf32, #tpu.memory_space<hbm>> -> memref<320xf32, #tpu.memory_space<hbm>>
      %dma_start3A_41 = tpu.memref_slice %arg3[%mul3A_2] : memref<10240xf32, #tpu.memory_space<hbm>> -> memref<320xf32, #tpu.memory_space<hbm>>
      tpu.enqueue_dma source(%dma_start3A_41 : memref<320xf32, #tpu.memory_space<hbm>>) target(%arg9 : memref<320xf32, #tpu.memory_space<vmem>>) target_semaphore(%run_scoped3A : memref<!tpu.dma_semaphore, #tpu.memory_space<semaphore_mem>>)
      %dma_wait3A = tpu.memref_slice %arg3[%mul3A_2] : memref<10240xf32, #tpu.memory_space<hbm>> -> memref<320xf32, #tpu.memory_space<hbm>>
      %dma_wait3A_42 = tpu.memref_slice %arg3[%mul3A_2] : memref<10240xf32, #tpu.memory_space<hbm>> -> memref<320xf32, #tpu.memory_space<hbm>>
      tpu.wait_dma2 semaphore(%run_scoped3A : memref<!tpu.dma_semaphore, #tpu.memory_space<semaphore_mem>>) src(%dma_wait3A_42 : memref<320xf32, #tpu.memory_space<hbm>>) dst(%arg9 : memref<320xf32, #tpu.memory_space<vmem>>)
      tpu.yield
    }) : () -> ()
    "tpu.region"() ({
      %run_scoped3A = tpu.sem_alloc : memref<!tpu.dma_semaphore, #tpu.memory_space<semaphore_mem>>
      tpu.enqueue_dma source(%arg4 : memref<10240xf32, #tpu.memory_space<hbm>>) target(%arg10 : memref<10240xf32, #tpu.memory_space<vmem>>) target_semaphore(%run_scoped3A : memref<!tpu.dma_semaphore, #tpu.memory_space<semaphore_mem>>)
      tpu.wait_dma2 semaphore(%run_scoped3A : memref<!tpu.dma_semaphore, #tpu.memory_space<semaphore_mem>>) src(%arg4 : memref<10240xf32, #tpu.memory_space<hbm>>) dst(%arg10 : memref<10240xf32, #tpu.memory_space<vmem>>)
      tpu.yield
    }) : () -> ()
    %eq3A = arith.constant 0 : i32
    %eq3A_5 = arith.cmpi eq, %arg1, %eq3A : i32
    %convert_element_type3A = arith.extui %eq3A_5 : i1 to i32
    %cond3A = arith.constant 0 : i32
    %cond3A_6 = arith.cmpi ne, %convert_element_type3A, %cond3A : i32
    scf.if %cond3A_6 {
      "tpu.region"() ({
        %run_scoped3A = tpu.sem_alloc : memref<!tpu.dma_semaphore, #tpu.memory_space<semaphore_mem>>
        tpu.enqueue_dma source(%arg2 : memref<5000x128xi32, #tpu.memory_space<hbm>>) target(%arg19 : memref<5000x128xi32, #tpu.memory_space<vmem_shared>>) target_semaphore(%run_scoped3A : memref<!tpu.dma_semaphore, #tpu.memory_space<semaphore_mem>>)
        tpu.wait_dma2 semaphore(%run_scoped3A : memref<!tpu.dma_semaphore, #tpu.memory_space<semaphore_mem>>) src(%arg2 : memref<5000x128xi32, #tpu.memory_space<hbm>>) dst(%arg19 : memref<5000x128xi32, #tpu.memory_space<vmem_shared>>)
        tpu.yield
      }) : () -> ()
    } else {
    }
    %broadcast_in_dim3A = arith.constant 0.000000e+00 : f32
    %broadcast_in_dim3A_7 = vector.broadcast %broadcast_in_dim3A : f32 to vector<16xf32>
    %broadcast_in_dim3A_8 = arith.constant 0 : i32
    %broadcast_in_dim3A_9 = vector.broadcast %broadcast_in_dim3A_8 : i32 to vector<16xi32>
    %iota3A = tpu.iota {dimensions = array<i32: 0>} : vector<16xi32>
    %eq3A_10 = arith.constant 0 : i32
    %eq3A_11 = vector.broadcast %eq3A_10 : i32 to vector<16xi32>
    %eq3A_12 = arith.cmpi eq, %iota3A, %eq3A_11 : vector<16xi32>
    %scan3A = arith.constant 0 : i32
    %scan3A_13 = arith.constant 0 : i32
    %scan3A_14 = arith.constant 320 : i32
    %scan3A_15 = arith.addi %scan3A_13, %scan3A_14 : i32
    %scan3A_16 = arith.constant 1 : i32
    %scan3A_17 = scf.for %scan3A_40 = %scan3A_13 to %scan3A_15 step %scan3A_16 iter_args(%scan3A_41 = %scan3A) -> (i32)  : i32 {
      %swap3A = arith.index_cast %scan3A_40 : i32 to index
      %swap3A_42 = arith.constant 0 : index
      %swap3A_43 = tpu.vector_load %arg17[%swap3A, %swap3A_42] {strides = array<i32>} : memref<320x128xf32, #tpu.memory_space<vmem>>, vector<16xf32>,
      tpu.vector_store %arg17[%swap3A, %swap3A_42], %broadcast_in_dim3A_7 {strides = array<i32>} : memref<320x128xf32, #tpu.memory_space<vmem>>, vector<16xf32>,
      %swap3A_44 = arith.index_cast %scan3A_40 : i32 to index
      %swap3A_45 = arith.constant 16 : index
      %swap3A_46 = tpu.vector_load %arg17[%swap3A_44, %swap3A_45] {strides = array<i32>} : memref<320x128xf32, #tpu.memory_space<vmem>>, vector<16xf32>,
      tpu.vector_store %arg17[%swap3A_44, %swap3A_45], %broadcast_in_dim3A_7 {strides = array<i32>} : memref<320x128xf32, #tpu.memory_space<vmem>>, vector<16xf32>,
      %swap3A_47 = arith.index_cast %scan3A_40 : i32 to index
      %swap3A_48 = arith.constant 32 : index
      %swap3A_49 = tpu.vector_load %arg17[%swap3A_47, %swap3A_48] {strides = array<i32>} : memref<320x128xf32, #tpu.memory_space<vmem>>, vector<16xf32>,
      tpu.vector_store %arg17[%swap3A_47, %swap3A_48], %broadcast_in_dim3A_7 {strides = array<i32>} : memref<320x128xf32, #tpu.memory_space<vmem>>, vector<16xf32>,
      %swap3A_50 = arith.index_cast %scan3A_40 : i32 to index
      %swap3A_51 = arith.constant 48 : index
      %swap3A_52 = tpu.vector_load %arg17[%swap3A_50, %swap3A_51] {strides = array<i32>} : memref<320x128xf32, #tpu.memory_space<vmem>>, vector<16xf32>,
      tpu.vector_store %arg17[%swap3A_50, %swap3A_51], %broadcast_in_dim3A_7 {strides = array<i32>} : memref<320x128xf32, #tpu.memory_space<vmem>>, vector<16xf32>,
      %swap3A_53 = arith.index_cast %scan3A_40 : i32 to index
      %swap3A_54 = arith.constant 64 : index
      %swap3A_55 = tpu.vector_load %arg17[%swap3A_53, %swap3A_54] {strides = array<i32>} : memref<320x128xf32, #tpu.memory_space<vmem>>, vector<16xf32>,
      tpu.vector_store %arg17[%swap3A_53, %swap3A_54], %broadcast_in_dim3A_7 {strides = array<i32>} : memref<320x128xf32, #tpu.memory_space<vmem>>, vector<16xf32>,
      %swap3A_56 = arith.index_cast %scan3A_40 : i32 to index
      %swap3A_57 = arith.constant 80 : index
      %swap3A_58 = tpu.vector_load %arg17[%swap3A_56, %swap3A_57] {strides = array<i32>} : memref<320x128xf32, #tpu.memory_space<vmem>>, vector<16xf32>,
      tpu.vector_store %arg17[%swap3A_56, %swap3A_57], %broadcast_in_dim3A_7 {strides = array<i32>} : memref<320x128xf32, #tpu.memory_space<vmem>>, vector<16xf32>,
      %swap3A_59 = arith.index_cast %scan3A_40 : i32 to index
      %swap3A_60 = arith.constant 96 : index
      %swap3A_61 = tpu.vector_load %arg17[%swap3A_59, %swap3A_60] {strides = array<i32>} : memref<320x128xf32, #tpu.memory_space<vmem>>, vector<16xf32>,
      tpu.vector_store %arg17[%swap3A_59, %swap3A_60], %broadcast_in_dim3A_7 {strides = array<i32>} : memref<320x128xf32, #tpu.memory_space<vmem>>, vector<16xf32>,
      %swap3A_62 = arith.index_cast %scan3A_40 : i32 to index
      %swap3A_63 = arith.constant 112 : index
      %swap3A_64 = tpu.vector_load %arg17[%swap3A_62, %swap3A_63] {strides = array<i32>} : memref<320x128xf32, #tpu.memory_space<vmem>>, vector<16xf32>,
      tpu.vector_store %arg17[%swap3A_62, %swap3A_63], %broadcast_in_dim3A_7 {strides = array<i32>} : memref<320x128xf32, #tpu.memory_space<vmem>>, vector<16xf32>,
      %scan3A_65 = arith.constant 0 : i32
      scf.yield %scan3A_65 : i32
    }
    %scan3A_18 = arith.constant 320 : i32
    %scan3A_19 = arith.constant 0 : i32
    %scan3A_20 = arith.constant 0 : i32
    %scan3A_21 = arith.constant 21 : i32
    %scan3A_22 = arith.addi %scan3A_20, %scan3A_21 : i32
    %scan3A_23 = arith.constant 1 : i32
    %scan3A_24 = scf.for %scan3A_40 = %scan3A_20 to %scan3A_22 step %scan3A_23 iter_args(%scan3A_41 = %scan3A_19) -> (i32)  : i32 {
      %mul3A_42 = arith.constant 16 : i32
      %mul3A_43 = arith.muli %scan3A_40, %mul3A_42 : i32
      %swap3A = arith.index_cast %mul3A_43 : i32 to index
      %swap3A_44 = tpu.vector_load %arg18[%swap3A] {strides = array<i32>} : memref<336xf32, #tpu.memory_space<vmem>>, vector<16xf32>,
      tpu.vector_store %arg18[%swap3A], %broadcast_in_dim3A_7 {strides = array<i32>} : memref<336xf32, #tpu.memory_space<vmem>>, vector<16xf32>,
      %scan3A_45 = arith.constant 0 : i32
      scf.yield %scan3A_45 : i32
    }
    %scan3A_25 = arith.constant 21 : i32
    %barrier3A = arith.constant 0 : index
    tpu.barrier barrier_id(%barrier3A)
    %dma_start3A = arith.constant 0 : i32
    %dma_start3A_26 = tpu.memref_slice %arg5[%dma_start3A] : memref<320000xi32, #tpu.memory_space<hbm>> -> memref<3200xi32, #tpu.memory_space<hbm>>
    %dma_start3A_27 = arith.constant 0 : i32
    %dma_start3A_28 = tpu.memref_slice %arg5[%dma_start3A_27] : memref<320000xi32, #tpu.memory_space<hbm>> -> memref<3200xi32, #tpu.memory_space<hbm>>
    tpu.enqueue_dma source(%dma_start3A_28 : memref<3200xi32, #tpu.memory_space<hbm>>) target(%arg11 : memref<3200xi32, #tpu.memory_space<vmem>>) target_semaphore(%arg20 : memref<!tpu.dma_semaphore, #tpu.memory_space<semaphore_mem>>)
    %dma_start3A_29 = arith.constant 0 : i32
    %dma_start3A_30 = tpu.memref_slice %arg6[%dma_start3A_29] : memref<320000xi32, #tpu.memory_space<hbm>> -> memref<3200xi32, #tpu.memory_space<hbm>>
    %dma_start3A_31 = arith.constant 0 : i32
    %dma_start3A_32 = tpu.memref_slice %arg6[%dma_start3A_31] : memref<320000xi32, #tpu.memory_space<hbm>> -> memref<3200xi32, #tpu.memory_space<hbm>>
    tpu.enqueue_dma source(%dma_start3A_32 : memref<3200xi32, #tpu.memory_space<hbm>>) target(%arg12 : memref<3200xi32, #tpu.memory_space<vmem>>) target_semaphore(%arg20 : memref<!tpu.dma_semaphore, #tpu.memory_space<semaphore_mem>>)
    %scan3A_33 = arith.constant 0 : i32
    %scan3A_34 = arith.constant 0 : i32
    %scan3A_35 = arith.constant 100 : i32
    %scan3A_36 = arith.addi %scan3A_34, %scan3A_35 : i32
    %scan3A_37 = arith.constant 1 : i32
    %scan3A_38 = scf.for %scan3A_40 = %scan3A_34 to %scan3A_36 step %scan3A_37 iter_args(%scan3A_41 = %scan3A_33) -> (i32)  : i32 {
      %dma_wait3A = arith.constant 0 : i32
      %dma_wait3A_42 = tpu.memref_slice %arg5[%dma_wait3A] : memref<320000xi32, #tpu.memory_space<hbm>> -> memref<3200xi32, #tpu.memory_space<hbm>>
      %dma_wait3A_43 = arith.constant 0 : i32
      %dma_wait3A_44 = tpu.memref_slice %arg5[%dma_wait3A_43] : memref<320000xi32, #tpu.memory_space<hbm>> -> memref<3200xi32, #tpu.memory_space<hbm>>
      tpu.wait_dma2 semaphore(%arg20 : memref<!tpu.dma_semaphore, #tpu.memory_space<semaphore_mem>>) src(%dma_wait3A_44 : memref<3200xi32, #tpu.memory_space<hbm>>) dst(%arg11 : memref<3200xi32, #tpu.memory_space<vmem>>)
      %dma_wait3A_45 = arith.constant 0 : i32
      %dma_wait3A_46 = tpu.memref_slice %arg6[%dma_wait3A_45] : memref<320000xi32, #tpu.memory_space<hbm>> -> memref<3200xi32, #tpu.memory_space<hbm>>
      %dma_wait3A_47 = arith.constant 0 : i32
      %dma_wait3A_48 = tpu.memref_slice %arg6[%dma_wait3A_47] : memref<320000xi32, #tpu.memory_space<hbm>> -> memref<3200xi32, #tpu.memory_space<hbm>>
      tpu.wait_dma2 semaphore(%arg20 : memref<!tpu.dma_semaphore, #tpu.memory_space<semaphore_mem>>) src(%dma_wait3A_48 : memref<3200xi32, #tpu.memory_space<hbm>>) dst(%arg12 : memref<3200xi32, #tpu.memory_space<vmem>>)
      %scan3A_49 = arith.constant 0 : i32
      %scan3A_50 = arith.constant 0 : i32
      %scan3A_51 = arith.constant 200 : i32
      %scan3A_52 = arith.addi %scan3A_50, %scan3A_51 : i32
      %scan3A_53 = arith.constant 8 : i32
      %scan3A_54 = scf.for %scan3A_249 = %scan3A_50 to %scan3A_52 step %scan3A_53 iter_args(%scan3A_250 = %scan3A_49) -> (i32)  : i32 {
        %mul3A_251 = arith.constant 16 : i32
        %mul3A_252 = arith.muli %scan3A_249, %mul3A_251 : i32
        %get3A_253 = arith.index_cast %mul3A_252 : i32 to index
        %get3A_254 = tpu.vector_load %arg11[%get3A_253] {strides = array<i32>} : memref<3200xi32, #tpu.memory_space<vmem>>, vector<16xi32>,
        %get3A_255 = arith.index_cast %mul3A_252 : i32 to index
        %get3A_256 = tpu.vector_load %arg12[%get3A_255] {strides = array<i32>} : memref<3200xi32, #tpu.memory_space<vmem>>, vector<16xi32>,
        %ge3A = vector.broadcast %mul3A_2 : i32 to vector<16xi32>
        %ge3A_257 = arith.cmpi sge, %get3A_254, %ge3A : vector<16xi32>
        %lt3A_258 = vector.broadcast %add3A_4 : i32 to vector<16xi32>
        %lt3A_259 = arith.cmpi slt, %get3A_254, %lt3A_258 : vector<16xi32>
        %and3A_260 = arith.andi %ge3A_257, %lt3A_259 : vector<16xi1>
        %sub3A_261 = vector.broadcast %mul3A_2 : i32 to vector<16xi32>
        %sub3A_262 = arith.subi %get3A_254, %sub3A_261 : vector<16xi32>
        %and3A_263 = arith.constant 1 : i32
        %and3A_264 = vector.broadcast %and3A_263 : i32 to vector<16xi32>
        %and3A_265 = arith.andi %get3A_256, %and3A_264 : vector<16xi32>
        %shift_left3A = arith.constant 12 : i32
        %shift_left3A_266 = vector.broadcast %shift_left3A : i32 to vector<16xi32>
        %shift_left3A_267 = arith.shli %and3A_265, %shift_left3A_266 : vector<16xi32>
        %or3A = arith.ori %sub3A_262, %shift_left3A_267 : vector<16xi32>
        %swap3A = arith.index_cast %scan3A_250 : i32 to index
        %swap3A_268 = tpu.vector_load %arg13[%swap3A] masked %and3A_260 {strides = array<i32>} : memref<3344xi32, #tpu.memory_space<vmem>>, vector<16xi32>, vector<16xi1>
        tpu.vector_store %arg13[%swap3A], %or3A masked %and3A_260 {strides = array<i32>} : memref<3344xi32, #tpu.memory_space<vmem>>, vector<16xi32>, vector<16xi1>
        %shift_right_logical3A = arith.constant 1 : i32
        %shift_right_logical3A_269 = vector.broadcast %shift_right_logical3A : i32 to vector<16xi32>
        %shift_right_logical3A_270 = arith.shrui %get3A_256, %shift_right_logical3A_269 : vector<16xi32>
        %swap3A_271 = arith.index_cast %scan3A_250 : i32 to index
        %swap3A_272 = tpu.vector_load %arg14[%swap3A_271] masked %and3A_260 {strides = array<i32>} : memref<3344xi32, #tpu.memory_space<vmem>>, vector<16xi32>, vector<16xi1>
        tpu.vector_store %arg14[%swap3A_271], %shift_right_logical3A_270 masked %and3A_260 {strides = array<i32>} : memref<3344xi32, #tpu.memory_space<vmem>>, vector<16xi32>, vector<16xi1>
        %all_reduce_population_count3A = tpu.all_reduce %and3A_260 {dim = 0 : i64, kind = #tpu.reduction_kind<sum>} : vector<16xi1> -> vector<16xi32>
        %slice3A_273 = vector.extract_strided_slice %all_reduce_population_count3A {offsets = [0], sizes = [1], strides = [1]} : vector<16xi32> to vector<1xi32>
        %squeeze3A_274 = vector.extract %slice3A_273[0] : i32 from vector<1xi32>
        %add3A_275 = arith.addi %scan3A_250, %squeeze3A_274 : i32
        %scan3A_276 = arith.constant 1 : i32
        %scan3A_277 = arith.addi %scan3A_249, %scan3A_276 : i32
        %mul3A_278 = arith.constant 16 : i32
        %mul3A_279 = arith.muli %scan3A_277, %mul3A_278 : i32
        %get3A_280 = arith.index_cast %mul3A_279 : i32 to index
        %get3A_281 = tpu.vector_load %arg11[%get3A_280] {strides = array<i32>} : memref<3200xi32, #tpu.memory_space<vmem>>, vector<16xi32>,
        %get3A_282 = arith.index_cast %mul3A_279 : i32 to index
        %get3A_283 = tpu.vector_load %arg12[%get3A_282] {strides = array<i32>} : memref<3200xi32, #tpu.memory_space<vmem>>, vector<16xi32>,
        %ge3A_284 = vector.broadcast %mul3A_2 : i32 to vector<16xi32>
        %ge3A_285 = arith.cmpi sge, %get3A_281, %ge3A_284 : vector<16xi32>
        %lt3A_286 = vector.broadcast %add3A_4 : i32 to vector<16xi32>
        %lt3A_287 = arith.cmpi slt, %get3A_281, %lt3A_286 : vector<16xi32>
        %and3A_288 = arith.andi %ge3A_285, %lt3A_287 : vector<16xi1>
        %sub3A_289 = vector.broadcast %mul3A_2 : i32 to vector<16xi32>
        %sub3A_290 = arith.subi %get3A_281, %sub3A_289 : vector<16xi32>
        %and3A_291 = arith.constant 1 : i32
        %and3A_292 = vector.broadcast %and3A_291 : i32 to vector<16xi32>
        %and3A_293 = arith.andi %get3A_283, %and3A_292 : vector<16xi32>
        %shift_left3A_294 = arith.constant 12 : i32
        %shift_left3A_295 = vector.broadcast %shift_left3A_294 : i32 to vector<16xi32>
        %shift_left3A_296 = arith.shli %and3A_293, %shift_left3A_295 : vector<16xi32>
        %or3A_297 = arith.ori %sub3A_290, %shift_left3A_296 : vector<16xi32>
        %swap3A_298 = arith.index_cast %add3A_275 : i32 to index
        %swap3A_299 = tpu.vector_load %arg13[%swap3A_298] masked %and3A_288 {strides = array<i32>} : memref<3344xi32, #tpu.memory_space<vmem>>, vector<16xi32>, vector<16xi1>
        tpu.vector_store %arg13[%swap3A_298], %or3A_297 masked %and3A_288 {strides = array<i32>} : memref<3344xi32, #tpu.memory_space<vmem>>, vector<16xi32>, vector<16xi1>
        %shift_right_logical3A_300 = arith.constant 1 : i32
        %shift_right_logical3A_301 = vector.broadcast %shift_right_logical3A_300 : i32 to vector<16xi32>
        %shift_right_logical3A_302 = arith.shrui %get3A_283, %shift_right_logical3A_301 : vector<16xi32>
        %swap3A_303 = arith.index_cast %add3A_275 : i32 to index
        %swap3A_304 = tpu.vector_load %arg14[%swap3A_303] masked %and3A_288 {strides = array<i32>} : memref<3344xi32, #tpu.memory_space<vmem>>, vector<16xi32>, vector<16xi1>
        tpu.vector_store %arg14[%swap3A_303], %shift_right_logical3A_302 masked %and3A_288 {strides = array<i32>} : memref<3344xi32, #tpu.memory_space<vmem>>, vector<16xi32>, vector<16xi1>
        %all_reduce_population_count3A_305 = tpu.all_reduce %and3A_288 {dim = 0 : i64, kind = #tpu.reduction_kind<sum>} : vector<16xi1> -> vector<16xi32>
        %slice3A_306 = vector.extract_strided_slice %all_reduce_population_count3A_305 {offsets = [0], sizes = [1], strides = [1]} : vector<16xi32> to vector<1xi32>
        %squeeze3A_307 = vector.extract %slice3A_306[0] : i32 from vector<1xi32>
        %add3A_308 = arith.addi %add3A_275, %squeeze3A_307 : i32
        %scan3A_309 = arith.constant 2 : i32
        %scan3A_310 = arith.addi %scan3A_249, %scan3A_309 : i32
        %mul3A_311 = arith.constant 16 : i32
        %mul3A_312 = arith.muli %scan3A_310, %mul3A_311 : i32
        %get3A_313 = arith.index_cast %mul3A_312 : i32 to index
        %get3A_314 = tpu.vector_load %arg11[%get3A_313] {strides = array<i32>} : memref<3200xi32, #tpu.memory_space<vmem>>, vector<16xi32>,
        %get3A_315 = arith.index_cast %mul3A_312 : i32 to index
        %get3A_316 = tpu.vector_load %arg12[%get3A_315] {strides = array<i32>} : memref<3200xi32, #tpu.memory_space<vmem>>, vector<16xi32>,
        %ge3A_317 = vector.broadcast %mul3A_2 : i32 to vector<16xi32>
        %ge3A_318 = arith.cmpi sge, %get3A_314, %ge3A_317 : vector<16xi32>
        %lt3A_319 = vector.broadcast %add3A_4 : i32 to vector<16xi32>
        %lt3A_320 = arith.cmpi slt, %get3A_314, %lt3A_319 : vector<16xi32>
        %and3A_321 = arith.andi %ge3A_318, %lt3A_320 : vector<16xi1>
        %sub3A_322 = vector.broadcast %mul3A_2 : i32 to vector<16xi32>
        %sub3A_323 = arith.subi %get3A_314, %sub3A_322 : vector<16xi32>
        %and3A_324 = arith.constant 1 : i32
        %and3A_325 = vector.broadcast %and3A_324 : i32 to vector<16xi32>
        %and3A_326 = arith.andi %get3A_316, %and3A_325 : vector<16xi32>
        %shift_left3A_327 = arith.constant 12 : i32
        %shift_left3A_328 = vector.broadcast %shift_left3A_327 : i32 to vector<16xi32>
        %shift_left3A_329 = arith.shli %and3A_326, %shift_left3A_328 : vector<16xi32>
        %or3A_330 = arith.ori %sub3A_323, %shift_left3A_329 : vector<16xi32>
        %swap3A_331 = arith.index_cast %add3A_308 : i32 to index
        %swap3A_332 = tpu.vector_load %arg13[%swap3A_331] masked %and3A_321 {strides = array<i32>} : memref<3344xi32, #tpu.memory_space<vmem>>, vector<16xi32>, vector<16xi1>
        tpu.vector_store %arg13[%swap3A_331], %or3A_330 masked %and3A_321 {strides = array<i32>} : memref<3344xi32, #tpu.memory_space<vmem>>, vector<16xi32>, vector<16xi1>
        %shift_right_logical3A_333 = arith.constant 1 : i32
        %shift_right_logical3A_334 = vector.broadcast %shift_right_logical3A_333 : i32 to vector<16xi32>
        %shift_right_logical3A_335 = arith.shrui %get3A_316, %shift_right_logical3A_334 : vector<16xi32>
        %swap3A_336 = arith.index_cast %add3A_308 : i32 to index
        %swap3A_337 = tpu.vector_load %arg14[%swap3A_336] masked %and3A_321 {strides = array<i32>} : memref<3344xi32, #tpu.memory_space<vmem>>, vector<16xi32>, vector<16xi1>
        tpu.vector_store %arg14[%swap3A_336], %shift_right_logical3A_335 masked %and3A_321 {strides = array<i32>} : memref<3344xi32, #tpu.memory_space<vmem>>, vector<16xi32>, vector<16xi1>
        %all_reduce_population_count3A_338 = tpu.all_reduce %and3A_321 {dim = 0 : i64, kind = #tpu.reduction_kind<sum>} : vector<16xi1> -> vector<16xi32>
        %slice3A_339 = vector.extract_strided_slice %all_reduce_population_count3A_338 {offsets = [0], sizes = [1], strides = [1]} : vector<16xi32> to vector<1xi32>
        %squeeze3A_340 = vector.extract %slice3A_339[0] : i32 from vector<1xi32>
        %add3A_341 = arith.addi %add3A_308, %squeeze3A_340 : i32
        %scan3A_342 = arith.constant 3 : i32
        %scan3A_343 = arith.addi %scan3A_249, %scan3A_342 : i32
        %mul3A_344 = arith.constant 16 : i32
        %mul3A_345 = arith.muli %scan3A_343, %mul3A_344 : i32
        %get3A_346 = arith.index_cast %mul3A_345 : i32 to index
        %get3A_347 = tpu.vector_load %arg11[%get3A_346] {strides = array<i32>} : memref<3200xi32, #tpu.memory_space<vmem>>, vector<16xi32>,
        %get3A_348 = arith.index_cast %mul3A_345 : i32 to index
        %get3A_349 = tpu.vector_load %arg12[%get3A_348] {strides = array<i32>} : memref<3200xi32, #tpu.memory_space<vmem>>, vector<16xi32>,
        %ge3A_350 = vector.broadcast %mul3A_2 : i32 to vector<16xi32>
        %ge3A_351 = arith.cmpi sge, %get3A_347, %ge3A_350 : vector<16xi32>
        %lt3A_352 = vector.broadcast %add3A_4 : i32 to vector<16xi32>
        %lt3A_353 = arith.cmpi slt, %get3A_347, %lt3A_352 : vector<16xi32>
        %and3A_354 = arith.andi %ge3A_351, %lt3A_353 : vector<16xi1>
        %sub3A_355 = vector.broadcast %mul3A_2 : i32 to vector<16xi32>
        %sub3A_356 = arith.subi %get3A_347, %sub3A_355 : vector<16xi32>
        %and3A_357 = arith.constant 1 : i32
        %and3A_358 = vector.broadcast %and3A_357 : i32 to vector<16xi32>
        %and3A_359 = arith.andi %get3A_349, %and3A_358 : vector<16xi32>
        %shift_left3A_360 = arith.constant 12 : i32
        %shift_left3A_361 = vector.broadcast %shift_left3A_360 : i32 to vector<16xi32>
        %shift_left3A_362 = arith.shli %and3A_359, %shift_left3A_361 : vector<16xi32>
        %or3A_363 = arith.ori %sub3A_356, %shift_left3A_362 : vector<16xi32>
        %swap3A_364 = arith.index_cast %add3A_341 : i32 to index
        %swap3A_365 = tpu.vector_load %arg13[%swap3A_364] masked %and3A_354 {strides = array<i32>} : memref<3344xi32, #tpu.memory_space<vmem>>, vector<16xi32>, vector<16xi1>
        tpu.vector_store %arg13[%swap3A_364], %or3A_363 masked %and3A_354 {strides = array<i32>} : memref<3344xi32, #tpu.memory_space<vmem>>, vector<16xi32>, vector<16xi1>
        %shift_right_logical3A_366 = arith.constant 1 : i32
        %shift_right_logical3A_367 = vector.broadcast %shift_right_logical3A_366 : i32 to vector<16xi32>
        %shift_right_logical3A_368 = arith.shrui %get3A_349, %shift_right_logical3A_367 : vector<16xi32>
        %swap3A_369 = arith.index_cast %add3A_341 : i32 to index
        %swap3A_370 = tpu.vector_load %arg14[%swap3A_369] masked %and3A_354 {strides = array<i32>} : memref<3344xi32, #tpu.memory_space<vmem>>, vector<16xi32>, vector<16xi1>
        tpu.vector_store %arg14[%swap3A_369], %shift_right_logical3A_368 masked %and3A_354 {strides = array<i32>} : memref<3344xi32, #tpu.memory_space<vmem>>, vector<16xi32>, vector<16xi1>
        %all_reduce_population_count3A_371 = tpu.all_reduce %and3A_354 {dim = 0 : i64, kind = #tpu.reduction_kind<sum>} : vector<16xi1> -> vector<16xi32>
        %slice3A_372 = vector.extract_strided_slice %all_reduce_population_count3A_371 {offsets = [0], sizes = [1], strides = [1]} : vector<16xi32> to vector<1xi32>
        %squeeze3A_373 = vector.extract %slice3A_372[0] : i32 from vector<1xi32>
        %add3A_374 = arith.addi %add3A_341, %squeeze3A_373 : i32
        %scan3A_375 = arith.constant 4 : i32
        %scan3A_376 = arith.addi %scan3A_249, %scan3A_375 : i32
        %mul3A_377 = arith.constant 16 : i32
        %mul3A_378 = arith.muli %scan3A_376, %mul3A_377 : i32
        %get3A_379 = arith.index_cast %mul3A_378 : i32 to index
        %get3A_380 = tpu.vector_load %arg11[%get3A_379] {strides = array<i32>} : memref<3200xi32, #tpu.memory_space<vmem>>, vector<16xi32>,
        %get3A_381 = arith.index_cast %mul3A_378 : i32 to index
        %get3A_382 = tpu.vector_load %arg12[%get3A_381] {strides = array<i32>} : memref<3200xi32, #tpu.memory_space<vmem>>, vector<16xi32>,
        %ge3A_383 = vector.broadcast %mul3A_2 : i32 to vector<16xi32>
        %ge3A_384 = arith.cmpi sge, %get3A_380, %ge3A_383 : vector<16xi32>
        %lt3A_385 = vector.broadcast %add3A_4 : i32 to vector<16xi32>
        %lt3A_386 = arith.cmpi slt, %get3A_380, %lt3A_385 : vector<16xi32>
        %and3A_387 = arith.andi %ge3A_384, %lt3A_386 : vector<16xi1>
        %sub3A_388 = vector.broadcast %mul3A_2 : i32 to vector<16xi32>
        %sub3A_389 = arith.subi %get3A_380, %sub3A_388 : vector<16xi32>
        %and3A_390 = arith.constant 1 : i32
        %and3A_391 = vector.broadcast %and3A_390 : i32 to vector<16xi32>
        %and3A_392 = arith.andi %get3A_382, %and3A_391 : vector<16xi32>
        %shift_left3A_393 = arith.constant 12 : i32
        %shift_left3A_394 = vector.broadcast %shift_left3A_393 : i32 to vector<16xi32>
        %shift_left3A_395 = arith.shli %and3A_392, %shift_left3A_394 : vector<16xi32>
        %or3A_396 = arith.ori %sub3A_389, %shift_left3A_395 : vector<16xi32>
        %swap3A_397 = arith.index_cast %add3A_374 : i32 to index
        %swap3A_398 = tpu.vector_load %arg13[%swap3A_397] masked %and3A_387 {strides = array<i32>} : memref<3344xi32, #tpu.memory_space<vmem>>, vector<16xi32>, vector<16xi1>
        tpu.vector_store %arg13[%swap3A_397], %or3A_396 masked %and3A_387 {strides = array<i32>} : memref<3344xi32, #tpu.memory_space<vmem>>, vector<16xi32>, vector<16xi1>
        %shift_right_logical3A_399 = arith.constant 1 : i32
        %shift_right_logical3A_400 = vector.broadcast %shift_right_logical3A_399 : i32 to vector<16xi32>
        %shift_right_logical3A_401 = arith.shrui %get3A_382, %shift_right_logical3A_400 : vector<16xi32>
        %swap3A_402 = arith.index_cast %add3A_374 : i32 to index
        %swap3A_403 = tpu.vector_load %arg14[%swap3A_402] masked %and3A_387 {strides = array<i32>} : memref<3344xi32, #tpu.memory_space<vmem>>, vector<16xi32>, vector<16xi1>
        tpu.vector_store %arg14[%swap3A_402], %shift_right_logical3A_401 masked %and3A_387 {strides = array<i32>} : memref<3344xi32, #tpu.memory_space<vmem>>, vector<16xi32>, vector<16xi1>
        %all_reduce_population_count3A_404 = tpu.all_reduce %and3A_387 {dim = 0 : i64, kind = #tpu.reduction_kind<sum>} : vector<16xi1> -> vector<16xi32>
        %slice3A_405 = vector.extract_strided_slice %all_reduce_population_count3A_404 {offsets = [0], sizes = [1], strides = [1]} : vector<16xi32> to vector<1xi32>
        %squeeze3A_406 = vector.extract %slice3A_405[0] : i32 from vector<1xi32>
        %add3A_407 = arith.addi %add3A_374, %squeeze3A_406 : i32
        %scan3A_408 = arith.constant 5 : i32
        %scan3A_409 = arith.addi %scan3A_249, %scan3A_408 : i32
        %mul3A_410 = arith.constant 16 : i32
        %mul3A_411 = arith.muli %scan3A_409, %mul3A_410 : i32
        %get3A_412 = arith.index_cast %mul3A_411 : i32 to index
        %get3A_413 = tpu.vector_load %arg11[%get3A_412] {strides = array<i32>} : memref<3200xi32, #tpu.memory_space<vmem>>, vector<16xi32>,
        %get3A_414 = arith.index_cast %mul3A_411 : i32 to index
        %get3A_415 = tpu.vector_load %arg12[%get3A_414] {strides = array<i32>} : memref<3200xi32, #tpu.memory_space<vmem>>, vector<16xi32>,
        %ge3A_416 = vector.broadcast %mul3A_2 : i32 to vector<16xi32>
        %ge3A_417 = arith.cmpi sge, %get3A_413, %ge3A_416 : vector<16xi32>
        %lt3A_418 = vector.broadcast %add3A_4 : i32 to vector<16xi32>
        %lt3A_419 = arith.cmpi slt, %get3A_413, %lt3A_418 : vector<16xi32>
        %and3A_420 = arith.andi %ge3A_417, %lt3A_419 : vector<16xi1>
        %sub3A_421 = vector.broadcast %mul3A_2 : i32 to vector<16xi32>
        %sub3A_422 = arith.subi %get3A_413, %sub3A_421 : vector<16xi32>
        %and3A_423 = arith.constant 1 : i32
        %and3A_424 = vector.broadcast %and3A_423 : i32 to vector<16xi32>
        %and3A_425 = arith.andi %get3A_415, %and3A_424 : vector<16xi32>
        %shift_left3A_426 = arith.constant 12 : i32
        %shift_left3A_427 = vector.broadcast %shift_left3A_426 : i32 to vector<16xi32>
        %shift_left3A_428 = arith.shli %and3A_425, %shift_left3A_427 : vector<16xi32>
        %or3A_429 = arith.ori %sub3A_422, %shift_left3A_428 : vector<16xi32>
        %swap3A_430 = arith.index_cast %add3A_407 : i32 to index
        %swap3A_431 = tpu.vector_load %arg13[%swap3A_430] masked %and3A_420 {strides = array<i32>} : memref<3344xi32, #tpu.memory_space<vmem>>, vector<16xi32>, vector<16xi1>
        tpu.vector_store %arg13[%swap3A_430], %or3A_429 masked %and3A_420 {strides = array<i32>} : memref<3344xi32, #tpu.memory_space<vmem>>, vector<16xi32>, vector<16xi1>
        %shift_right_logical3A_432 = arith.constant 1 : i32
        %shift_right_logical3A_433 = vector.broadcast %shift_right_logical3A_432 : i32 to vector<16xi32>
        %shift_right_logical3A_434 = arith.shrui %get3A_415, %shift_right_logical3A_433 : vector<16xi32>
        %swap3A_435 = arith.index_cast %add3A_407 : i32 to index
        %swap3A_436 = tpu.vector_load %arg14[%swap3A_435] masked %and3A_420 {strides = array<i32>} : memref<3344xi32, #tpu.memory_space<vmem>>, vector<16xi32>, vector<16xi1>
        tpu.vector_store %arg14[%swap3A_435], %shift_right_logical3A_434 masked %and3A_420 {strides = array<i32>} : memref<3344xi32, #tpu.memory_space<vmem>>, vector<16xi32>, vector<16xi1>
        %all_reduce_population_count3A_437 = tpu.all_reduce %and3A_420 {dim = 0 : i64, kind = #tpu.reduction_kind<sum>} : vector<16xi1> -> vector<16xi32>
        %slice3A_438 = vector.extract_strided_slice %all_reduce_population_count3A_437 {offsets = [0], sizes = [1], strides = [1]} : vector<16xi32> to vector<1xi32>
        %squeeze3A_439 = vector.extract %slice3A_438[0] : i32 from vector<1xi32>
        %add3A_440 = arith.addi %add3A_407, %squeeze3A_439 : i32
        %scan3A_441 = arith.constant 6 : i32
        %scan3A_442 = arith.addi %scan3A_249, %scan3A_441 : i32
        %mul3A_443 = arith.constant 16 : i32
        %mul3A_444 = arith.muli %scan3A_442, %mul3A_443 : i32
        %get3A_445 = arith.index_cast %mul3A_444 : i32 to index
        %get3A_446 = tpu.vector_load %arg11[%get3A_445] {strides = array<i32>} : memref<3200xi32, #tpu.memory_space<vmem>>, vector<16xi32>,
        %get3A_447 = arith.index_cast %mul3A_444 : i32 to index
        %get3A_448 = tpu.vector_load %arg12[%get3A_447] {strides = array<i32>} : memref<3200xi32, #tpu.memory_space<vmem>>, vector<16xi32>,
        %ge3A_449 = vector.broadcast %mul3A_2 : i32 to vector<16xi32>
        %ge3A_450 = arith.cmpi sge, %get3A_446, %ge3A_449 : vector<16xi32>
        %lt3A_451 = vector.broadcast %add3A_4 : i32 to vector<16xi32>
        %lt3A_452 = arith.cmpi slt, %get3A_446, %lt3A_451 : vector<16xi32>
        %and3A_453 = arith.andi %ge3A_450, %lt3A_452 : vector<16xi1>
        %sub3A_454 = vector.broadcast %mul3A_2 : i32 to vector<16xi32>
        %sub3A_455 = arith.subi %get3A_446, %sub3A_454 : vector<16xi32>
        %and3A_456 = arith.constant 1 : i32
        %and3A_457 = vector.broadcast %and3A_456 : i32 to vector<16xi32>
        %and3A_458 = arith.andi %get3A_448, %and3A_457 : vector<16xi32>
        %shift_left3A_459 = arith.constant 12 : i32
        %shift_left3A_460 = vector.broadcast %shift_left3A_459 : i32 to vector<16xi32>
        %shift_left3A_461 = arith.shli %and3A_458, %shift_left3A_460 : vector<16xi32>
        %or3A_462 = arith.ori %sub3A_455, %shift_left3A_461 : vector<16xi32>
        %swap3A_463 = arith.index_cast %add3A_440 : i32 to index
        %swap3A_464 = tpu.vector_load %arg13[%swap3A_463] masked %and3A_453 {strides = array<i32>} : memref<3344xi32, #tpu.memory_space<vmem>>, vector<16xi32>, vector<16xi1>
        tpu.vector_store %arg13[%swap3A_463], %or3A_462 masked %and3A_453 {strides = array<i32>} : memref<3344xi32, #tpu.memory_space<vmem>>, vector<16xi32>, vector<16xi1>
        %shift_right_logical3A_465 = arith.constant 1 : i32
        %shift_right_logical3A_466 = vector.broadcast %shift_right_logical3A_465 : i32 to vector<16xi32>
        %shift_right_logical3A_467 = arith.shrui %get3A_448, %shift_right_logical3A_466 : vector<16xi32>
        %swap3A_468 = arith.index_cast %add3A_440 : i32 to index
        %swap3A_469 = tpu.vector_load %arg14[%swap3A_468] masked %and3A_453 {strides = array<i32>} : memref<3344xi32, #tpu.memory_space<vmem>>, vector<16xi32>, vector<16xi1>
        tpu.vector_store %arg14[%swap3A_468], %shift_right_logical3A_467 masked %and3A_453 {strides = array<i32>} : memref<3344xi32, #tpu.memory_space<vmem>>, vector<16xi32>, vector<16xi1>
        %all_reduce_population_count3A_470 = tpu.all_reduce %and3A_453 {dim = 0 : i64, kind = #tpu.reduction_kind<sum>} : vector<16xi1> -> vector<16xi32>
        %slice3A_471 = vector.extract_strided_slice %all_reduce_population_count3A_470 {offsets = [0], sizes = [1], strides = [1]} : vector<16xi32> to vector<1xi32>
        %squeeze3A_472 = vector.extract %slice3A_471[0] : i32 from vector<1xi32>
        %add3A_473 = arith.addi %add3A_440, %squeeze3A_472 : i32
        %scan3A_474 = arith.constant 7 : i32
        %scan3A_475 = arith.addi %scan3A_249, %scan3A_474 : i32
        %mul3A_476 = arith.constant 16 : i32
        %mul3A_477 = arith.muli %scan3A_475, %mul3A_476 : i32
        %get3A_478 = arith.index_cast %mul3A_477 : i32 to index
        %get3A_479 = tpu.vector_load %arg11[%get3A_478] {strides = array<i32>} : memref<3200xi32, #tpu.memory_space<vmem>>, vector<16xi32>,
        %get3A_480 = arith.index_cast %mul3A_477 : i32 to index
        %get3A_481 = tpu.vector_load %arg12[%get3A_480] {strides = array<i32>} : memref<3200xi32, #tpu.memory_space<vmem>>, vector<16xi32>,
        %ge3A_482 = vector.broadcast %mul3A_2 : i32 to vector<16xi32>
        %ge3A_483 = arith.cmpi sge, %get3A_479, %ge3A_482 : vector<16xi32>
        %lt3A_484 = vector.broadcast %add3A_4 : i32 to vector<16xi32>
        %lt3A_485 = arith.cmpi slt, %get3A_479, %lt3A_484 : vector<16xi32>
        %and3A_486 = arith.andi %ge3A_483, %lt3A_485 : vector<16xi1>
        %sub3A_487 = vector.broadcast %mul3A_2 : i32 to vector<16xi32>
        %sub3A_488 = arith.subi %get3A_479, %sub3A_487 : vector<16xi32>
        %and3A_489 = arith.constant 1 : i32
        %and3A_490 = vector.broadcast %and3A_489 : i32 to vector<16xi32>
        %and3A_491 = arith.andi %get3A_481, %and3A_490 : vector<16xi32>
        %shift_left3A_492 = arith.constant 12 : i32
        %shift_left3A_493 = vector.broadcast %shift_left3A_492 : i32 to vector<16xi32>
        %shift_left3A_494 = arith.shli %and3A_491, %shift_left3A_493 : vector<16xi32>
        %or3A_495 = arith.ori %sub3A_488, %shift_left3A_494 : vector<16xi32>
        %swap3A_496 = arith.index_cast %add3A_473 : i32 to index
        %swap3A_497 = tpu.vector_load %arg13[%swap3A_496] masked %and3A_486 {strides = array<i32>} : memref<3344xi32, #tpu.memory_space<vmem>>, vector<16xi32>, vector<16xi1>
        tpu.vector_store %arg13[%swap3A_496], %or3A_495 masked %and3A_486 {strides = array<i32>} : memref<3344xi32, #tpu.memory_space<vmem>>, vector<16xi32>, vector<16xi1>
        %shift_right_logical3A_498 = arith.constant 1 : i32
        %shift_right_logical3A_499 = vector.broadcast %shift_right_logical3A_498 : i32 to vector<16xi32>
        %shift_right_logical3A_500 = arith.shrui %get3A_481, %shift_right_logical3A_499 : vector<16xi32>
        %swap3A_501 = arith.index_cast %add3A_473 : i32 to index
        %swap3A_502 = tpu.vector_load %arg14[%swap3A_501] masked %and3A_486 {strides = array<i32>} : memref<3344xi32, #tpu.memory_space<vmem>>, vector<16xi32>, vector<16xi1>
        tpu.vector_store %arg14[%swap3A_501], %shift_right_logical3A_500 masked %and3A_486 {strides = array<i32>} : memref<3344xi32, #tpu.memory_space<vmem>>, vector<16xi32>, vector<16xi1>
        %all_reduce_population_count3A_503 = tpu.all_reduce %and3A_486 {dim = 0 : i64, kind = #tpu.reduction_kind<sum>} : vector<16xi1> -> vector<16xi32>
        %slice3A_504 = vector.extract_strided_slice %all_reduce_population_count3A_503 {offsets = [0], sizes = [1], strides = [1]} : vector<16xi32> to vector<1xi32>
        %squeeze3A_505 = vector.extract %slice3A_504[0] : i32 from vector<1xi32>
        %add3A_506 = arith.addi %add3A_473, %squeeze3A_505 : i32
        scf.yield %add3A_506 : i32
      }
      %scan3A_55 = arith.constant 200 : i32
      %scan3A_56 = arith.constant 0 : i32
      %scan3A_57 = arith.constant 0 : i32
      %scan3A_58 = arith.constant 8 : i32
      %scan3A_59 = arith.addi %scan3A_57, %scan3A_58 : i32
      %scan3A_60 = arith.constant 1 : i32
      %scan3A_61 = scf.for %scan3A_249 = %scan3A_57 to %scan3A_59 step %scan3A_60 iter_args(%scan3A_250 = %scan3A_56) -> (i32)  : i32 {
        %mul3A_251 = arith.constant 16 : i32
        %mul3A_252 = arith.muli %scan3A_249, %mul3A_251 : i32
        %add3A_253 = arith.addi %scan3A_54, %mul3A_252 : i32
        %swap3A = arith.index_cast %add3A_253 : i32 to index
        %swap3A_254 = tpu.vector_load %arg13[%swap3A] {strides = array<i32>} : memref<3344xi32, #tpu.memory_space<vmem>>, vector<16xi32>,
        tpu.vector_store %arg13[%swap3A], %broadcast_in_dim3A_9 {strides = array<i32>} : memref<3344xi32, #tpu.memory_space<vmem>>, vector<16xi32>,
        %mul3A_255 = arith.constant 16 : i32
        %mul3A_256 = arith.muli %scan3A_249, %mul3A_255 : i32
        %add3A_257 = arith.addi %scan3A_54, %mul3A_256 : i32
        %swap3A_258 = arith.index_cast %add3A_257 : i32 to index
        %swap3A_259 = tpu.vector_load %arg14[%swap3A_258] {strides = array<i32>} : memref<3344xi32, #tpu.memory_space<vmem>>, vector<16xi32>,
        tpu.vector_store %arg14[%swap3A_258], %broadcast_in_dim3A_9 {strides = array<i32>} : memref<3344xi32, #tpu.memory_space<vmem>>, vector<16xi32>,
        %scan3A_260 = arith.constant 0 : i32
        scf.yield %scan3A_260 : i32
      }
      %scan3A_62 = arith.constant 8 : i32
      %add3A_63 = arith.constant 1 : i32
      %add3A_64 = arith.addi %scan3A_40, %add3A_63 : i32
      %lt3A = arith.constant 100 : i32
      %lt3A_65 = arith.cmpi slt, %add3A_64, %lt3A : i32
      %convert_element_type3A_66 = arith.extui %lt3A_65 : i1 to i32
      %cond3A_67 = arith.constant 0 : i32
      %cond3A_68 = arith.cmpi ne, %convert_element_type3A_66, %cond3A_67 : i32
      scf.if %cond3A_68 {
        %add3A_249 = arith.constant 1 : i32
        %add3A_250 = arith.addi %scan3A_40, %add3A_249 : i32
        %mul3A_251 = arith.constant 3200 : i32
        %mul3A_252 = arith.muli %add3A_250, %mul3A_251 : i32
        %dma_start3A_253 = tpu.memref_slice %arg5[%mul3A_252] : memref<320000xi32, #tpu.memory_space<hbm>> -> memref<3200xi32, #tpu.memory_space<hbm>>
        %dma_start3A_254 = tpu.memref_slice %arg5[%mul3A_252] : memref<320000xi32, #tpu.memory_space<hbm>> -> memref<3200xi32, #tpu.memory_space<hbm>>
        tpu.enqueue_dma source(%dma_start3A_254 : memref<3200xi32, #tpu.memory_space<hbm>>) target(%arg11 : memref<3200xi32, #tpu.memory_space<vmem>>) target_semaphore(%arg20 : memref<!tpu.dma_semaphore, #tpu.memory_space<semaphore_mem>>)
        %dma_start3A_255 = tpu.memref_slice %arg6[%mul3A_252] : memref<320000xi32, #tpu.memory_space<hbm>> -> memref<3200xi32, #tpu.memory_space<hbm>>
        %dma_start3A_256 = tpu.memref_slice %arg6[%mul3A_252] : memref<320000xi32, #tpu.memory_space<hbm>> -> memref<3200xi32, #tpu.memory_space<hbm>>
        tpu.enqueue_dma source(%dma_start3A_256 : memref<3200xi32, #tpu.memory_space<hbm>>) target(%arg12 : memref<3200xi32, #tpu.memory_space<vmem>>) target_semaphore(%arg20 : memref<!tpu.dma_semaphore, #tpu.memory_space<semaphore_mem>>)
      } else {
      }
      %dma_start3A_69 = arith.constant 0 : i32
      %dma_start3A_70 = arith.constant 0 : i32
      %dma_start3A_71 = tpu.memref_slice %arg16[%dma_start3A_69, %dma_start3A_70] : memref<128x128xi32, #tpu.memory_space<vmem>> -> memref<16x128xi32, #tpu.memory_space<vmem>>
      %dma_start3A_72 = arith.constant 0 : i32
      %dma_start3A_73 = tpu.memref_slice %arg14[%dma_start3A_72] : memref<3344xi32, #tpu.memory_space<vmem>> -> memref<16xi32, #tpu.memory_space<vmem>>
      %dma_start3A_74 = arith.constant 0 : i32
      %dma_start3A_75 = arith.constant 0 : i32
      %dma_start3A_76 = tpu.memref_slice %arg19[%dma_start3A_74, %dma_start3A_75] : memref<5000x128xi32, #tpu.memory_space<vmem_shared>> -> memref<5000x128xi32, #tpu.memory_space<vmem_shared>>
      tpu.enqueue_indirect_dma source(%dma_start3A_76 : memref<5000x128xi32, #tpu.memory_space<vmem_shared>>) target(%dma_start3A_71 : memref<16x128xi32, #tpu.memory_space<vmem>>) offsets(%dma_start3A_73 : memref<16xi32, #tpu.memory_space<vmem>>) semaphore(%arg21 : memref<!tpu.dma_semaphore, #tpu.memory_space<semaphore_mem>>)
      %dma_start3A_77 = arith.constant 16 : i32
      %dma_start3A_78 = arith.constant 0 : i32
      %dma_start3A_79 = tpu.memref_slice %arg16[%dma_start3A_77, %dma_start3A_78] : memref<128x128xi32, #tpu.memory_space<vmem>> -> memref<16x128xi32, #tpu.memory_space<vmem>>
      %dma_start3A_80 = arith.constant 16 : i32
      %dma_start3A_81 = tpu.memref_slice %arg14[%dma_start3A_80] : memref<3344xi32, #tpu.memory_space<vmem>> -> memref<16xi32, #tpu.memory_space<vmem>>
      %dma_start3A_82 = arith.constant 0 : i32
      %dma_start3A_83 = arith.constant 0 : i32
      %dma_start3A_84 = tpu.memref_slice %arg19[%dma_start3A_82, %dma_start3A_83] : memref<5000x128xi32, #tpu.memory_space<vmem_shared>> -> memref<5000x128xi32, #tpu.memory_space<vmem_shared>>
      tpu.enqueue_indirect_dma source(%dma_start3A_84 : memref<5000x128xi32, #tpu.memory_space<vmem_shared>>) target(%dma_start3A_79 : memref<16x128xi32, #tpu.memory_space<vmem>>) offsets(%dma_start3A_81 : memref<16xi32, #tpu.memory_space<vmem>>) semaphore(%arg21 : memref<!tpu.dma_semaphore, #tpu.memory_space<semaphore_mem>>)
      %dma_start3A_85 = arith.constant 32 : i32
      %dma_start3A_86 = arith.constant 0 : i32
      %dma_start3A_87 = tpu.memref_slice %arg16[%dma_start3A_85, %dma_start3A_86] : memref<128x128xi32, #tpu.memory_space<vmem>> -> memref<16x128xi32, #tpu.memory_space<vmem>>
      %dma_start3A_88 = arith.constant 32 : i32
      %dma_start3A_89 = tpu.memref_slice %arg14[%dma_start3A_88] : memref<3344xi32, #tpu.memory_space<vmem>> -> memref<16xi32, #tpu.memory_space<vmem>>
      %dma_start3A_90 = arith.constant 0 : i32
      %dma_start3A_91 = arith.constant 0 : i32
      %dma_start3A_92 = tpu.memref_slice %arg19[%dma_start3A_90, %dma_start3A_91] : memref<5000x128xi32, #tpu.memory_space<vmem_shared>> -> memref<5000x128xi32, #tpu.memory_space<vmem_shared>>
      tpu.enqueue_indirect_dma source(%dma_start3A_92 : memref<5000x128xi32, #tpu.memory_space<vmem_shared>>) target(%dma_start3A_87 : memref<16x128xi32, #tpu.memory_space<vmem>>) offsets(%dma_start3A_89 : memref<16xi32, #tpu.memory_space<vmem>>) semaphore(%arg21 : memref<!tpu.dma_semaphore, #tpu.memory_space<semaphore_mem>>)
      %dma_start3A_93 = arith.constant 48 : i32
      %dma_start3A_94 = arith.constant 0 : i32
      %dma_start3A_95 = tpu.memref_slice %arg16[%dma_start3A_93, %dma_start3A_94] : memref<128x128xi32, #tpu.memory_space<vmem>> -> memref<16x128xi32, #tpu.memory_space<vmem>>
      %dma_start3A_96 = arith.constant 48 : i32
      %dma_start3A_97 = tpu.memref_slice %arg14[%dma_start3A_96] : memref<3344xi32, #tpu.memory_space<vmem>> -> memref<16xi32, #tpu.memory_space<vmem>>
      %dma_start3A_98 = arith.constant 0 : i32
      %dma_start3A_99 = arith.constant 0 : i32
      %dma_start3A_100 = tpu.memref_slice %arg19[%dma_start3A_98, %dma_start3A_99] : memref<5000x128xi32, #tpu.memory_space<vmem_shared>> -> memref<5000x128xi32, #tpu.memory_space<vmem_shared>>
      tpu.enqueue_indirect_dma source(%dma_start3A_100 : memref<5000x128xi32, #tpu.memory_space<vmem_shared>>) target(%dma_start3A_95 : memref<16x128xi32, #tpu.memory_space<vmem>>) offsets(%dma_start3A_97 : memref<16xi32, #tpu.memory_space<vmem>>) semaphore(%arg21 : memref<!tpu.dma_semaphore, #tpu.memory_space<semaphore_mem>>)
      %dma_start3A_101 = arith.constant 64 : i32
      %dma_start3A_102 = arith.constant 0 : i32
      %dma_start3A_103 = tpu.memref_slice %arg16[%dma_start3A_101, %dma_start3A_102] : memref<128x128xi32, #tpu.memory_space<vmem>> -> memref<16x128xi32, #tpu.memory_space<vmem>>
      %dma_start3A_104 = arith.constant 64 : i32
      %dma_start3A_105 = tpu.memref_slice %arg14[%dma_start3A_104] : memref<3344xi32, #tpu.memory_space<vmem>> -> memref<16xi32, #tpu.memory_space<vmem>>
      %dma_start3A_106 = arith.constant 0 : i32
      %dma_start3A_107 = arith.constant 0 : i32
      %dma_start3A_108 = tpu.memref_slice %arg19[%dma_start3A_106, %dma_start3A_107] : memref<5000x128xi32, #tpu.memory_space<vmem_shared>> -> memref<5000x128xi32, #tpu.memory_space<vmem_shared>>
      tpu.enqueue_indirect_dma source(%dma_start3A_108 : memref<5000x128xi32, #tpu.memory_space<vmem_shared>>) target(%dma_start3A_103 : memref<16x128xi32, #tpu.memory_space<vmem>>) offsets(%dma_start3A_105 : memref<16xi32, #tpu.memory_space<vmem>>) semaphore(%arg21 : memref<!tpu.dma_semaphore, #tpu.memory_space<semaphore_mem>>)
      %dma_start3A_109 = arith.constant 80 : i32
      %dma_start3A_110 = arith.constant 0 : i32
      %dma_start3A_111 = tpu.memref_slice %arg16[%dma_start3A_109, %dma_start3A_110] : memref<128x128xi32, #tpu.memory_space<vmem>> -> memref<16x128xi32, #tpu.memory_space<vmem>>
      %dma_start3A_112 = arith.constant 80 : i32
      %dma_start3A_113 = tpu.memref_slice %arg14[%dma_start3A_112] : memref<3344xi32, #tpu.memory_space<vmem>> -> memref<16xi32, #tpu.memory_space<vmem>>
      %dma_start3A_114 = arith.constant 0 : i32
      %dma_start3A_115 = arith.constant 0 : i32
      %dma_start3A_116 = tpu.memref_slice %arg19[%dma_start3A_114, %dma_start3A_115] : memref<5000x128xi32, #tpu.memory_space<vmem_shared>> -> memref<5000x128xi32, #tpu.memory_space<vmem_shared>>
      tpu.enqueue_indirect_dma source(%dma_start3A_116 : memref<5000x128xi32, #tpu.memory_space<vmem_shared>>) target(%dma_start3A_111 : memref<16x128xi32, #tpu.memory_space<vmem>>) offsets(%dma_start3A_113 : memref<16xi32, #tpu.memory_space<vmem>>) semaphore(%arg21 : memref<!tpu.dma_semaphore, #tpu.memory_space<semaphore_mem>>)
      %dma_start3A_117 = arith.constant 96 : i32
      %dma_start3A_118 = arith.constant 0 : i32
      %dma_start3A_119 = tpu.memref_slice %arg16[%dma_start3A_117, %dma_start3A_118] : memref<128x128xi32, #tpu.memory_space<vmem>> -> memref<16x128xi32, #tpu.memory_space<vmem>>
      %dma_start3A_120 = arith.constant 96 : i32
      %dma_start3A_121 = tpu.memref_slice %arg14[%dma_start3A_120] : memref<3344xi32, #tpu.memory_space<vmem>> -> memref<16xi32, #tpu.memory_space<vmem>>
      %dma_start3A_122 = arith.constant 0 : i32
      %dma_start3A_123 = arith.constant 0 : i32
      %dma_start3A_124 = tpu.memref_slice %arg19[%dma_start3A_122, %dma_start3A_123] : memref<5000x128xi32, #tpu.memory_space<vmem_shared>> -> memref<5000x128xi32, #tpu.memory_space<vmem_shared>>
      tpu.enqueue_indirect_dma source(%dma_start3A_124 : memref<5000x128xi32, #tpu.memory_space<vmem_shared>>) target(%dma_start3A_119 : memref<16x128xi32, #tpu.memory_space<vmem>>) offsets(%dma_start3A_121 : memref<16xi32, #tpu.memory_space<vmem>>) semaphore(%arg21 : memref<!tpu.dma_semaphore, #tpu.memory_space<semaphore_mem>>)
      %dma_start3A_125 = arith.constant 112 : i32
      %dma_start3A_126 = arith.constant 0 : i32
      %dma_start3A_127 = tpu.memref_slice %arg16[%dma_start3A_125, %dma_start3A_126] : memref<128x128xi32, #tpu.memory_space<vmem>> -> memref<16x128xi32, #tpu.memory_space<vmem>>
      %dma_start3A_128 = arith.constant 112 : i32
      %dma_start3A_129 = tpu.memref_slice %arg14[%dma_start3A_128] : memref<3344xi32, #tpu.memory_space<vmem>> -> memref<16xi32, #tpu.memory_space<vmem>>
      %dma_start3A_130 = arith.constant 0 : i32
      %dma_start3A_131 = arith.constant 0 : i32
      %dma_start3A_132 = tpu.memref_slice %arg19[%dma_start3A_130, %dma_start3A_131] : memref<5000x128xi32, #tpu.memory_space<vmem_shared>> -> memref<5000x128xi32, #tpu.memory_space<vmem_shared>>
      tpu.enqueue_indirect_dma source(%dma_start3A_132 : memref<5000x128xi32, #tpu.memory_space<vmem_shared>>) target(%dma_start3A_127 : memref<16x128xi32, #tpu.memory_space<vmem>>) offsets(%dma_start3A_129 : memref<16xi32, #tpu.memory_space<vmem>>) semaphore(%arg21 : memref<!tpu.dma_semaphore, #tpu.memory_space<semaphore_mem>>)
      %scan3A_133 = arith.constant 0 : i32
      %scan3A_134 = arith.constant 0 : i32
      %scan3A_135 = arith.constant 8 : i32
      %scan3A_136 = arith.addi %scan3A_134, %scan3A_135 : i32
      %scan3A_137 = arith.constant 4 : i32
      %scan3A_138 = scf.for %scan3A_249 = %scan3A_134 to %scan3A_136 step %scan3A_137 iter_args(%scan3A_250 = %scan3A_133) -> (i32)  : i32 {
        %mul3A_251 = arith.constant 16 : i32
        %mul3A_252 = arith.muli %scan3A_249, %mul3A_251 : i32
        %add3A_253 = arith.constant 0 : i32
        %add3A_254 = arith.addi %add3A_253, %mul3A_252 : i32
        %get3A_255 = arith.index_cast %add3A_254 : i32 to index
        %get3A_256 = tpu.vector_load %arg13[%get3A_255] {strides = array<i32>} : memref<3344xi32, #tpu.memory_space<vmem>>, vector<16xi32>,
        %and3A_257 = arith.constant 4095 : i32
        %and3A_258 = vector.broadcast %and3A_257 : i32 to vector<16xi32>
        %and3A_259 = arith.andi %get3A_256, %and3A_258 : vector<16xi32>
        %get3A_260 = arith.index_cast %add3A_254 : i32 to index
        %get3A_261 = tpu.vector_load %arg14[%get3A_260] {strides = array<i32>} : memref<3344xi32, #tpu.memory_space<vmem>>, vector<16xi32>,
        %shift_left3A = arith.constant 1 : i32
        %shift_left3A_262 = vector.broadcast %shift_left3A : i32 to vector<16xi32>
        %shift_left3A_263 = arith.shli %get3A_261, %shift_left3A_262 : vector<16xi32>
        %shift_right_logical3A = arith.constant 12 : i32
        %shift_right_logical3A_264 = vector.broadcast %shift_right_logical3A : i32 to vector<16xi32>
        %shift_right_logical3A_265 = arith.shrui %get3A_256, %shift_right_logical3A_264 : vector<16xi32>
        %and3A_266 = arith.constant 1 : i32
        %and3A_267 = vector.broadcast %and3A_266 : i32 to vector<16xi32>
        %and3A_268 = arith.andi %shift_right_logical3A_265, %and3A_267 : vector<16xi32>
        %or3A = arith.ori %shift_left3A_263, %and3A_268 : vector<16xi32>
        %gather3A = tpu.vector_load_idx %arg9[%and3A_259] : memref<320xf32, #tpu.memory_space<vmem>>[vector<16xi32>], vector<16xf32>,
        %gather3A_269 = tpu.vector_load_idx %arg10[%or3A] : memref<10240xf32, #tpu.memory_space<vmem>>[vector<16xi32>], vector<16xf32>,
        %add3A_270 = arith.addf %gather3A, %gather3A_269 : vector<16xf32>
        %ge3A = arith.constant 0.000000e+00 : f32
        %ge3A_271 = vector.broadcast %ge3A : f32 to vector<16xf32>
        %ge3A_272 = arith.cmpf oge, %add3A_270, %ge3A_271 : vector<16xf32>
        %mul3A_273 = arith.constant 0.00999999977 : f32
        %mul3A_274 = vector.broadcast %mul3A_273 : f32 to vector<16xf32>
        %mul3A_275 = arith.mulf %mul3A_274, %add3A_270 : vector<16xf32>
        %select_n3A_276 = arith.select %ge3A_272, %add3A_270, %mul3A_275 : vector<16xi1>, vector<16xf32>
        %max3A = arith.constant -2.000000e+00 : f32
        %max3A_277 = vector.broadcast %max3A : f32 to vector<16xf32>
        %max3A_278 = arith.maximumf %select_n3A_276, %max3A_277 : vector<16xf32>
        %min3A_279 = arith.constant 2.000000e+00 : f32
        %min3A_280 = vector.broadcast %min3A_279 : f32 to vector<16xf32>
        %min3A_281 = arith.minimumf %max3A_278, %min3A_280 : vector<16xf32>
        %mul3A_282 = arith.constant 16 : i32
        %mul3A_283 = arith.muli %scan3A_249, %mul3A_282 : i32
        %add3A_284 = arith.constant 0 : i32
        %add3A_285 = arith.addi %add3A_284, %mul3A_283 : i32
        %iota3A_286 = tpu.iota {dimensions = array<i32: 0>} : vector<16xi32>
        %add3A_287 = vector.broadcast %add3A_285 : i32 to vector<16xi32>
        %add3A_288 = arith.addi %add3A_287, %iota3A_286 : vector<16xi32>
        %lt3A_289 = vector.broadcast %scan3A_54 : i32 to vector<16xi32>
        %lt3A_290 = arith.cmpi slt, %add3A_288, %lt3A_289 : vector<16xi32>
        %exp3A = math.exp %min3A_281 : vector<16xf32>
        %jit3A_291 = arith.constant 0.000000e+00 : f32
        %broadcast_in_dim3A_292 = vector.broadcast %jit3A_291 : f32 to vector<16xf32>
        %select_n3A_293 = arith.select %lt3A_290, %exp3A, %broadcast_in_dim3A_292 : vector<16xi1>, vector<16xf32>
        %mul3A_294 = arith.constant 16 : i32
        %mul3A_295 = arith.muli %scan3A_249, %mul3A_294 : i32
        %swap3A = arith.index_cast %mul3A_295 : i32 to index
        %swap3A_296 = tpu.vector_load %arg15[%swap3A] {strides = array<i32>} : memref<144xf32, #tpu.memory_space<vmem>>, vector<16xf32>,
        tpu.vector_store %arg15[%swap3A], %select_n3A_293 {strides = array<i32>} : memref<144xf32, #tpu.memory_space<vmem>>, vector<16xf32>,
        %scan3A_297 = arith.constant 0 : i32
        %scan3A_298 = arith.constant 1 : i32
        %scan3A_299 = arith.addi %scan3A_249, %scan3A_298 : i32
        %mul3A_300 = arith.constant 16 : i32
        %mul3A_301 = arith.muli %scan3A_299, %mul3A_300 : i32
        %add3A_302 = arith.constant 0 : i32
        %add3A_303 = arith.addi %add3A_302, %mul3A_301 : i32
        %get3A_304 = arith.index_cast %add3A_303 : i32 to index
        %get3A_305 = tpu.vector_load %arg13[%get3A_304] {strides = array<i32>} : memref<3344xi32, #tpu.memory_space<vmem>>, vector<16xi32>,
        %and3A_306 = arith.constant 4095 : i32
        %and3A_307 = vector.broadcast %and3A_306 : i32 to vector<16xi32>
        %and3A_308 = arith.andi %get3A_305, %and3A_307 : vector<16xi32>
        %get3A_309 = arith.index_cast %add3A_303 : i32 to index
        %get3A_310 = tpu.vector_load %arg14[%get3A_309] {strides = array<i32>} : memref<3344xi32, #tpu.memory_space<vmem>>, vector<16xi32>,
        %shift_left3A_311 = arith.constant 1 : i32
        %shift_left3A_312 = vector.broadcast %shift_left3A_311 : i32 to vector<16xi32>
        %shift_left3A_313 = arith.shli %get3A_310, %shift_left3A_312 : vector<16xi32>
        %shift_right_logical3A_314 = arith.constant 12 : i32
        %shift_right_logical3A_315 = vector.broadcast %shift_right_logical3A_314 : i32 to vector<16xi32>
        %shift_right_logical3A_316 = arith.shrui %get3A_305, %shift_right_logical3A_315 : vector<16xi32>
        %and3A_317 = arith.constant 1 : i32
        %and3A_318 = vector.broadcast %and3A_317 : i32 to vector<16xi32>
        %and3A_319 = arith.andi %shift_right_logical3A_316, %and3A_318 : vector<16xi32>
        %or3A_320 = arith.ori %shift_left3A_313, %and3A_319 : vector<16xi32>
        %gather3A_321 = tpu.vector_load_idx %arg9[%and3A_308] : memref<320xf32, #tpu.memory_space<vmem>>[vector<16xi32>], vector<16xf32>,
        %gather3A_322 = tpu.vector_load_idx %arg10[%or3A_320] : memref<10240xf32, #tpu.memory_space<vmem>>[vector<16xi32>], vector<16xf32>,
        %add3A_323 = arith.addf %gather3A_321, %gather3A_322 : vector<16xf32>
        %ge3A_324 = arith.constant 0.000000e+00 : f32
        %ge3A_325 = vector.broadcast %ge3A_324 : f32 to vector<16xf32>
        %ge3A_326 = arith.cmpf oge, %add3A_323, %ge3A_325 : vector<16xf32>
        %mul3A_327 = arith.constant 0.00999999977 : f32
        %mul3A_328 = vector.broadcast %mul3A_327 : f32 to vector<16xf32>
        %mul3A_329 = arith.mulf %mul3A_328, %add3A_323 : vector<16xf32>
        %select_n3A_330 = arith.select %ge3A_326, %add3A_323, %mul3A_329 : vector<16xi1>, vector<16xf32>
        %max3A_331 = arith.constant -2.000000e+00 : f32
        %max3A_332 = vector.broadcast %max3A_331 : f32 to vector<16xf32>
        %max3A_333 = arith.maximumf %select_n3A_330, %max3A_332 : vector<16xf32>
        %min3A_334 = arith.constant 2.000000e+00 : f32
        %min3A_335 = vector.broadcast %min3A_334 : f32 to vector<16xf32>
        %min3A_336 = arith.minimumf %max3A_333, %min3A_335 : vector<16xf32>
        %mul3A_337 = arith.constant 16 : i32
        %mul3A_338 = arith.muli %scan3A_299, %mul3A_337 : i32
        %add3A_339 = arith.constant 0 : i32
        %add3A_340 = arith.addi %add3A_339, %mul3A_338 : i32
        %iota3A_341 = tpu.iota {dimensions = array<i32: 0>} : vector<16xi32>
        %add3A_342 = vector.broadcast %add3A_340 : i32 to vector<16xi32>
        %add3A_343 = arith.addi %add3A_342, %iota3A_341 : vector<16xi32>
        %lt3A_344 = vector.broadcast %scan3A_54 : i32 to vector<16xi32>
        %lt3A_345 = arith.cmpi slt, %add3A_343, %lt3A_344 : vector<16xi32>
        %exp3A_346 = math.exp %min3A_336 : vector<16xf32>
        %jit3A_347 = arith.constant 0.000000e+00 : f32
        %broadcast_in_dim3A_348 = vector.broadcast %jit3A_347 : f32 to vector<16xf32>
        %select_n3A_349 = arith.select %lt3A_345, %exp3A_346, %broadcast_in_dim3A_348 : vector<16xi1>, vector<16xf32>
        %mul3A_350 = arith.constant 16 : i32
        %mul3A_351 = arith.muli %scan3A_299, %mul3A_350 : i32
        %swap3A_352 = arith.index_cast %mul3A_351 : i32 to index
        %swap3A_353 = tpu.vector_load %arg15[%swap3A_352] {strides = array<i32>} : memref<144xf32, #tpu.memory_space<vmem>>, vector<16xf32>,
        tpu.vector_store %arg15[%swap3A_352], %select_n3A_349 {strides = array<i32>} : memref<144xf32, #tpu.memory_space<vmem>>, vector<16xf32>,
        %scan3A_354 = arith.constant 0 : i32
        %scan3A_355 = arith.constant 2 : i32
        %scan3A_356 = arith.addi %scan3A_249, %scan3A_355 : i32
        %mul3A_357 = arith.constant 16 : i32
        %mul3A_358 = arith.muli %scan3A_356, %mul3A_357 : i32
        %add3A_359 = arith.constant 0 : i32
        %add3A_360 = arith.addi %add3A_359, %mul3A_358 : i32
        %get3A_361 = arith.index_cast %add3A_360 : i32 to index
        %get3A_362 = tpu.vector_load %arg13[%get3A_361] {strides = array<i32>} : memref<3344xi32, #tpu.memory_space<vmem>>, vector<16xi32>,
        %and3A_363 = arith.constant 4095 : i32
        %and3A_364 = vector.broadcast %and3A_363 : i32 to vector<16xi32>
        %and3A_365 = arith.andi %get3A_362, %and3A_364 : vector<16xi32>
        %get3A_366 = arith.index_cast %add3A_360 : i32 to index
        %get3A_367 = tpu.vector_load %arg14[%get3A_366] {strides = array<i32>} : memref<3344xi32, #tpu.memory_space<vmem>>, vector<16xi32>,
        %shift_left3A_368 = arith.constant 1 : i32
        %shift_left3A_369 = vector.broadcast %shift_left3A_368 : i32 to vector<16xi32>
        %shift_left3A_370 = arith.shli %get3A_367, %shift_left3A_369 : vector<16xi32>
        %shift_right_logical3A_371 = arith.constant 12 : i32
        %shift_right_logical3A_372 = vector.broadcast %shift_right_logical3A_371 : i32 to vector<16xi32>
        %shift_right_logical3A_373 = arith.shrui %get3A_362, %shift_right_logical3A_372 : vector<16xi32>
        %and3A_374 = arith.constant 1 : i32
        %and3A_375 = vector.broadcast %and3A_374 : i32 to vector<16xi32>
        %and3A_376 = arith.andi %shift_right_logical3A_373, %and3A_375 : vector<16xi32>
        %or3A_377 = arith.ori %shift_left3A_370, %and3A_376 : vector<16xi32>
        %gather3A_378 = tpu.vector_load_idx %arg9[%and3A_365] : memref<320xf32, #tpu.memory_space<vmem>>[vector<16xi32>], vector<16xf32>,
        %gather3A_379 = tpu.vector_load_idx %arg10[%or3A_377] : memref<10240xf32, #tpu.memory_space<vmem>>[vector<16xi32>], vector<16xf32>,
        %add3A_380 = arith.addf %gather3A_378, %gather3A_379 : vector<16xf32>
        %ge3A_381 = arith.constant 0.000000e+00 : f32
        %ge3A_382 = vector.broadcast %ge3A_381 : f32 to vector<16xf32>
        %ge3A_383 = arith.cmpf oge, %add3A_380, %ge3A_382 : vector<16xf32>
        %mul3A_384 = arith.constant 0.00999999977 : f32
        %mul3A_385 = vector.broadcast %mul3A_384 : f32 to vector<16xf32>
        %mul3A_386 = arith.mulf %mul3A_385, %add3A_380 : vector<16xf32>
        %select_n3A_387 = arith.select %ge3A_383, %add3A_380, %mul3A_386 : vector<16xi1>, vector<16xf32>
        %max3A_388 = arith.constant -2.000000e+00 : f32
        %max3A_389 = vector.broadcast %max3A_388 : f32 to vector<16xf32>
        %max3A_390 = arith.maximumf %select_n3A_387, %max3A_389 : vector<16xf32>
        %min3A_391 = arith.constant 2.000000e+00 : f32
        %min3A_392 = vector.broadcast %min3A_391 : f32 to vector<16xf32>
        %min3A_393 = arith.minimumf %max3A_390, %min3A_392 : vector<16xf32>
        %mul3A_394 = arith.constant 16 : i32
        %mul3A_395 = arith.muli %scan3A_356, %mul3A_394 : i32
        %add3A_396 = arith.constant 0 : i32
        %add3A_397 = arith.addi %add3A_396, %mul3A_395 : i32
        %iota3A_398 = tpu.iota {dimensions = array<i32: 0>} : vector<16xi32>
        %add3A_399 = vector.broadcast %add3A_397 : i32 to vector<16xi32>
        %add3A_400 = arith.addi %add3A_399, %iota3A_398 : vector<16xi32>
        %lt3A_401 = vector.broadcast %scan3A_54 : i32 to vector<16xi32>
        %lt3A_402 = arith.cmpi slt, %add3A_400, %lt3A_401 : vector<16xi32>
        %exp3A_403 = math.exp %min3A_393 : vector<16xf32>
        %jit3A_404 = arith.constant 0.000000e+00 : f32
        %broadcast_in_dim3A_405 = vector.broadcast %jit3A_404 : f32 to vector<16xf32>
        %select_n3A_406 = arith.select %lt3A_402, %exp3A_403, %broadcast_in_dim3A_405 : vector<16xi1>, vector<16xf32>
        %mul3A_407 = arith.constant 16 : i32
        %mul3A_408 = arith.muli %scan3A_356, %mul3A_407 : i32
        %swap3A_409 = arith.index_cast %mul3A_408 : i32 to index
        %swap3A_410 = tpu.vector_load %arg15[%swap3A_409] {strides = array<i32>} : memref<144xf32, #tpu.memory_space<vmem>>, vector<16xf32>,
        tpu.vector_store %arg15[%swap3A_409], %select_n3A_406 {strides = array<i32>} : memref<144xf32, #tpu.memory_space<vmem>>, vector<16xf32>,
        %scan3A_411 = arith.constant 0 : i32
        %scan3A_412 = arith.constant 3 : i32
        %scan3A_413 = arith.addi %scan3A_249, %scan3A_412 : i32
        %mul3A_414 = arith.constant 16 : i32
        %mul3A_415 = arith.muli %scan3A_413, %mul3A_414 : i32
        %add3A_416 = arith.constant 0 : i32
        %add3A_417 = arith.addi %add3A_416, %mul3A_415 : i32
        %get3A_418 = arith.index_cast %add3A_417 : i32 to index
        %get3A_419 = tpu.vector_load %arg13[%get3A_418] {strides = array<i32>} : memref<3344xi32, #tpu.memory_space<vmem>>, vector<16xi32>,
        %and3A_420 = arith.constant 4095 : i32
        %and3A_421 = vector.broadcast %and3A_420 : i32 to vector<16xi32>
        %and3A_422 = arith.andi %get3A_419, %and3A_421 : vector<16xi32>
        %get3A_423 = arith.index_cast %add3A_417 : i32 to index
        %get3A_424 = tpu.vector_load %arg14[%get3A_423] {strides = array<i32>} : memref<3344xi32, #tpu.memory_space<vmem>>, vector<16xi32>,
        %shift_left3A_425 = arith.constant 1 : i32
        %shift_left3A_426 = vector.broadcast %shift_left3A_425 : i32 to vector<16xi32>
        %shift_left3A_427 = arith.shli %get3A_424, %shift_left3A_426 : vector<16xi32>
        %shift_right_logical3A_428 = arith.constant 12 : i32
        %shift_right_logical3A_429 = vector.broadcast %shift_right_logical3A_428 : i32 to vector<16xi32>
        %shift_right_logical3A_430 = arith.shrui %get3A_419, %shift_right_logical3A_429 : vector<16xi32>
        %and3A_431 = arith.constant 1 : i32
        %and3A_432 = vector.broadcast %and3A_431 : i32 to vector<16xi32>
        %and3A_433 = arith.andi %shift_right_logical3A_430, %and3A_432 : vector<16xi32>
        %or3A_434 = arith.ori %shift_left3A_427, %and3A_433 : vector<16xi32>
        %gather3A_435 = tpu.vector_load_idx %arg9[%and3A_422] : memref<320xf32, #tpu.memory_space<vmem>>[vector<16xi32>], vector<16xf32>,
        %gather3A_436 = tpu.vector_load_idx %arg10[%or3A_434] : memref<10240xf32, #tpu.memory_space<vmem>>[vector<16xi32>], vector<16xf32>,
        %add3A_437 = arith.addf %gather3A_435, %gather3A_436 : vector<16xf32>
        %ge3A_438 = arith.constant 0.000000e+00 : f32
        %ge3A_439 = vector.broadcast %ge3A_438 : f32 to vector<16xf32>
        %ge3A_440 = arith.cmpf oge, %add3A_437, %ge3A_439 : vector<16xf32>
        %mul3A_441 = arith.constant 0.00999999977 : f32
        %mul3A_442 = vector.broadcast %mul3A_441 : f32 to vector<16xf32>
        %mul3A_443 = arith.mulf %mul3A_442, %add3A_437 : vector<16xf32>
        %select_n3A_444 = arith.select %ge3A_440, %add3A_437, %mul3A_443 : vector<16xi1>, vector<16xf32>
        %max3A_445 = arith.constant -2.000000e+00 : f32
        %max3A_446 = vector.broadcast %max3A_445 : f32 to vector<16xf32>
        %max3A_447 = arith.maximumf %select_n3A_444, %max3A_446 : vector<16xf32>
        %min3A_448 = arith.constant 2.000000e+00 : f32
        %min3A_449 = vector.broadcast %min3A_448 : f32 to vector<16xf32>
        %min3A_450 = arith.minimumf %max3A_447, %min3A_449 : vector<16xf32>
        %mul3A_451 = arith.constant 16 : i32
        %mul3A_452 = arith.muli %scan3A_413, %mul3A_451 : i32
        %add3A_453 = arith.constant 0 : i32
        %add3A_454 = arith.addi %add3A_453, %mul3A_452 : i32
        %iota3A_455 = tpu.iota {dimensions = array<i32: 0>} : vector<16xi32>
        %add3A_456 = vector.broadcast %add3A_454 : i32 to vector<16xi32>
        %add3A_457 = arith.addi %add3A_456, %iota3A_455 : vector<16xi32>
        %lt3A_458 = vector.broadcast %scan3A_54 : i32 to vector<16xi32>
        %lt3A_459 = arith.cmpi slt, %add3A_457, %lt3A_458 : vector<16xi32>
        %exp3A_460 = math.exp %min3A_450 : vector<16xf32>
        %jit3A_461 = arith.constant 0.000000e+00 : f32
        %broadcast_in_dim3A_462 = vector.broadcast %jit3A_461 : f32 to vector<16xf32>
        %select_n3A_463 = arith.select %lt3A_459, %exp3A_460, %broadcast_in_dim3A_462 : vector<16xi1>, vector<16xf32>
        %mul3A_464 = arith.constant 16 : i32
        %mul3A_465 = arith.muli %scan3A_413, %mul3A_464 : i32
        %swap3A_466 = arith.index_cast %mul3A_465 : i32 to index
        %swap3A_467 = tpu.vector_load %arg15[%swap3A_466] {strides = array<i32>} : memref<144xf32, #tpu.memory_space<vmem>>, vector<16xf32>,
        tpu.vector_store %arg15[%swap3A_466], %select_n3A_463 {strides = array<i32>} : memref<144xf32, #tpu.memory_space<vmem>>, vector<16xf32>,
        %scan3A_468 = arith.constant 0 : i32
        scf.yield %scan3A_468 : i32
      }
      %scan3A_139 = arith.constant 8 : i32
      %dma_wait3A_140 = arith.constant 0 : i32
      %dma_wait3A_141 = arith.constant 0 : i32
      %dma_wait3A_142 = tpu.memref_slice %arg16[%dma_wait3A_140, %dma_wait3A_141] : memref<128x128xi32, #tpu.memory_space<vmem>> -> memref<16x128xi32, #tpu.memory_space<vmem>>
      %dma_wait3A_143 = arith.constant 0 : i32
      %dma_wait3A_144 = tpu.memref_slice %arg14[%dma_wait3A_143] : memref<3344xi32, #tpu.memory_space<vmem>> -> memref<16xi32, #tpu.memory_space<vmem>>
      %dma_wait3A_145 = arith.constant 0 : i32
      %dma_wait3A_146 = arith.constant 0 : i32
      %dma_wait3A_147 = tpu.memref_slice %arg19[%dma_wait3A_145, %dma_wait3A_146] : memref<5000x128xi32, #tpu.memory_space<vmem_shared>> -> memref<5000x128xi32, #tpu.memory_space<vmem_shared>>
      tpu.wait_indirect_dma semaphore(%arg21 : memref<!tpu.dma_semaphore, #tpu.memory_space<semaphore_mem>>) src(%dma_wait3A_147 : memref<5000x128xi32, #tpu.memory_space<vmem_shared>>) dst(%dma_wait3A_142 : memref<16x128xi32, #tpu.memory_space<vmem>>)
      %dma_wait3A_148 = arith.constant 16 : i32
      %dma_wait3A_149 = arith.constant 0 : i32
      %dma_wait3A_150 = tpu.memref_slice %arg16[%dma_wait3A_148, %dma_wait3A_149] : memref<128x128xi32, #tpu.memory_space<vmem>> -> memref<16x128xi32, #tpu.memory_space<vmem>>
      %dma_wait3A_151 = arith.constant 16 : i32
      %dma_wait3A_152 = tpu.memref_slice %arg14[%dma_wait3A_151] : memref<3344xi32, #tpu.memory_space<vmem>> -> memref<16xi32, #tpu.memory_space<vmem>>
      %dma_wait3A_153 = arith.constant 0 : i32
      %dma_wait3A_154 = arith.constant 0 : i32
      %dma_wait3A_155 = tpu.memref_slice %arg19[%dma_wait3A_153, %dma_wait3A_154] : memref<5000x128xi32, #tpu.memory_space<vmem_shared>> -> memref<5000x128xi32, #tpu.memory_space<vmem_shared>>
      tpu.wait_indirect_dma semaphore(%arg21 : memref<!tpu.dma_semaphore, #tpu.memory_space<semaphore_mem>>) src(%dma_wait3A_155 : memref<5000x128xi32, #tpu.memory_space<vmem_shared>>) dst(%dma_wait3A_150 : memref<16x128xi32, #tpu.memory_space<vmem>>)
      %dma_wait3A_156 = arith.constant 32 : i32
      %dma_wait3A_157 = arith.constant 0 : i32
      %dma_wait3A_158 = tpu.memref_slice %arg16[%dma_wait3A_156, %dma_wait3A_157] : memref<128x128xi32, #tpu.memory_space<vmem>> -> memref<16x128xi32, #tpu.memory_space<vmem>>
      %dma_wait3A_159 = arith.constant 32 : i32
      %dma_wait3A_160 = tpu.memref_slice %arg14[%dma_wait3A_159] : memref<3344xi32, #tpu.memory_space<vmem>> -> memref<16xi32, #tpu.memory_space<vmem>>
      %dma_wait3A_161 = arith.constant 0 : i32
      %dma_wait3A_162 = arith.constant 0 : i32
      %dma_wait3A_163 = tpu.memref_slice %arg19[%dma_wait3A_161, %dma_wait3A_162] : memref<5000x128xi32, #tpu.memory_space<vmem_shared>> -> memref<5000x128xi32, #tpu.memory_space<vmem_shared>>
      tpu.wait_indirect_dma semaphore(%arg21 : memref<!tpu.dma_semaphore, #tpu.memory_space<semaphore_mem>>) src(%dma_wait3A_163 : memref<5000x128xi32, #tpu.memory_space<vmem_shared>>) dst(%dma_wait3A_158 : memref<16x128xi32, #tpu.memory_space<vmem>>)
      %dma_wait3A_164 = arith.constant 48 : i32
      %dma_wait3A_165 = arith.constant 0 : i32
      %dma_wait3A_166 = tpu.memref_slice %arg16[%dma_wait3A_164, %dma_wait3A_165] : memref<128x128xi32, #tpu.memory_space<vmem>> -> memref<16x128xi32, #tpu.memory_space<vmem>>
      %dma_wait3A_167 = arith.constant 48 : i32
      %dma_wait3A_168 = tpu.memref_slice %arg14[%dma_wait3A_167] : memref<3344xi32, #tpu.memory_space<vmem>> -> memref<16xi32, #tpu.memory_space<vmem>>
      %dma_wait3A_169 = arith.constant 0 : i32
      %dma_wait3A_170 = arith.constant 0 : i32
      %dma_wait3A_171 = tpu.memref_slice %arg19[%dma_wait3A_169, %dma_wait3A_170] : memref<5000x128xi32, #tpu.memory_space<vmem_shared>> -> memref<5000x128xi32, #tpu.memory_space<vmem_shared>>
      tpu.wait_indirect_dma semaphore(%arg21 : memref<!tpu.dma_semaphore, #tpu.memory_space<semaphore_mem>>) src(%dma_wait3A_171 : memref<5000x128xi32, #tpu.memory_space<vmem_shared>>) dst(%dma_wait3A_166 : memref<16x128xi32, #tpu.memory_space<vmem>>)
      %dma_wait3A_172 = arith.constant 64 : i32
      %dma_wait3A_173 = arith.constant 0 : i32
      %dma_wait3A_174 = tpu.memref_slice %arg16[%dma_wait3A_172, %dma_wait3A_173] : memref<128x128xi32, #tpu.memory_space<vmem>> -> memref<16x128xi32, #tpu.memory_space<vmem>>
      %dma_wait3A_175 = arith.constant 64 : i32
      %dma_wait3A_176 = tpu.memref_slice %arg14[%dma_wait3A_175] : memref<3344xi32, #tpu.memory_space<vmem>> -> memref<16xi32, #tpu.memory_space<vmem>>
      %dma_wait3A_177 = arith.constant 0 : i32
      %dma_wait3A_178 = arith.constant 0 : i32
      %dma_wait3A_179 = tpu.memref_slice %arg19[%dma_wait3A_177, %dma_wait3A_178] : memref<5000x128xi32, #tpu.memory_space<vmem_shared>> -> memref<5000x128xi32, #tpu.memory_space<vmem_shared>>
      tpu.wait_indirect_dma semaphore(%arg21 : memref<!tpu.dma_semaphore, #tpu.memory_space<semaphore_mem>>) src(%dma_wait3A_179 : memref<5000x128xi32, #tpu.memory_space<vmem_shared>>) dst(%dma_wait3A_174 : memref<16x128xi32, #tpu.memory_space<vmem>>)
      %dma_wait3A_180 = arith.constant 80 : i32
      %dma_wait3A_181 = arith.constant 0 : i32
      %dma_wait3A_182 = tpu.memref_slice %arg16[%dma_wait3A_180, %dma_wait3A_181] : memref<128x128xi32, #tpu.memory_space<vmem>> -> memref<16x128xi32, #tpu.memory_space<vmem>>
      %dma_wait3A_183 = arith.constant 80 : i32
      %dma_wait3A_184 = tpu.memref_slice %arg14[%dma_wait3A_183] : memref<3344xi32, #tpu.memory_space<vmem>> -> memref<16xi32, #tpu.memory_space<vmem>>
      %dma_wait3A_185 = arith.constant 0 : i32
      %dma_wait3A_186 = arith.constant 0 : i32
      %dma_wait3A_187 = tpu.memref_slice %arg19[%dma_wait3A_185, %dma_wait3A_186] : memref<5000x128xi32, #tpu.memory_space<vmem_shared>> -> memref<5000x128xi32, #tpu.memory_space<vmem_shared>>
      tpu.wait_indirect_dma semaphore(%arg21 : memref<!tpu.dma_semaphore, #tpu.memory_space<semaphore_mem>>) src(%dma_wait3A_187 : memref<5000x128xi32, #tpu.memory_space<vmem_shared>>) dst(%dma_wait3A_182 : memref<16x128xi32, #tpu.memory_space<vmem>>)
      %dma_wait3A_188 = arith.constant 96 : i32
      %dma_wait3A_189 = arith.constant 0 : i32
      %dma_wait3A_190 = tpu.memref_slice %arg16[%dma_wait3A_188, %dma_wait3A_189] : memref<128x128xi32, #tpu.memory_space<vmem>> -> memref<16x128xi32, #tpu.memory_space<vmem>>
      %dma_wait3A_191 = arith.constant 96 : i32
      %dma_wait3A_192 = tpu.memref_slice %arg14[%dma_wait3A_191] : memref<3344xi32, #tpu.memory_space<vmem>> -> memref<16xi32, #tpu.memory_space<vmem>>
      %dma_wait3A_193 = arith.constant 0 : i32
      %dma_wait3A_194 = arith.constant 0 : i32
      %dma_wait3A_195 = tpu.memref_slice %arg19[%dma_wait3A_193, %dma_wait3A_194] : memref<5000x128xi32, #tpu.memory_space<vmem_shared>> -> memref<5000x128xi32, #tpu.memory_space<vmem_shared>>
      tpu.wait_indirect_dma semaphore(%arg21 : memref<!tpu.dma_semaphore, #tpu.memory_space<semaphore_mem>>) src(%dma_wait3A_195 : memref<5000x128xi32, #tpu.memory_space<vmem_shared>>) dst(%dma_wait3A_190 : memref<16x128xi32, #tpu.memory_space<vmem>>)
      %dma_wait3A_196 = arith.constant 112 : i32
      %dma_wait3A_197 = arith.constant 0 : i32
      %dma_wait3A_198 = tpu.memref_slice %arg16[%dma_wait3A_196, %dma_wait3A_197] : memref<128x128xi32, #tpu.memory_space<vmem>> -> memref<16x128xi32, #tpu.memory_space<vmem>>
      %dma_wait3A_199 = arith.constant 112 : i32
      %dma_wait3A_200 = tpu.memref_slice %arg14[%dma_wait3A_199] : memref<3344xi32, #tpu.memory_space<vmem>> -> memref<16xi32, #tpu.memory_space<vmem>>
      %dma_wait3A_201 = arith.constant 0 : i32
      %dma_wait3A_202 = arith.constant 0 : i32
      %dma_wait3A_203 = tpu.memref_slice %arg19[%dma_wait3A_201, %dma_wait3A_202] : memref<5000x128xi32, #tpu.memory_space<vmem_shared>> -> memref<5000x128xi32, #tpu.memory_space<vmem_shared>>
      tpu.wait_indirect_dma semaphore(%arg21 : memref<!tpu.dma_semaphore, #tpu.memory_space<semaphore_mem>>) src(%dma_wait3A_203 : memref<5000x128xi32, #tpu.memory_space<vmem_shared>>) dst(%dma_wait3A_198 : memref<16x128xi32, #tpu.memory_space<vmem>>)
      %min3A = arith.constant 128 : i32
      %min3A_204 = arith.minsi %scan3A_54, %min3A : i32
      %get3A = arith.constant 0 : index
      %get3A_205 = tpu.vector_load %arg13[%get3A] {strides = array<i32>} : memref<3344xi32, #tpu.memory_space<vmem>>, vector<16xi32>,
      %slice3A = vector.extract_strided_slice %get3A_205 {offsets = [0], sizes = [1], strides = [1]} : vector<16xi32> to vector<1xi32>
      %squeeze3A = vector.extract %slice3A[0] : i32 from vector<1xi32>
      %while3A = arith.constant 0 : i32
      %while3A_206 = arith.subi %min3A_204, %while3A : i32
      %while3A_207 = arith.addi %while3A, %while3A_206 : i32
      %while3A_208 = arith.constant 1 : i32
      %while3A_209 = arith.divsi %while3A_206, %while3A_208 : i32
      %while3A_210 = arith.muli %while3A_209, %while3A_208 : i32
      %while3A_211 = arith.addi %while3A, %while3A_210 : i32
      %while3A_212 = arith.constant 1 : i32
      %while3A_213 = scf.for %while3A_249 = %while3A to %while3A_211 step %while3A_212 iter_args(%while3A_250 = %squeeze3A) -> (i32)  : i32 {
        %add3A_251 = arith.constant 0 : i32
        %add3A_252 = arith.addi %add3A_251, %while3A_249 : i32
        %add3A_253 = arith.constant 1 : i32
        %add3A_254 = arith.addi %add3A_252, %add3A_253 : i32
        %get3A_255 = arith.index_cast %add3A_254 : i32 to index
        %get3A_256 = tpu.vector_load %arg13[%get3A_255] {strides = array<i32>} : memref<3344xi32, #tpu.memory_space<vmem>>, vector<16xi32>,
        %slice3A_257 = vector.extract_strided_slice %get3A_256 {offsets = [0], sizes = [1], strides = [1]} : vector<16xi32> to vector<1xi32>
        %squeeze3A_258 = vector.extract %slice3A_257[0] : i32 from vector<1xi32>
        %and3A_259 = arith.constant 4095 : i32
        %and3A_260 = arith.andi %while3A_250, %and3A_259 : i32
        %shift_right_logical3A = arith.constant 12 : i32
        %shift_right_logical3A_261 = arith.shrui %while3A_250, %shift_right_logical3A : i32
        %mul3A_262 = arith.constant 64 : i32
        %mul3A_263 = arith.muli %shift_right_logical3A_261, %mul3A_262 : i32
        %get3A_264 = arith.index_cast %while3A_249 : i32 to index
        %get3A_265 = tpu.vector_load %arg15[%get3A_264] {strides = array<i32>} : memref<144xf32, #tpu.memory_space<vmem>>, vector<16xf32>,
        %slice3A_266 = vector.extract_strided_slice %get3A_265 {offsets = [0], sizes = [1], strides = [1]} : vector<16xf32> to vector<1xf32>
        %squeeze3A_267 = vector.extract %slice3A_266[0] : f32 from vector<1xf32>
        %broadcast_in_dim3A_268 = vector.broadcast %squeeze3A_267 : f32 to vector<16xf32>
        %add3A_269 = arith.constant 0 : i32
        %add3A_270 = arith.addi %mul3A_263, %add3A_269 : i32
        %get3A_271 = arith.index_cast %while3A_249 : i32 to index
        %get3A_272 = arith.index_cast %add3A_270 : i32 to index
        %get3A_273 = tpu.vector_load %arg16[%get3A_271, %get3A_272] {strides = array<i32>} : memref<128x128xi32, #tpu.memory_space<vmem>>, vector<16xi32>,
        %bitcast3A = vector.bitcast %get3A_273 : vector<16xi32> to vector<32xbf16>
        %unpack3A = tpu.unpack_subelements %bitcast3A, 0 {pack_format = #tpu.pack_format<interleaved>} : vector<32xbf16> -> vector<16xf32>
        %unpack3A_274 = tpu.unpack_subelements %bitcast3A, 1 {pack_format = #tpu.pack_format<interleaved>} : vector<32xbf16> -> vector<16xf32>
        %mul3A_275 = arith.mulf %unpack3A, %broadcast_in_dim3A_268 : vector<16xf32>
        %mul3A_276 = arith.mulf %unpack3A_274, %broadcast_in_dim3A_268 : vector<16xf32>
        %add3A_277 = arith.constant 16 : i32
        %add3A_278 = arith.addi %mul3A_263, %add3A_277 : i32
        %get3A_279 = arith.index_cast %while3A_249 : i32 to index
        %get3A_280 = arith.index_cast %add3A_278 : i32 to index
        %get3A_281 = tpu.vector_load %arg16[%get3A_279, %get3A_280] {strides = array<i32>} : memref<128x128xi32, #tpu.memory_space<vmem>>, vector<16xi32>,
        %bitcast3A_282 = vector.bitcast %get3A_281 : vector<16xi32> to vector<32xbf16>
        %unpack3A_283 = tpu.unpack_subelements %bitcast3A_282, 0 {pack_format = #tpu.pack_format<interleaved>} : vector<32xbf16> -> vector<16xf32>
        %unpack3A_284 = tpu.unpack_subelements %bitcast3A_282, 1 {pack_format = #tpu.pack_format<interleaved>} : vector<32xbf16> -> vector<16xf32>
        %mul3A_285 = arith.mulf %unpack3A_283, %broadcast_in_dim3A_268 : vector<16xf32>
        %mul3A_286 = arith.mulf %unpack3A_284, %broadcast_in_dim3A_268 : vector<16xf32>
        %add3A_287 = arith.constant 32 : i32
        %add3A_288 = arith.addi %mul3A_263, %add3A_287 : i32
        %get3A_289 = arith.index_cast %while3A_249 : i32 to index
        %get3A_290 = arith.index_cast %add3A_288 : i32 to index
        %get3A_291 = tpu.vector_load %arg16[%get3A_289, %get3A_290] {strides = array<i32>} : memref<128x128xi32, #tpu.memory_space<vmem>>, vector<16xi32>,
        %bitcast3A_292 = vector.bitcast %get3A_291 : vector<16xi32> to vector<32xbf16>
        %unpack3A_293 = tpu.unpack_subelements %bitcast3A_292, 0 {pack_format = #tpu.pack_format<interleaved>} : vector<32xbf16> -> vector<16xf32>
        %unpack3A_294 = tpu.unpack_subelements %bitcast3A_292, 1 {pack_format = #tpu.pack_format<interleaved>} : vector<32xbf16> -> vector<16xf32>
        %mul3A_295 = arith.mulf %unpack3A_293, %broadcast_in_dim3A_268 : vector<16xf32>
        %mul3A_296 = arith.mulf %unpack3A_294, %broadcast_in_dim3A_268 : vector<16xf32>
        %add3A_297 = arith.constant 48 : i32
        %add3A_298 = arith.addi %mul3A_263, %add3A_297 : i32
        %get3A_299 = arith.index_cast %while3A_249 : i32 to index
        %get3A_300 = arith.index_cast %add3A_298 : i32 to index
        %get3A_301 = tpu.vector_load %arg16[%get3A_299, %get3A_300] {strides = array<i32>} : memref<128x128xi32, #tpu.memory_space<vmem>>, vector<16xi32>,
        %bitcast3A_302 = vector.bitcast %get3A_301 : vector<16xi32> to vector<32xbf16>
        %unpack3A_303 = tpu.unpack_subelements %bitcast3A_302, 0 {pack_format = #tpu.pack_format<interleaved>} : vector<32xbf16> -> vector<16xf32>
        %unpack3A_304 = tpu.unpack_subelements %bitcast3A_302, 1 {pack_format = #tpu.pack_format<interleaved>} : vector<32xbf16> -> vector<16xf32>
        %mul3A_305 = arith.mulf %unpack3A_303, %broadcast_in_dim3A_268 : vector<16xf32>
        %mul3A_306 = arith.mulf %unpack3A_304, %broadcast_in_dim3A_268 : vector<16xf32>
        %jit3A_307 = arith.constant 0.000000e+00 : f32
        %broadcast_in_dim3A_308 = vector.broadcast %jit3A_307 : f32 to vector<16xf32>
        %select_n3A_309 = arith.select %eq3A_12, %broadcast_in_dim3A_268, %broadcast_in_dim3A_308 : vector<16xi1>, vector<16xf32>
        %swap3A = arith.index_cast %and3A_260 : i32 to index
        %swap3A_310 = tpu.vector_load %arg18[%swap3A] {strides = array<i32>} : memref<336xf32, #tpu.memory_space<vmem>>, vector<16xf32>,
        tpu.vector_store %arg18[%swap3A], %select_n3A_309 {add = true, strides = array<i32>} : memref<336xf32, #tpu.memory_space<vmem>>, vector<16xf32>,
        %swap3A_311 = arith.index_cast %and3A_260 : i32 to index
        %swap3A_312 = arith.constant 0 : index
        %swap3A_313 = tpu.vector_load %arg17[%swap3A_311, %swap3A_312] {strides = array<i32>} : memref<320x128xf32, #tpu.memory_space<vmem>>, vector<16xf32>,
        tpu.vector_store %arg17[%swap3A_311, %swap3A_312], %mul3A_275 {add = true, strides = array<i32>} : memref<320x128xf32, #tpu.memory_space<vmem>>, vector<16xf32>,
        %swap3A_314 = arith.index_cast %and3A_260 : i32 to index
        %swap3A_315 = arith.constant 16 : index
        %swap3A_316 = tpu.vector_load %arg17[%swap3A_314, %swap3A_315] {strides = array<i32>} : memref<320x128xf32, #tpu.memory_space<vmem>>, vector<16xf32>,
        tpu.vector_store %arg17[%swap3A_314, %swap3A_315], %mul3A_276 {add = true, strides = array<i32>} : memref<320x128xf32, #tpu.memory_space<vmem>>, vector<16xf32>,
        %swap3A_317 = arith.index_cast %and3A_260 : i32 to index
        %swap3A_318 = arith.constant 32 : index
        %swap3A_319 = tpu.vector_load %arg17[%swap3A_317, %swap3A_318] {strides = array<i32>} : memref<320x128xf32, #tpu.memory_space<vmem>>, vector<16xf32>,
        tpu.vector_store %arg17[%swap3A_317, %swap3A_318], %mul3A_285 {add = true, strides = array<i32>} : memref<320x128xf32, #tpu.memory_space<vmem>>, vector<16xf32>,
        %swap3A_320 = arith.index_cast %and3A_260 : i32 to index
        %swap3A_321 = arith.constant 48 : index
        %swap3A_322 = tpu.vector_load %arg17[%swap3A_320, %swap3A_321] {strides = array<i32>} : memref<320x128xf32, #tpu.memory_space<vmem>>, vector<16xf32>,
        tpu.vector_store %arg17[%swap3A_320, %swap3A_321], %mul3A_286 {add = true, strides = array<i32>} : memref<320x128xf32, #tpu.memory_space<vmem>>, vector<16xf32>,
        %swap3A_323 = arith.index_cast %and3A_260 : i32 to index
        %swap3A_324 = arith.constant 64 : index
        %swap3A_325 = tpu.vector_load %arg17[%swap3A_323, %swap3A_324] {strides = array<i32>} : memref<320x128xf32, #tpu.memory_space<vmem>>, vector<16xf32>,
        tpu.vector_store %arg17[%swap3A_323, %swap3A_324], %mul3A_295 {add = true, strides = array<i32>} : memref<320x128xf32, #tpu.memory_space<vmem>>, vector<16xf32>,
        %swap3A_326 = arith.index_cast %and3A_260 : i32 to index
        %swap3A_327 = arith.constant 80 : index
        %swap3A_328 = tpu.vector_load %arg17[%swap3A_326, %swap3A_327] {strides = array<i32>} : memref<320x128xf32, #tpu.memory_space<vmem>>, vector<16xf32>,
        tpu.vector_store %arg17[%swap3A_326, %swap3A_327], %mul3A_296 {add = true, strides = array<i32>} : memref<320x128xf32, #tpu.memory_space<vmem>>, vector<16xf32>,
        %swap3A_329 = arith.index_cast %and3A_260 : i32 to index
        %swap3A_330 = arith.constant 96 : index
        %swap3A_331 = tpu.vector_load %arg17[%swap3A_329, %swap3A_330] {strides = array<i32>} : memref<320x128xf32, #tpu.memory_space<vmem>>, vector<16xf32>,
        tpu.vector_store %arg17[%swap3A_329, %swap3A_330], %mul3A_305 {add = true, strides = array<i32>} : memref<320x128xf32, #tpu.memory_space<vmem>>, vector<16xf32>,
        %swap3A_332 = arith.index_cast %and3A_260 : i32 to index
        %swap3A_333 = arith.constant 112 : index
        %swap3A_334 = tpu.vector_load %arg17[%swap3A_332, %swap3A_333] {strides = array<i32>} : memref<320x128xf32, #tpu.memory_space<vmem>>, vector<16xf32>,
        tpu.vector_store %arg17[%swap3A_332, %swap3A_333], %mul3A_306 {add = true, strides = array<i32>} : memref<320x128xf32, #tpu.memory_space<vmem>>, vector<16xf32>,
        scf.yield %squeeze3A_258 : i32
      }
      %while3A_214 = arith.constant 1 : i32
      %while3A_215 = scf.for %while3A_249 = %while3A_211 to %while3A_207 step %while3A_214 iter_args(%while3A_250 = %while3A_213) -> (i32)  : i32 {
        %add3A_251 = arith.constant 0 : i32
        %add3A_252 = arith.addi %add3A_251, %while3A_249 : i32
        %add3A_253 = arith.constant 1 : i32
        %add3A_254 = arith.addi %add3A_252, %add3A_253 : i32
        %get3A_255 = arith.index_cast %add3A_254 : i32 to index
        %get3A_256 = tpu.vector_load %arg13[%get3A_255] {strides = array<i32>} : memref<3344xi32, #tpu.memory_space<vmem>>, vector<16xi32>,
        %slice3A_257 = vector.extract_strided_slice %get3A_256 {offsets = [0], sizes = [1], strides = [1]} : vector<16xi32> to vector<1xi32>
        %squeeze3A_258 = vector.extract %slice3A_257[0] : i32 from vector<1xi32>
        %and3A_259 = arith.constant 4095 : i32
        %and3A_260 = arith.andi %while3A_250, %and3A_259 : i32
        %shift_right_logical3A = arith.constant 12 : i32
        %shift_right_logical3A_261 = arith.shrui %while3A_250, %shift_right_logical3A : i32
        %mul3A_262 = arith.constant 64 : i32
        %mul3A_263 = arith.muli %shift_right_logical3A_261, %mul3A_262 : i32
        %get3A_264 = arith.index_cast %while3A_249 : i32 to index
        %get3A_265 = tpu.vector_load %arg15[%get3A_264] {strides = array<i32>} : memref<144xf32, #tpu.memory_space<vmem>>, vector<16xf32>,
        %slice3A_266 = vector.extract_strided_slice %get3A_265 {offsets = [0], sizes = [1], strides = [1]} : vector<16xf32> to vector<1xf32>
        %squeeze3A_267 = vector.extract %slice3A_266[0] : f32 from vector<1xf32>
        %broadcast_in_dim3A_268 = vector.broadcast %squeeze3A_267 : f32 to vector<16xf32>
        %add3A_269 = arith.constant 0 : i32
        %add3A_270 = arith.addi %mul3A_263, %add3A_269 : i32
        %get3A_271 = arith.index_cast %while3A_249 : i32 to index
        %get3A_272 = arith.index_cast %add3A_270 : i32 to index
        %get3A_273 = tpu.vector_load %arg16[%get3A_271, %get3A_272] {strides = array<i32>} : memref<128x128xi32, #tpu.memory_space<vmem>>, vector<16xi32>,
        %bitcast3A = vector.bitcast %get3A_273 : vector<16xi32> to vector<32xbf16>
        %unpack3A = tpu.unpack_subelements %bitcast3A, 0 {pack_format = #tpu.pack_format<interleaved>} : vector<32xbf16> -> vector<16xf32>
        %unpack3A_274 = tpu.unpack_subelements %bitcast3A, 1 {pack_format = #tpu.pack_format<interleaved>} : vector<32xbf16> -> vector<16xf32>
        %mul3A_275 = arith.mulf %unpack3A, %broadcast_in_dim3A_268 : vector<16xf32>
        %mul3A_276 = arith.mulf %unpack3A_274, %broadcast_in_dim3A_268 : vector<16xf32>
        %add3A_277 = arith.constant 16 : i32
        %add3A_278 = arith.addi %mul3A_263, %add3A_277 : i32
        %get3A_279 = arith.index_cast %while3A_249 : i32 to index
        %get3A_280 = arith.index_cast %add3A_278 : i32 to index
        %get3A_281 = tpu.vector_load %arg16[%get3A_279, %get3A_280] {strides = array<i32>} : memref<128x128xi32, #tpu.memory_space<vmem>>, vector<16xi32>,
        %bitcast3A_282 = vector.bitcast %get3A_281 : vector<16xi32> to vector<32xbf16>
        %unpack3A_283 = tpu.unpack_subelements %bitcast3A_282, 0 {pack_format = #tpu.pack_format<interleaved>} : vector<32xbf16> -> vector<16xf32>
        %unpack3A_284 = tpu.unpack_subelements %bitcast3A_282, 1 {pack_format = #tpu.pack_format<interleaved>} : vector<32xbf16> -> vector<16xf32>
        %mul3A_285 = arith.mulf %unpack3A_283, %broadcast_in_dim3A_268 : vector<16xf32>
        %mul3A_286 = arith.mulf %unpack3A_284, %broadcast_in_dim3A_268 : vector<16xf32>
        %add3A_287 = arith.constant 32 : i32
        %add3A_288 = arith.addi %mul3A_263, %add3A_287 : i32
        %get3A_289 = arith.index_cast %while3A_249 : i32 to index
        %get3A_290 = arith.index_cast %add3A_288 : i32 to index
        %get3A_291 = tpu.vector_load %arg16[%get3A_289, %get3A_290] {strides = array<i32>} : memref<128x128xi32, #tpu.memory_space<vmem>>, vector<16xi32>,
        %bitcast3A_292 = vector.bitcast %get3A_291 : vector<16xi32> to vector<32xbf16>
        %unpack3A_293 = tpu.unpack_subelements %bitcast3A_292, 0 {pack_format = #tpu.pack_format<interleaved>} : vector<32xbf16> -> vector<16xf32>
        %unpack3A_294 = tpu.unpack_subelements %bitcast3A_292, 1 {pack_format = #tpu.pack_format<interleaved>} : vector<32xbf16> -> vector<16xf32>
        %mul3A_295 = arith.mulf %unpack3A_293, %broadcast_in_dim3A_268 : vector<16xf32>
        %mul3A_296 = arith.mulf %unpack3A_294, %broadcast_in_dim3A_268 : vector<16xf32>
        %add3A_297 = arith.constant 48 : i32
        %add3A_298 = arith.addi %mul3A_263, %add3A_297 : i32
        %get3A_299 = arith.index_cast %while3A_249 : i32 to index
        %get3A_300 = arith.index_cast %add3A_298 : i32 to index
        %get3A_301 = tpu.vector_load %arg16[%get3A_299, %get3A_300] {strides = array<i32>} : memref<128x128xi32, #tpu.memory_space<vmem>>, vector<16xi32>,
        %bitcast3A_302 = vector.bitcast %get3A_301 : vector<16xi32> to vector<32xbf16>
        %unpack3A_303 = tpu.unpack_subelements %bitcast3A_302, 0 {pack_format = #tpu.pack_format<interleaved>} : vector<32xbf16> -> vector<16xf32>
        %unpack3A_304 = tpu.unpack_subelements %bitcast3A_302, 1 {pack_format = #tpu.pack_format<interleaved>} : vector<32xbf16> -> vector<16xf32>
        %mul3A_305 = arith.mulf %unpack3A_303, %broadcast_in_dim3A_268 : vector<16xf32>
        %mul3A_306 = arith.mulf %unpack3A_304, %broadcast_in_dim3A_268 : vector<16xf32>
        %jit3A_307 = arith.constant 0.000000e+00 : f32
        %broadcast_in_dim3A_308 = vector.broadcast %jit3A_307 : f32 to vector<16xf32>
        %select_n3A_309 = arith.select %eq3A_12, %broadcast_in_dim3A_268, %broadcast_in_dim3A_308 : vector<16xi1>, vector<16xf32>
        %swap3A = arith.index_cast %and3A_260 : i32 to index
        %swap3A_310 = tpu.vector_load %arg18[%swap3A] {strides = array<i32>} : memref<336xf32, #tpu.memory_space<vmem>>, vector<16xf32>,
        tpu.vector_store %arg18[%swap3A], %select_n3A_309 {add = true, strides = array<i32>} : memref<336xf32, #tpu.memory_space<vmem>>, vector<16xf32>,
        %swap3A_311 = arith.index_cast %and3A_260 : i32 to index
        %swap3A_312 = arith.constant 0 : index
        %swap3A_313 = tpu.vector_load %arg17[%swap3A_311, %swap3A_312] {strides = array<i32>} : memref<320x128xf32, #tpu.memory_space<vmem>>, vector<16xf32>,
        tpu.vector_store %arg17[%swap3A_311, %swap3A_312], %mul3A_275 {add = true, strides = array<i32>} : memref<320x128xf32, #tpu.memory_space<vmem>>, vector<16xf32>,
        %swap3A_314 = arith.index_cast %and3A_260 : i32 to index
        %swap3A_315 = arith.constant 16 : index
        %swap3A_316 = tpu.vector_load %arg17[%swap3A_314, %swap3A_315] {strides = array<i32>} : memref<320x128xf32, #tpu.memory_space<vmem>>, vector<16xf32>,
        tpu.vector_store %arg17[%swap3A_314, %swap3A_315], %mul3A_276 {add = true, strides = array<i32>} : memref<320x128xf32, #tpu.memory_space<vmem>>, vector<16xf32>,
        %swap3A_317 = arith.index_cast %and3A_260 : i32 to index
        %swap3A_318 = arith.constant 32 : index
        %swap3A_319 = tpu.vector_load %arg17[%swap3A_317, %swap3A_318] {strides = array<i32>} : memref<320x128xf32, #tpu.memory_space<vmem>>, vector<16xf32>,
        tpu.vector_store %arg17[%swap3A_317, %swap3A_318], %mul3A_285 {add = true, strides = array<i32>} : memref<320x128xf32, #tpu.memory_space<vmem>>, vector<16xf32>,
        %swap3A_320 = arith.index_cast %and3A_260 : i32 to index
        %swap3A_321 = arith.constant 48 : index
        %swap3A_322 = tpu.vector_load %arg17[%swap3A_320, %swap3A_321] {strides = array<i32>} : memref<320x128xf32, #tpu.memory_space<vmem>>, vector<16xf32>,
        tpu.vector_store %arg17[%swap3A_320, %swap3A_321], %mul3A_286 {add = true, strides = array<i32>} : memref<320x128xf32, #tpu.memory_space<vmem>>, vector<16xf32>,
        %swap3A_323 = arith.index_cast %and3A_260 : i32 to index
        %swap3A_324 = arith.constant 64 : index
        %swap3A_325 = tpu.vector_load %arg17[%swap3A_323, %swap3A_324] {strides = array<i32>} : memref<320x128xf32, #tpu.memory_space<vmem>>, vector<16xf32>,
        tpu.vector_store %arg17[%swap3A_323, %swap3A_324], %mul3A_295 {add = true, strides = array<i32>} : memref<320x128xf32, #tpu.memory_space<vmem>>, vector<16xf32>,
        %swap3A_326 = arith.index_cast %and3A_260 : i32 to index
        %swap3A_327 = arith.constant 80 : index
        %swap3A_328 = tpu.vector_load %arg17[%swap3A_326, %swap3A_327] {strides = array<i32>} : memref<320x128xf32, #tpu.memory_space<vmem>>, vector<16xf32>,
        tpu.vector_store %arg17[%swap3A_326, %swap3A_327], %mul3A_296 {add = true, strides = array<i32>} : memref<320x128xf32, #tpu.memory_space<vmem>>, vector<16xf32>,
        %swap3A_329 = arith.index_cast %and3A_260 : i32 to index
        %swap3A_330 = arith.constant 96 : index
        %swap3A_331 = tpu.vector_load %arg17[%swap3A_329, %swap3A_330] {strides = array<i32>} : memref<320x128xf32, #tpu.memory_space<vmem>>, vector<16xf32>,
        tpu.vector_store %arg17[%swap3A_329, %swap3A_330], %mul3A_305 {add = true, strides = array<i32>} : memref<320x128xf32, #tpu.memory_space<vmem>>, vector<16xf32>,
        %swap3A_332 = arith.index_cast %and3A_260 : i32 to index
        %swap3A_333 = arith.constant 112 : index
        %swap3A_334 = tpu.vector_load %arg17[%swap3A_332, %swap3A_333] {strides = array<i32>} : memref<320x128xf32, #tpu.memory_space<vmem>>, vector<16xf32>,
        tpu.vector_store %arg17[%swap3A_332, %swap3A_333], %mul3A_306 {add = true, strides = array<i32>} : memref<320x128xf32, #tpu.memory_space<vmem>>, vector<16xf32>,
        scf.yield %squeeze3A_258 : i32
      }
      %add3A_216 = arith.constant 128 : i32
      %add3A_217 = arith.addi %scan3A_54, %add3A_216 : i32
      %sub3A = arith.constant 1 : i32
      %sub3A_218 = arith.subi %add3A_217, %sub3A : i32
      %jit3A = arith.constant 128 : i32
      %div3A = arith.divsi %sub3A_218, %jit3A : i32
      %sign3A = arith.constant 0 : i32
      %sign3A_219 = arith.cmpi sgt, %sub3A_218, %sign3A : i32
      %sign3A_220 = arith.extui %sign3A_219 : i1 to i32
      %sign3A_221 = arith.constant 0 : i32
      %sign3A_222 = arith.cmpi slt, %sub3A_218, %sign3A_221 : i32
      %sign3A_223 = arith.extui %sign3A_222 : i1 to i32
      %sign3A_224 = arith.subi %sign3A_220, %sign3A_223 : i32
      %sign3A_225 = arith.constant 0 : i32
      %sign3A_226 = arith.cmpi sgt, %jit3A, %sign3A_225 : i32
      %sign3A_227 = arith.extui %sign3A_226 : i1 to i32
      %sign3A_228 = arith.constant 0 : i32
      %sign3A_229 = arith.cmpi slt, %jit3A, %sign3A_228 : i32
      %sign3A_230 = arith.extui %sign3A_229 : i1 to i32
      %sign3A_231 = arith.subi %sign3A_227, %sign3A_230 : i32
      %ne3A = arith.cmpi ne, %sign3A_224, %sign3A_231 : i32
      %rem3A = arith.remsi %sub3A_218, %jit3A : i32
      %ne3A_232 = arith.constant 0 : i32
      %ne3A_233 = arith.cmpi ne, %rem3A, %ne3A_232 : i32
      %and3A = arith.andi %ne3A, %ne3A_233 : i1
      %sub3A_234 = arith.constant 1 : i32
      %sub3A_235 = arith.subi %div3A, %sub3A_234 : i32
      %select_n3A = arith.select %and3A, %sub3A_235, %div3A : i32
      %while3A_236 = arith.constant 1 : i32
      %while3A_237 = arith.constant 0 : i32
      %while3A_238 = arith.subi %select_n3A, %while3A_236 : i32
      %while3A_239 = arith.addi %while3A_236, %while3A_238 : i32
      %while3A_240 = arith.constant 1 : i32
      %while3A_241 = arith.divsi %while3A_238, %while3A_240 : i32
      %while3A_242 = arith.muli %while3A_241, %while3A_240 : i32
      %while3A_243 = arith.addi %while3A_236, %while3A_242 : i32
      %while3A_244 = arith.constant 1 : i32
      %while3A_245 = scf.for %while3A_249 = %while3A_236 to %while3A_243 step %while3A_244 iter_args(%while3A_250 = %while3A_237) -> (i32)  : i32 {
        %mul3A_251 = arith.constant 128 : i32
        %mul3A_252 = arith.muli %while3A_249, %mul3A_251 : i32
        %add3A_253 = arith.constant 0 : i32
        %add3A_254 = arith.addi %mul3A_252, %add3A_253 : i32
        %dma_start3A_255 = arith.constant 0 : i32
        %dma_start3A_256 = arith.constant 0 : i32
        %dma_start3A_257 = tpu.memref_slice %arg16[%dma_start3A_255, %dma_start3A_256] : memref<128x128xi32, #tpu.memory_space<vmem>> -> memref<16x128xi32, #tpu.memory_space<vmem>>
        %dma_start3A_258 = tpu.memref_slice %arg14[%add3A_254] : memref<3344xi32, #tpu.memory_space<vmem>> -> memref<16xi32, #tpu.memory_space<vmem>>
        %dma_start3A_259 = arith.constant 0 : i32
        %dma_start3A_260 = arith.constant 0 : i32
        %dma_start3A_261 = tpu.memref_slice %arg19[%dma_start3A_259, %dma_start3A_260] : memref<5000x128xi32, #tpu.memory_space<vmem_shared>> -> memref<5000x128xi32, #tpu.memory_space<vmem_shared>>
        tpu.enqueue_indirect_dma source(%dma_start3A_261 : memref<5000x128xi32, #tpu.memory_space<vmem_shared>>) target(%dma_start3A_257 : memref<16x128xi32, #tpu.memory_space<vmem>>) offsets(%dma_start3A_258 : memref<16xi32, #tpu.memory_space<vmem>>) semaphore(%arg21 : memref<!tpu.dma_semaphore, #tpu.memory_space<semaphore_mem>>)
        %add3A_262 = arith.constant 16 : i32
        %add3A_263 = arith.addi %mul3A_252, %add3A_262 : i32
        %dma_start3A_264 = arith.constant 16 : i32
        %dma_start3A_265 = arith.constant 0 : i32
        %dma_start3A_266 = tpu.memref_slice %arg16[%dma_start3A_264, %dma_start3A_265] : memref<128x128xi32, #tpu.memory_space<vmem>> -> memref<16x128xi32, #tpu.memory_space<vmem>>
        %dma_start3A_267 = tpu.memref_slice %arg14[%add3A_263] : memref<3344xi32, #tpu.memory_space<vmem>> -> memref<16xi32, #tpu.memory_space<vmem>>
        %dma_start3A_268 = arith.constant 0 : i32
        %dma_start3A_269 = arith.constant 0 : i32
        %dma_start3A_270 = tpu.memref_slice %arg19[%dma_start3A_268, %dma_start3A_269] : memref<5000x128xi32, #tpu.memory_space<vmem_shared>> -> memref<5000x128xi32, #tpu.memory_space<vmem_shared>>
        tpu.enqueue_indirect_dma source(%dma_start3A_270 : memref<5000x128xi32, #tpu.memory_space<vmem_shared>>) target(%dma_start3A_266 : memref<16x128xi32, #tpu.memory_space<vmem>>) offsets(%dma_start3A_267 : memref<16xi32, #tpu.memory_space<vmem>>) semaphore(%arg21 : memref<!tpu.dma_semaphore, #tpu.memory_space<semaphore_mem>>)
        %add3A_271 = arith.constant 32 : i32
        %add3A_272 = arith.addi %mul3A_252, %add3A_271 : i32
        %dma_start3A_273 = arith.constant 32 : i32
        %dma_start3A_274 = arith.constant 0 : i32
        %dma_start3A_275 = tpu.memref_slice %arg16[%dma_start3A_273, %dma_start3A_274] : memref<128x128xi32, #tpu.memory_space<vmem>> -> memref<16x128xi32, #tpu.memory_space<vmem>>
        %dma_start3A_276 = tpu.memref_slice %arg14[%add3A_272] : memref<3344xi32, #tpu.memory_space<vmem>> -> memref<16xi32, #tpu.memory_space<vmem>>
        %dma_start3A_277 = arith.constant 0 : i32
        %dma_start3A_278 = arith.constant 0 : i32
        %dma_start3A_279 = tpu.memref_slice %arg19[%dma_start3A_277, %dma_start3A_278] : memref<5000x128xi32, #tpu.memory_space<vmem_shared>> -> memref<5000x128xi32, #tpu.memory_space<vmem_shared>>
        tpu.enqueue_indirect_dma source(%dma_start3A_279 : memref<5000x128xi32, #tpu.memory_space<vmem_shared>>) target(%dma_start3A_275 : memref<16x128xi32, #tpu.memory_space<vmem>>) offsets(%dma_start3A_276 : memref<16xi32, #tpu.memory_space<vmem>>) semaphore(%arg21 : memref<!tpu.dma_semaphore, #tpu.memory_space<semaphore_mem>>)
        %add3A_280 = arith.constant 48 : i32
        %add3A_281 = arith.addi %mul3A_252, %add3A_280 : i32
        %dma_start3A_282 = arith.constant 48 : i32
        %dma_start3A_283 = arith.constant 0 : i32
        %dma_start3A_284 = tpu.memref_slice %arg16[%dma_start3A_282, %dma_start3A_283] : memref<128x128xi32, #tpu.memory_space<vmem>> -> memref<16x128xi32, #tpu.memory_space<vmem>>
        %dma_start3A_285 = tpu.memref_slice %arg14[%add3A_281] : memref<3344xi32, #tpu.memory_space<vmem>> -> memref<16xi32, #tpu.memory_space<vmem>>
        %dma_start3A_286 = arith.constant 0 : i32
        %dma_start3A_287 = arith.constant 0 : i32
        %dma_start3A_288 = tpu.memref_slice %arg19[%dma_start3A_286, %dma_start3A_287] : memref<5000x128xi32, #tpu.memory_space<vmem_shared>> -> memref<5000x128xi32, #tpu.memory_space<vmem_shared>>
        tpu.enqueue_indirect_dma source(%dma_start3A_288 : memref<5000x128xi32, #tpu.memory_space<vmem_shared>>) target(%dma_start3A_284 : memref<16x128xi32, #tpu.memory_space<vmem>>) offsets(%dma_start3A_285 : memref<16xi32, #tpu.memory_space<vmem>>) semaphore(%arg21 : memref<!tpu.dma_semaphore, #tpu.memory_space<semaphore_mem>>)
        %add3A_289 = arith.constant 64 : i32
        %add3A_290 = arith.addi %mul3A_252, %add3A_289 : i32
        %dma_start3A_291 = arith.constant 64 : i32
        %dma_start3A_292 = arith.constant 0 : i32
        %dma_start3A_293 = tpu.memref_slice %arg16[%dma_start3A_291, %dma_start3A_292] : memref<128x128xi32, #tpu.memory_space<vmem>> -> memref<16x128xi32, #tpu.memory_space<vmem>>
        %dma_start3A_294 = tpu.memref_slice %arg14[%add3A_290] : memref<3344xi32, #tpu.memory_space<vmem>> -> memref<16xi32, #tpu.memory_space<vmem>>
        %dma_start3A_295 = arith.constant 0 : i32
        %dma_start3A_296 = arith.constant 0 : i32
        %dma_start3A_297 = tpu.memref_slice %arg19[%dma_start3A_295, %dma_start3A_296] : memref<5000x128xi32, #tpu.memory_space<vmem_shared>> -> memref<5000x128xi32, #tpu.memory_space<vmem_shared>>
        tpu.enqueue_indirect_dma source(%dma_start3A_297 : memref<5000x128xi32, #tpu.memory_space<vmem_shared>>) target(%dma_start3A_293 : memref<16x128xi32, #tpu.memory_space<vmem>>) offsets(%dma_start3A_294 : memref<16xi32, #tpu.memory_space<vmem>>) semaphore(%arg21 : memref<!tpu.dma_semaphore, #tpu.memory_space<semaphore_mem>>)
        %add3A_298 = arith.constant 80 : i32
        %add3A_299 = arith.addi %mul3A_252, %add3A_298 : i32
        %dma_start3A_300 = arith.constant 80 : i32
        %dma_start3A_301 = arith.constant 0 : i32
        %dma_start3A_302 = tpu.memref_slice %arg16[%dma_start3A_300, %dma_start3A_301] : memref<128x128xi32, #tpu.memory_space<vmem>> -> memref<16x128xi32, #tpu.memory_space<vmem>>
        %dma_start3A_303 = tpu.memref_slice %arg14[%add3A_299] : memref<3344xi32, #tpu.memory_space<vmem>> -> memref<16xi32, #tpu.memory_space<vmem>>
        %dma_start3A_304 = arith.constant 0 : i32
        %dma_start3A_305 = arith.constant 0 : i32
        %dma_start3A_306 = tpu.memref_slice %arg19[%dma_start3A_304, %dma_start3A_305] : memref<5000x128xi32, #tpu.memory_space<vmem_shared>> -> memref<5000x128xi32, #tpu.memory_space<vmem_shared>>
        tpu.enqueue_indirect_dma source(%dma_start3A_306 : memref<5000x128xi32, #tpu.memory_space<vmem_shared>>) target(%dma_start3A_302 : memref<16x128xi32, #tpu.memory_space<vmem>>) offsets(%dma_start3A_303 : memref<16xi32, #tpu.memory_space<vmem>>) semaphore(%arg21 : memref<!tpu.dma_semaphore, #tpu.memory_space<semaphore_mem>>)
        %add3A_307 = arith.constant 96 : i32
        %add3A_308 = arith.addi %mul3A_252, %add3A_307 : i32
        %dma_start3A_309 = arith.constant 96 : i32
        %dma_start3A_310 = arith.constant 0 : i32
        %dma_start3A_311 = tpu.memref_slice %arg16[%dma_start3A_309, %dma_start3A_310] : memref<128x128xi32, #tpu.memory_space<vmem>> -> memref<16x128xi32, #tpu.memory_space<vmem>>
        %dma_start3A_312 = tpu.memref_slice %arg14[%add3A_308] : memref<3344xi32, #tpu.memory_space<vmem>> -> memref<16xi32, #tpu.memory_space<vmem>>
        %dma_start3A_313 = arith.constant 0 : i32
        %dma_start3A_314 = arith.constant 0 : i32
        %dma_start3A_315 = tpu.memref_slice %arg19[%dma_start3A_313, %dma_start3A_314] : memref<5000x128xi32, #tpu.memory_space<vmem_shared>> -> memref<5000x128xi32, #tpu.memory_space<vmem_shared>>
        tpu.enqueue_indirect_dma source(%dma_start3A_315 : memref<5000x128xi32, #tpu.memory_space<vmem_shared>>) target(%dma_start3A_311 : memref<16x128xi32, #tpu.memory_space<vmem>>) offsets(%dma_start3A_312 : memref<16xi32, #tpu.memory_space<vmem>>) semaphore(%arg21 : memref<!tpu.dma_semaphore, #tpu.memory_space<semaphore_mem>>)
        %add3A_316 = arith.constant 112 : i32
        %add3A_317 = arith.addi %mul3A_252, %add3A_316 : i32
        %dma_start3A_318 = arith.constant 112 : i32
        %dma_start3A_319 = arith.constant 0 : i32
        %dma_start3A_320 = tpu.memref_slice %arg16[%dma_start3A_318, %dma_start3A_319] : memref<128x128xi32, #tpu.memory_space<vmem>> -> memref<16x128xi32, #tpu.memory_space<vmem>>
        %dma_start3A_321 = tpu.memref_slice %arg14[%add3A_317] : memref<3344xi32, #tpu.memory_space<vmem>> -> memref<16xi32, #tpu.memory_space<vmem>>
        %dma_start3A_322 = arith.constant 0 : i32
        %dma_start3A_323 = arith.constant 0 : i32
        %dma_start3A_324 = tpu.memref_slice %arg19[%dma_start3A_322, %dma_start3A_323] : memref<5000x128xi32, #tpu.memory_space<vmem_shared>> -> memref<5000x128xi32, #tpu.memory_space<vmem_shared>>
        tpu.enqueue_indirect_dma source(%dma_start3A_324 : memref<5000x128xi32, #tpu.memory_space<vmem_shared>>) target(%dma_start3A_320 : memref<16x128xi32, #tpu.memory_space<vmem>>) offsets(%dma_start3A_321 : memref<16xi32, #tpu.memory_space<vmem>>) semaphore(%arg21 : memref<!tpu.dma_semaphore, #tpu.memory_space<semaphore_mem>>)
        %scan3A_325 = arith.constant 0 : i32
        %scan3A_326 = arith.constant 0 : i32
        %scan3A_327 = arith.constant 8 : i32
        %scan3A_328 = arith.addi %scan3A_326, %scan3A_327 : i32
        %scan3A_329 = arith.constant 4 : i32
        %scan3A_330 = scf.for %scan3A_423 = %scan3A_326 to %scan3A_328 step %scan3A_329 iter_args(%scan3A_424 = %scan3A_325) -> (i32)  : i32 {
          %mul3A_425 = arith.constant 16 : i32
          %mul3A_426 = arith.muli %scan3A_423, %mul3A_425 : i32
          %add3A_427 = arith.addi %mul3A_252, %mul3A_426 : i32
          %get3A_428 = arith.index_cast %add3A_427 : i32 to index
          %get3A_429 = tpu.vector_load %arg13[%get3A_428] {strides = array<i32>} : memref<3344xi32, #tpu.memory_space<vmem>>, vector<16xi32>,
          %and3A_430 = arith.constant 4095 : i32
          %and3A_431 = vector.broadcast %and3A_430 : i32 to vector<16xi32>
          %and3A_432 = arith.andi %get3A_429, %and3A_431 : vector<16xi32>
          %get3A_433 = arith.index_cast %add3A_427 : i32 to index
          %get3A_434 = tpu.vector_load %arg14[%get3A_433] {strides = array<i32>} : memref<3344xi32, #tpu.memory_space<vmem>>, vector<16xi32>,
          %shift_left3A = arith.constant 1 : i32
          %shift_left3A_435 = vector.broadcast %shift_left3A : i32 to vector<16xi32>
          %shift_left3A_436 = arith.shli %get3A_434, %shift_left3A_435 : vector<16xi32>
          %shift_right_logical3A = arith.constant 12 : i32
          %shift_right_logical3A_437 = vector.broadcast %shift_right_logical3A : i32 to vector<16xi32>
          %shift_right_logical3A_438 = arith.shrui %get3A_429, %shift_right_logical3A_437 : vector<16xi32>
          %and3A_439 = arith.constant 1 : i32
          %and3A_440 = vector.broadcast %and3A_439 : i32 to vector<16xi32>
          %and3A_441 = arith.andi %shift_right_logical3A_438, %and3A_440 : vector<16xi32>
          %or3A = arith.ori %shift_left3A_436, %and3A_441 : vector<16xi32>
          %gather3A = tpu.vector_load_idx %arg9[%and3A_432] : memref<320xf32, #tpu.memory_space<vmem>>[vector<16xi32>], vector<16xf32>,
          %gather3A_442 = tpu.vector_load_idx %arg10[%or3A] : memref<10240xf32, #tpu.memory_space<vmem>>[vector<16xi32>], vector<16xf32>,
          %add3A_443 = arith.addf %gather3A, %gather3A_442 : vector<16xf32>
          %ge3A = arith.constant 0.000000e+00 : f32
          %ge3A_444 = vector.broadcast %ge3A : f32 to vector<16xf32>
          %ge3A_445 = arith.cmpf oge, %add3A_443, %ge3A_444 : vector<16xf32>
          %mul3A_446 = arith.constant 0.00999999977 : f32
          %mul3A_447 = vector.broadcast %mul3A_446 : f32 to vector<16xf32>
          %mul3A_448 = arith.mulf %mul3A_447, %add3A_443 : vector<16xf32>
          %select_n3A_449 = arith.select %ge3A_445, %add3A_443, %mul3A_448 : vector<16xi1>, vector<16xf32>
          %max3A = arith.constant -2.000000e+00 : f32
          %max3A_450 = vector.broadcast %max3A : f32 to vector<16xf32>
          %max3A_451 = arith.maximumf %select_n3A_449, %max3A_450 : vector<16xf32>
          %min3A_452 = arith.constant 2.000000e+00 : f32
          %min3A_453 = vector.broadcast %min3A_452 : f32 to vector<16xf32>
          %min3A_454 = arith.minimumf %max3A_451, %min3A_453 : vector<16xf32>
          %mul3A_455 = arith.constant 16 : i32
          %mul3A_456 = arith.muli %scan3A_423, %mul3A_455 : i32
          %add3A_457 = arith.addi %mul3A_252, %mul3A_456 : i32
          %iota3A_458 = tpu.iota {dimensions = array<i32: 0>} : vector<16xi32>
          %add3A_459 = vector.broadcast %add3A_457 : i32 to vector<16xi32>
          %add3A_460 = arith.addi %add3A_459, %iota3A_458 : vector<16xi32>
          %lt3A_461 = vector.broadcast %scan3A_54 : i32 to vector<16xi32>
          %lt3A_462 = arith.cmpi slt, %add3A_460, %lt3A_461 : vector<16xi32>
          %exp3A = math.exp %min3A_454 : vector<16xf32>
          %jit3A_463 = arith.constant 0.000000e+00 : f32
          %broadcast_in_dim3A_464 = vector.broadcast %jit3A_463 : f32 to vector<16xf32>
          %select_n3A_465 = arith.select %lt3A_462, %exp3A, %broadcast_in_dim3A_464 : vector<16xi1>, vector<16xf32>
          %mul3A_466 = arith.constant 16 : i32
          %mul3A_467 = arith.muli %scan3A_423, %mul3A_466 : i32
          %swap3A = arith.index_cast %mul3A_467 : i32 to index
          %swap3A_468 = tpu.vector_load %arg15[%swap3A] {strides = array<i32>} : memref<144xf32, #tpu.memory_space<vmem>>, vector<16xf32>,
          tpu.vector_store %arg15[%swap3A], %select_n3A_465 {strides = array<i32>} : memref<144xf32, #tpu.memory_space<vmem>>, vector<16xf32>,
          %scan3A_469 = arith.constant 0 : i32
          %scan3A_470 = arith.constant 1 : i32
          %scan3A_471 = arith.addi %scan3A_423, %scan3A_470 : i32
          %mul3A_472 = arith.constant 16 : i32
          %mul3A_473 = arith.muli %scan3A_471, %mul3A_472 : i32
          %add3A_474 = arith.addi %mul3A_252, %mul3A_473 : i32
          %get3A_475 = arith.index_cast %add3A_474 : i32 to index
          %get3A_476 = tpu.vector_load %arg13[%get3A_475] {strides = array<i32>} : memref<3344xi32, #tpu.memory_space<vmem>>, vector<16xi32>,
          %and3A_477 = arith.constant 4095 : i32
          %and3A_478 = vector.broadcast %and3A_477 : i32 to vector<16xi32>
          %and3A_479 = arith.andi %get3A_476, %and3A_478 : vector<16xi32>
          %get3A_480 = arith.index_cast %add3A_474 : i32 to index
          %get3A_481 = tpu.vector_load %arg14[%get3A_480] {strides = array<i32>} : memref<3344xi32, #tpu.memory_space<vmem>>, vector<16xi32>,
          %shift_left3A_482 = arith.constant 1 : i32
          %shift_left3A_483 = vector.broadcast %shift_left3A_482 : i32 to vector<16xi32>
          %shift_left3A_484 = arith.shli %get3A_481, %shift_left3A_483 : vector<16xi32>
          %shift_right_logical3A_485 = arith.constant 12 : i32
          %shift_right_logical3A_486 = vector.broadcast %shift_right_logical3A_485 : i32 to vector<16xi32>
          %shift_right_logical3A_487 = arith.shrui %get3A_476, %shift_right_logical3A_486 : vector<16xi32>
          %and3A_488 = arith.constant 1 : i32
          %and3A_489 = vector.broadcast %and3A_488 : i32 to vector<16xi32>
          %and3A_490 = arith.andi %shift_right_logical3A_487, %and3A_489 : vector<16xi32>
          %or3A_491 = arith.ori %shift_left3A_484, %and3A_490 : vector<16xi32>
          %gather3A_492 = tpu.vector_load_idx %arg9[%and3A_479] : memref<320xf32, #tpu.memory_space<vmem>>[vector<16xi32>], vector<16xf32>,
          %gather3A_493 = tpu.vector_load_idx %arg10[%or3A_491] : memref<10240xf32, #tpu.memory_space<vmem>>[vector<16xi32>], vector<16xf32>,
          %add3A_494 = arith.addf %gather3A_492, %gather3A_493 : vector<16xf32>
          %ge3A_495 = arith.constant 0.000000e+00 : f32
          %ge3A_496 = vector.broadcast %ge3A_495 : f32 to vector<16xf32>
          %ge3A_497 = arith.cmpf oge, %add3A_494, %ge3A_496 : vector<16xf32>
          %mul3A_498 = arith.constant 0.00999999977 : f32
          %mul3A_499 = vector.broadcast %mul3A_498 : f32 to vector<16xf32>
          %mul3A_500 = arith.mulf %mul3A_499, %add3A_494 : vector<16xf32>
          %select_n3A_501 = arith.select %ge3A_497, %add3A_494, %mul3A_500 : vector<16xi1>, vector<16xf32>
          %max3A_502 = arith.constant -2.000000e+00 : f32
          %max3A_503 = vector.broadcast %max3A_502 : f32 to vector<16xf32>
          %max3A_504 = arith.maximumf %select_n3A_501, %max3A_503 : vector<16xf32>
          %min3A_505 = arith.constant 2.000000e+00 : f32
          %min3A_506 = vector.broadcast %min3A_505 : f32 to vector<16xf32>
          %min3A_507 = arith.minimumf %max3A_504, %min3A_506 : vector<16xf32>
          %mul3A_508 = arith.constant 16 : i32
          %mul3A_509 = arith.muli %scan3A_471, %mul3A_508 : i32
          %add3A_510 = arith.addi %mul3A_252, %mul3A_509 : i32
          %iota3A_511 = tpu.iota {dimensions = array<i32: 0>} : vector<16xi32>
          %add3A_512 = vector.broadcast %add3A_510 : i32 to vector<16xi32>
          %add3A_513 = arith.addi %add3A_512, %iota3A_511 : vector<16xi32>
          %lt3A_514 = vector.broadcast %scan3A_54 : i32 to vector<16xi32>
          %lt3A_515 = arith.cmpi slt, %add3A_513, %lt3A_514 : vector<16xi32>
          %exp3A_516 = math.exp %min3A_507 : vector<16xf32>
          %jit3A_517 = arith.constant 0.000000e+00 : f32
          %broadcast_in_dim3A_518 = vector.broadcast %jit3A_517 : f32 to vector<16xf32>
          %select_n3A_519 = arith.select %lt3A_515, %exp3A_516, %broadcast_in_dim3A_518 : vector<16xi1>, vector<16xf32>
          %mul3A_520 = arith.constant 16 : i32
          %mul3A_521 = arith.muli %scan3A_471, %mul3A_520 : i32
          %swap3A_522 = arith.index_cast %mul3A_521 : i32 to index
          %swap3A_523 = tpu.vector_load %arg15[%swap3A_522] {strides = array<i32>} : memref<144xf32, #tpu.memory_space<vmem>>, vector<16xf32>,
          tpu.vector_store %arg15[%swap3A_522], %select_n3A_519 {strides = array<i32>} : memref<144xf32, #tpu.memory_space<vmem>>, vector<16xf32>,
          %scan3A_524 = arith.constant 0 : i32
          %scan3A_525 = arith.constant 2 : i32
          %scan3A_526 = arith.addi %scan3A_423, %scan3A_525 : i32
          %mul3A_527 = arith.constant 16 : i32
          %mul3A_528 = arith.muli %scan3A_526, %mul3A_527 : i32
          %add3A_529 = arith.addi %mul3A_252, %mul3A_528 : i32
          %get3A_530 = arith.index_cast %add3A_529 : i32 to index
          %get3A_531 = tpu.vector_load %arg13[%get3A_530] {strides = array<i32>} : memref<3344xi32, #tpu.memory_space<vmem>>, vector<16xi32>,
          %and3A_532 = arith.constant 4095 : i32
          %and3A_533 = vector.broadcast %and3A_532 : i32 to vector<16xi32>
          %and3A_534 = arith.andi %get3A_531, %and3A_533 : vector<16xi32>
          %get3A_535 = arith.index_cast %add3A_529 : i32 to index
          %get3A_536 = tpu.vector_load %arg14[%get3A_535] {strides = array<i32>} : memref<3344xi32, #tpu.memory_space<vmem>>, vector<16xi32>,
          %shift_left3A_537 = arith.constant 1 : i32
          %shift_left3A_538 = vector.broadcast %shift_left3A_537 : i32 to vector<16xi32>
          %shift_left3A_539 = arith.shli %get3A_536, %shift_left3A_538 : vector<16xi32>
          %shift_right_logical3A_540 = arith.constant 12 : i32
          %shift_right_logical3A_541 = vector.broadcast %shift_right_logical3A_540 : i32 to vector<16xi32>
          %shift_right_logical3A_542 = arith.shrui %get3A_531, %shift_right_logical3A_541 : vector<16xi32>
          %and3A_543 = arith.constant 1 : i32
          %and3A_544 = vector.broadcast %and3A_543 : i32 to vector<16xi32>
          %and3A_545 = arith.andi %shift_right_logical3A_542, %and3A_544 : vector<16xi32>
          %or3A_546 = arith.ori %shift_left3A_539, %and3A_545 : vector<16xi32>
          %gather3A_547 = tpu.vector_load_idx %arg9[%and3A_534] : memref<320xf32, #tpu.memory_space<vmem>>[vector<16xi32>], vector<16xf32>,
          %gather3A_548 = tpu.vector_load_idx %arg10[%or3A_546] : memref<10240xf32, #tpu.memory_space<vmem>>[vector<16xi32>], vector<16xf32>,
          %add3A_549 = arith.addf %gather3A_547, %gather3A_548 : vector<16xf32>
          %ge3A_550 = arith.constant 0.000000e+00 : f32
          %ge3A_551 = vector.broadcast %ge3A_550 : f32 to vector<16xf32>
          %ge3A_552 = arith.cmpf oge, %add3A_549, %ge3A_551 : vector<16xf32>
          %mul3A_553 = arith.constant 0.00999999977 : f32
          %mul3A_554 = vector.broadcast %mul3A_553 : f32 to vector<16xf32>
          %mul3A_555 = arith.mulf %mul3A_554, %add3A_549 : vector<16xf32>
          %select_n3A_556 = arith.select %ge3A_552, %add3A_549, %mul3A_555 : vector<16xi1>, vector<16xf32>
          %max3A_557 = arith.constant -2.000000e+00 : f32
          %max3A_558 = vector.broadcast %max3A_557 : f32 to vector<16xf32>
          %max3A_559 = arith.maximumf %select_n3A_556, %max3A_558 : vector<16xf32>
          %min3A_560 = arith.constant 2.000000e+00 : f32
          %min3A_561 = vector.broadcast %min3A_560 : f32 to vector<16xf32>
          %min3A_562 = arith.minimumf %max3A_559, %min3A_561 : vector<16xf32>
          %mul3A_563 = arith.constant 16 : i32
          %mul3A_564 = arith.muli %scan3A_526, %mul3A_563 : i32
          %add3A_565 = arith.addi %mul3A_252, %mul3A_564 : i32
          %iota3A_566 = tpu.iota {dimensions = array<i32: 0>} : vector<16xi32>
          %add3A_567 = vector.broadcast %add3A_565 : i32 to vector<16xi32>
          %add3A_568 = arith.addi %add3A_567, %iota3A_566 : vector<16xi32>
          %lt3A_569 = vector.broadcast %scan3A_54 : i32 to vector<16xi32>
          %lt3A_570 = arith.cmpi slt, %add3A_568, %lt3A_569 : vector<16xi32>
          %exp3A_571 = math.exp %min3A_562 : vector<16xf32>
          %jit3A_572 = arith.constant 0.000000e+00 : f32
          %broadcast_in_dim3A_573 = vector.broadcast %jit3A_572 : f32 to vector<16xf32>
          %select_n3A_574 = arith.select %lt3A_570, %exp3A_571, %broadcast_in_dim3A_573 : vector<16xi1>, vector<16xf32>
          %mul3A_575 = arith.constant 16 : i32
          %mul3A_576 = arith.muli %scan3A_526, %mul3A_575 : i32
          %swap3A_577 = arith.index_cast %mul3A_576 : i32 to index
          %swap3A_578 = tpu.vector_load %arg15[%swap3A_577] {strides = array<i32>} : memref<144xf32, #tpu.memory_space<vmem>>, vector<16xf32>,
          tpu.vector_store %arg15[%swap3A_577], %select_n3A_574 {strides = array<i32>} : memref<144xf32, #tpu.memory_space<vmem>>, vector<16xf32>,
          %scan3A_579 = arith.constant 0 : i32
          %scan3A_580 = arith.constant 3 : i32
          %scan3A_581 = arith.addi %scan3A_423, %scan3A_580 : i32
          %mul3A_582 = arith.constant 16 : i32
          %mul3A_583 = arith.muli %scan3A_581, %mul3A_582 : i32
          %add3A_584 = arith.addi %mul3A_252, %mul3A_583 : i32
          %get3A_585 = arith.index_cast %add3A_584 : i32 to index
          %get3A_586 = tpu.vector_load %arg13[%get3A_585] {strides = array<i32>} : memref<3344xi32, #tpu.memory_space<vmem>>, vector<16xi32>,
          %and3A_587 = arith.constant 4095 : i32
          %and3A_588 = vector.broadcast %and3A_587 : i32 to vector<16xi32>
          %and3A_589 = arith.andi %get3A_586, %and3A_588 : vector<16xi32>
          %get3A_590 = arith.index_cast %add3A_584 : i32 to index
          %get3A_591 = tpu.vector_load %arg14[%get3A_590] {strides = array<i32>} : memref<3344xi32, #tpu.memory_space<vmem>>, vector<16xi32>,
          %shift_left3A_592 = arith.constant 1 : i32
          %shift_left3A_593 = vector.broadcast %shift_left3A_592 : i32 to vector<16xi32>
          %shift_left3A_594 = arith.shli %get3A_591, %shift_left3A_593 : vector<16xi32>
          %shift_right_logical3A_595 = arith.constant 12 : i32
          %shift_right_logical3A_596 = vector.broadcast %shift_right_logical3A_595 : i32 to vector<16xi32>
          %shift_right_logical3A_597 = arith.shrui %get3A_586, %shift_right_logical3A_596 : vector<16xi32>
          %and3A_598 = arith.constant 1 : i32
          %and3A_599 = vector.broadcast %and3A_598 : i32 to vector<16xi32>
          %and3A_600 = arith.andi %shift_right_logical3A_597, %and3A_599 : vector<16xi32>
          %or3A_601 = arith.ori %shift_left3A_594, %and3A_600 : vector<16xi32>
          %gather3A_602 = tpu.vector_load_idx %arg9[%and3A_589] : memref<320xf32, #tpu.memory_space<vmem>>[vector<16xi32>], vector<16xf32>,
          %gather3A_603 = tpu.vector_load_idx %arg10[%or3A_601] : memref<10240xf32, #tpu.memory_space<vmem>>[vector<16xi32>], vector<16xf32>,
          %add3A_604 = arith.addf %gather3A_602, %gather3A_603 : vector<16xf32>
          %ge3A_605 = arith.constant 0.000000e+00 : f32
          %ge3A_606 = vector.broadcast %ge3A_605 : f32 to vector<16xf32>
          %ge3A_607 = arith.cmpf oge, %add3A_604, %ge3A_606 : vector<16xf32>
          %mul3A_608 = arith.constant 0.00999999977 : f32
          %mul3A_609 = vector.broadcast %mul3A_608 : f32 to vector<16xf32>
          %mul3A_610 = arith.mulf %mul3A_609, %add3A_604 : vector<16xf32>
          %select_n3A_611 = arith.select %ge3A_607, %add3A_604, %mul3A_610 : vector<16xi1>, vector<16xf32>
          %max3A_612 = arith.constant -2.000000e+00 : f32
          %max3A_613 = vector.broadcast %max3A_612 : f32 to vector<16xf32>
          %max3A_614 = arith.maximumf %select_n3A_611, %max3A_613 : vector<16xf32>
          %min3A_615 = arith.constant 2.000000e+00 : f32
          %min3A_616 = vector.broadcast %min3A_615 : f32 to vector<16xf32>
          %min3A_617 = arith.minimumf %max3A_614, %min3A_616 : vector<16xf32>
          %mul3A_618 = arith.constant 16 : i32
          %mul3A_619 = arith.muli %scan3A_581, %mul3A_618 : i32
          %add3A_620 = arith.addi %mul3A_252, %mul3A_619 : i32
          %iota3A_621 = tpu.iota {dimensions = array<i32: 0>} : vector<16xi32>
          %add3A_622 = vector.broadcast %add3A_620 : i32 to vector<16xi32>
          %add3A_623 = arith.addi %add3A_622, %iota3A_621 : vector<16xi32>
          %lt3A_624 = vector.broadcast %scan3A_54 : i32 to vector<16xi32>
          %lt3A_625 = arith.cmpi slt, %add3A_623, %lt3A_624 : vector<16xi32>
          %exp3A_626 = math.exp %min3A_617 : vector<16xf32>
          %jit3A_627 = arith.constant 0.000000e+00 : f32
          %broadcast_in_dim3A_628 = vector.broadcast %jit3A_627 : f32 to vector<16xf32>
          %select_n3A_629 = arith.select %lt3A_625, %exp3A_626, %broadcast_in_dim3A_628 : vector<16xi1>, vector<16xf32>
          %mul3A_630 = arith.constant 16 : i32
          %mul3A_631 = arith.muli %scan3A_581, %mul3A_630 : i32
          %swap3A_632 = arith.index_cast %mul3A_631 : i32 to index
          %swap3A_633 = tpu.vector_load %arg15[%swap3A_632] {strides = array<i32>} : memref<144xf32, #tpu.memory_space<vmem>>, vector<16xf32>,
          tpu.vector_store %arg15[%swap3A_632], %select_n3A_629 {strides = array<i32>} : memref<144xf32, #tpu.memory_space<vmem>>, vector<16xf32>,
          %scan3A_634 = arith.constant 0 : i32
          scf.yield %scan3A_634 : i32
        }
        %scan3A_331 = arith.constant 8 : i32
        %add3A_332 = arith.constant 0 : i32
        %add3A_333 = arith.addi %mul3A_252, %add3A_332 : i32
        %dma_wait3A_334 = arith.constant 0 : i32
        %dma_wait3A_335 = arith.constant 0 : i32
        %dma_wait3A_336 = tpu.memref_slice %arg16[%dma_wait3A_334, %dma_wait3A_335] : memref<128x128xi32, #tpu.memory_space<vmem>> -> memref<16x128xi32, #tpu.memory_space<vmem>>
        %dma_wait3A_337 = tpu.memref_slice %arg14[%add3A_333] : memref<3344xi32, #tpu.memory_space<vmem>> -> memref<16xi32, #tpu.memory_space<vmem>>
        %dma_wait3A_338 = arith.constant 0 : i32
        %dma_wait3A_339 = arith.constant 0 : i32
        %dma_wait3A_340 = tpu.memref_slice %arg19[%dma_wait3A_338, %dma_wait3A_339] : memref<5000x128xi32, #tpu.memory_space<vmem_shared>> -> memref<5000x128xi32, #tpu.memory_space<vmem_shared>>
        tpu.wait_indirect_dma semaphore(%arg21 : memref<!tpu.dma_semaphore, #tpu.memory_space<semaphore_mem>>) src(%dma_wait3A_340 : memref<5000x128xi32, #tpu.memory_space<vmem_shared>>) dst(%dma_wait3A_336 : memref<16x128xi32, #tpu.memory_space<vmem>>)
        %add3A_341 = arith.constant 16 : i32
        %add3A_342 = arith.addi %mul3A_252, %add3A_341 : i32
        %dma_wait3A_343 = arith.constant 16 : i32
        %dma_wait3A_344 = arith.constant 0 : i32
        %dma_wait3A_345 = tpu.memref_slice %arg16[%dma_wait3A_343, %dma_wait3A_344] : memref<128x128xi32, #tpu.memory_space<vmem>> -> memref<16x128xi32, #tpu.memory_space<vmem>>
        %dma_wait3A_346 = tpu.memref_slice %arg14[%add3A_342] : memref<3344xi32, #tpu.memory_space<vmem>> -> memref<16xi32, #tpu.memory_space<vmem>>
        %dma_wait3A_347 = arith.constant 0 : i32
        %dma_wait3A_348 = arith.constant 0 : i32
        %dma_wait3A_349 = tpu.memref_slice %arg19[%dma_wait3A_347, %dma_wait3A_348] : memref<5000x128xi32, #tpu.memory_space<vmem_shared>> -> memref<5000x128xi32, #tpu.memory_space<vmem_shared>>
        tpu.wait_indirect_dma semaphore(%arg21 : memref<!tpu.dma_semaphore, #tpu.memory_space<semaphore_mem>>) src(%dma_wait3A_349 : memref<5000x128xi32, #tpu.memory_space<vmem_shared>>) dst(%dma_wait3A_345 : memref<16x128xi32, #tpu.memory_space<vmem>>)
        %add3A_350 = arith.constant 32 : i32
        %add3A_351 = arith.addi %mul3A_252, %add3A_350 : i32
        %dma_wait3A_352 = arith.constant 32 : i32
        %dma_wait3A_353 = arith.constant 0 : i32
        %dma_wait3A_354 = tpu.memref_slice %arg16[%dma_wait3A_352, %dma_wait3A_353] : memref<128x128xi32, #tpu.memory_space<vmem>> -> memref<16x128xi32, #tpu.memory_space<vmem>>
        %dma_wait3A_355 = tpu.memref_slice %arg14[%add3A_351] : memref<3344xi32, #tpu.memory_space<vmem>> -> memref<16xi32, #tpu.memory_space<vmem>>
        %dma_wait3A_356 = arith.constant 0 : i32
        %dma_wait3A_357 = arith.constant 0 : i32
        %dma_wait3A_358 = tpu.memref_slice %arg19[%dma_wait3A_356, %dma_wait3A_357] : memref<5000x128xi32, #tpu.memory_space<vmem_shared>> -> memref<5000x128xi32, #tpu.memory_space<vmem_shared>>
        tpu.wait_indirect_dma semaphore(%arg21 : memref<!tpu.dma_semaphore, #tpu.memory_space<semaphore_mem>>) src(%dma_wait3A_358 : memref<5000x128xi32, #tpu.memory_space<vmem_shared>>) dst(%dma_wait3A_354 : memref<16x128xi32, #tpu.memory_space<vmem>>)
        %add3A_359 = arith.constant 48 : i32
        %add3A_360 = arith.addi %mul3A_252, %add3A_359 : i32
        %dma_wait3A_361 = arith.constant 48 : i32
        %dma_wait3A_362 = arith.constant 0 : i32
        %dma_wait3A_363 = tpu.memref_slice %arg16[%dma_wait3A_361, %dma_wait3A_362] : memref<128x128xi32, #tpu.memory_space<vmem>> -> memref<16x128xi32, #tpu.memory_space<vmem>>
        %dma_wait3A_364 = tpu.memref_slice %arg14[%add3A_360] : memref<3344xi32, #tpu.memory_space<vmem>> -> memref<16xi32, #tpu.memory_space<vmem>>
        %dma_wait3A_365 = arith.constant 0 : i32
        %dma_wait3A_366 = arith.constant 0 : i32
        %dma_wait3A_367 = tpu.memref_slice %arg19[%dma_wait3A_365, %dma_wait3A_366] : memref<5000x128xi32, #tpu.memory_space<vmem_shared>> -> memref<5000x128xi32, #tpu.memory_space<vmem_shared>>
        tpu.wait_indirect_dma semaphore(%arg21 : memref<!tpu.dma_semaphore, #tpu.memory_space<semaphore_mem>>) src(%dma_wait3A_367 : memref<5000x128xi32, #tpu.memory_space<vmem_shared>>) dst(%dma_wait3A_363 : memref<16x128xi32, #tpu.memory_space<vmem>>)
        %add3A_368 = arith.constant 64 : i32
        %add3A_369 = arith.addi %mul3A_252, %add3A_368 : i32
        %dma_wait3A_370 = arith.constant 64 : i32
        %dma_wait3A_371 = arith.constant 0 : i32
        %dma_wait3A_372 = tpu.memref_slice %arg16[%dma_wait3A_370, %dma_wait3A_371] : memref<128x128xi32, #tpu.memory_space<vmem>> -> memref<16x128xi32, #tpu.memory_space<vmem>>
        %dma_wait3A_373 = tpu.memref_slice %arg14[%add3A_369] : memref<3344xi32, #tpu.memory_space<vmem>> -> memref<16xi32, #tpu.memory_space<vmem>>
        %dma_wait3A_374 = arith.constant 0 : i32
        %dma_wait3A_375 = arith.constant 0 : i32
        %dma_wait3A_376 = tpu.memref_slice %arg19[%dma_wait3A_374, %dma_wait3A_375] : memref<5000x128xi32, #tpu.memory_space<vmem_shared>> -> memref<5000x128xi32, #tpu.memory_space<vmem_shared>>
        tpu.wait_indirect_dma semaphore(%arg21 : memref<!tpu.dma_semaphore, #tpu.memory_space<semaphore_mem>>) src(%dma_wait3A_376 : memref<5000x128xi32, #tpu.memory_space<vmem_shared>>) dst(%dma_wait3A_372 : memref<16x128xi32, #tpu.memory_space<vmem>>)
        %add3A_377 = arith.constant 80 : i32
        %add3A_378 = arith.addi %mul3A_252, %add3A_377 : i32
        %dma_wait3A_379 = arith.constant 80 : i32
        %dma_wait3A_380 = arith.constant 0 : i32
        %dma_wait3A_381 = tpu.memref_slice %arg16[%dma_wait3A_379, %dma_wait3A_380] : memref<128x128xi32, #tpu.memory_space<vmem>> -> memref<16x128xi32, #tpu.memory_space<vmem>>
        %dma_wait3A_382 = tpu.memref_slice %arg14[%add3A_378] : memref<3344xi32, #tpu.memory_space<vmem>> -> memref<16xi32, #tpu.memory_space<vmem>>
        %dma_wait3A_383 = arith.constant 0 : i32
        %dma_wait3A_384 = arith.constant 0 : i32
        %dma_wait3A_385 = tpu.memref_slice %arg19[%dma_wait3A_383, %dma_wait3A_384] : memref<5000x128xi32, #tpu.memory_space<vmem_shared>> -> memref<5000x128xi32, #tpu.memory_space<vmem_shared>>
        tpu.wait_indirect_dma semaphore(%arg21 : memref<!tpu.dma_semaphore, #tpu.memory_space<semaphore_mem>>) src(%dma_wait3A_385 : memref<5000x128xi32, #tpu.memory_space<vmem_shared>>) dst(%dma_wait3A_381 : memref<16x128xi32, #tpu.memory_space<vmem>>)
        %add3A_386 = arith.constant 96 : i32
        %add3A_387 = arith.addi %mul3A_252, %add3A_386 : i32
        %dma_wait3A_388 = arith.constant 96 : i32
        %dma_wait3A_389 = arith.constant 0 : i32
        %dma_wait3A_390 = tpu.memref_slice %arg16[%dma_wait3A_388, %dma_wait3A_389] : memref<128x128xi32, #tpu.memory_space<vmem>> -> memref<16x128xi32, #tpu.memory_space<vmem>>
        %dma_wait3A_391 = tpu.memref_slice %arg14[%add3A_387] : memref<3344xi32, #tpu.memory_space<vmem>> -> memref<16xi32, #tpu.memory_space<vmem>>
        %dma_wait3A_392 = arith.constant 0 : i32
        %dma_wait3A_393 = arith.constant 0 : i32
        %dma_wait3A_394 = tpu.memref_slice %arg19[%dma_wait3A_392, %dma_wait3A_393] : memref<5000x128xi32, #tpu.memory_space<vmem_shared>> -> memref<5000x128xi32, #tpu.memory_space<vmem_shared>>
        tpu.wait_indirect_dma semaphore(%arg21 : memref<!tpu.dma_semaphore, #tpu.memory_space<semaphore_mem>>) src(%dma_wait3A_394 : memref<5000x128xi32, #tpu.memory_space<vmem_shared>>) dst(%dma_wait3A_390 : memref<16x128xi32, #tpu.memory_space<vmem>>)
        %add3A_395 = arith.constant 112 : i32
        %add3A_396 = arith.addi %mul3A_252, %add3A_395 : i32
        %dma_wait3A_397 = arith.constant 112 : i32
        %dma_wait3A_398 = arith.constant 0 : i32
        %dma_wait3A_399 = tpu.memref_slice %arg16[%dma_wait3A_397, %dma_wait3A_398] : memref<128x128xi32, #tpu.memory_space<vmem>> -> memref<16x128xi32, #tpu.memory_space<vmem>>
        %dma_wait3A_400 = tpu.memref_slice %arg14[%add3A_396] : memref<3344xi32, #tpu.memory_space<vmem>> -> memref<16xi32, #tpu.memory_space<vmem>>
        %dma_wait3A_401 = arith.constant 0 : i32
        %dma_wait3A_402 = arith.constant 0 : i32
        %dma_wait3A_403 = tpu.memref_slice %arg19[%dma_wait3A_401, %dma_wait3A_402] : memref<5000x128xi32, #tpu.memory_space<vmem_shared>> -> memref<5000x128xi32, #tpu.memory_space<vmem_shared>>
        tpu.wait_indirect_dma semaphore(%arg21 : memref<!tpu.dma_semaphore, #tpu.memory_space<semaphore_mem>>) src(%dma_wait3A_403 : memref<5000x128xi32, #tpu.memory_space<vmem_shared>>) dst(%dma_wait3A_399 : memref<16x128xi32, #tpu.memory_space<vmem>>)
        %sub3A_404 = arith.subi %scan3A_54, %mul3A_252 : i32
        %min3A_405 = arith.constant 128 : i32
        %min3A_406 = arith.minsi %sub3A_404, %min3A_405 : i32
        %get3A_407 = arith.index_cast %mul3A_252 : i32 to index
        %get3A_408 = tpu.vector_load %arg13[%get3A_407] {strides = array<i32>} : memref<3344xi32, #tpu.memory_space<vmem>>, vector<16xi32>,
        %slice3A_409 = vector.extract_strided_slice %get3A_408 {offsets = [0], sizes = [1], strides = [1]} : vector<16xi32> to vector<1xi32>
        %squeeze3A_410 = vector.extract %slice3A_409[0] : i32 from vector<1xi32>
        %while3A_411 = arith.constant 0 : i32
        %while3A_412 = arith.subi %min3A_406, %while3A_411 : i32
        %while3A_413 = arith.addi %while3A_411, %while3A_412 : i32
        %while3A_414 = arith.constant 1 : i32
        %while3A_415 = arith.divsi %while3A_412, %while3A_414 : i32
        %while3A_416 = arith.muli %while3A_415, %while3A_414 : i32
        %while3A_417 = arith.addi %while3A_411, %while3A_416 : i32
        %while3A_418 = arith.constant 1 : i32
        %while3A_419 = scf.for %while3A_423 = %while3A_411 to %while3A_417 step %while3A_418 iter_args(%while3A_424 = %squeeze3A_410) -> (i32)  : i32 {
          %add3A_425 = arith.addi %mul3A_252, %while3A_423 : i32
          %add3A_426 = arith.constant 1 : i32
          %add3A_427 = arith.addi %add3A_425, %add3A_426 : i32
          %get3A_428 = arith.index_cast %add3A_427 : i32 to index
          %get3A_429 = tpu.vector_load %arg13[%get3A_428] {strides = array<i32>} : memref<3344xi32, #tpu.memory_space<vmem>>, vector<16xi32>,
          %slice3A_430 = vector.extract_strided_slice %get3A_429 {offsets = [0], sizes = [1], strides = [1]} : vector<16xi32> to vector<1xi32>
          %squeeze3A_431 = vector.extract %slice3A_430[0] : i32 from vector<1xi32>
          %and3A_432 = arith.constant 4095 : i32
          %and3A_433 = arith.andi %while3A_424, %and3A_432 : i32
          %shift_right_logical3A = arith.constant 12 : i32
          %shift_right_logical3A_434 = arith.shrui %while3A_424, %shift_right_logical3A : i32
          %mul3A_435 = arith.constant 64 : i32
          %mul3A_436 = arith.muli %shift_right_logical3A_434, %mul3A_435 : i32
          %get3A_437 = arith.index_cast %while3A_423 : i32 to index
          %get3A_438 = tpu.vector_load %arg15[%get3A_437] {strides = array<i32>} : memref<144xf32, #tpu.memory_space<vmem>>, vector<16xf32>,
          %slice3A_439 = vector.extract_strided_slice %get3A_438 {offsets = [0], sizes = [1], strides = [1]} : vector<16xf32> to vector<1xf32>
          %squeeze3A_440 = vector.extract %slice3A_439[0] : f32 from vector<1xf32>
          %broadcast_in_dim3A_441 = vector.broadcast %squeeze3A_440 : f32 to vector<16xf32>
          %add3A_442 = arith.constant 0 : i32
          %add3A_443 = arith.addi %mul3A_436, %add3A_442 : i32
          %get3A_444 = arith.index_cast %while3A_423 : i32 to index
          %get3A_445 = arith.index_cast %add3A_443 : i32 to index
          %get3A_446 = tpu.vector_load %arg16[%get3A_444, %get3A_445] {strides = array<i32>} : memref<128x128xi32, #tpu.memory_space<vmem>>, vector<16xi32>,
          %bitcast3A = vector.bitcast %get3A_446 : vector<16xi32> to vector<32xbf16>
          %unpack3A = tpu.unpack_subelements %bitcast3A, 0 {pack_format = #tpu.pack_format<interleaved>} : vector<32xbf16> -> vector<16xf32>
          %unpack3A_447 = tpu.unpack_subelements %bitcast3A, 1 {pack_format = #tpu.pack_format<interleaved>} : vector<32xbf16> -> vector<16xf32>
          %mul3A_448 = arith.mulf %unpack3A, %broadcast_in_dim3A_441 : vector<16xf32>
          %mul3A_449 = arith.mulf %unpack3A_447, %broadcast_in_dim3A_441 : vector<16xf32>
          %add3A_450 = arith.constant 16 : i32
          %add3A_451 = arith.addi %mul3A_436, %add3A_450 : i32
          %get3A_452 = arith.index_cast %while3A_423 : i32 to index
          %get3A_453 = arith.index_cast %add3A_451 : i32 to index
          %get3A_454 = tpu.vector_load %arg16[%get3A_452, %get3A_453] {strides = array<i32>} : memref<128x128xi32, #tpu.memory_space<vmem>>, vector<16xi32>,
          %bitcast3A_455 = vector.bitcast %get3A_454 : vector<16xi32> to vector<32xbf16>
          %unpack3A_456 = tpu.unpack_subelements %bitcast3A_455, 0 {pack_format = #tpu.pack_format<interleaved>} : vector<32xbf16> -> vector<16xf32>
          %unpack3A_457 = tpu.unpack_subelements %bitcast3A_455, 1 {pack_format = #tpu.pack_format<interleaved>} : vector<32xbf16> -> vector<16xf32>
          %mul3A_458 = arith.mulf %unpack3A_456, %broadcast_in_dim3A_441 : vector<16xf32>
          %mul3A_459 = arith.mulf %unpack3A_457, %broadcast_in_dim3A_441 : vector<16xf32>
          %add3A_460 = arith.constant 32 : i32
          %add3A_461 = arith.addi %mul3A_436, %add3A_460 : i32
          %get3A_462 = arith.index_cast %while3A_423 : i32 to index
          %get3A_463 = arith.index_cast %add3A_461 : i32 to index
          %get3A_464 = tpu.vector_load %arg16[%get3A_462, %get3A_463] {strides = array<i32>} : memref<128x128xi32, #tpu.memory_space<vmem>>, vector<16xi32>,
          %bitcast3A_465 = vector.bitcast %get3A_464 : vector<16xi32> to vector<32xbf16>
          %unpack3A_466 = tpu.unpack_subelements %bitcast3A_465, 0 {pack_format = #tpu.pack_format<interleaved>} : vector<32xbf16> -> vector<16xf32>
          %unpack3A_467 = tpu.unpack_subelements %bitcast3A_465, 1 {pack_format = #tpu.pack_format<interleaved>} : vector<32xbf16> -> vector<16xf32>
          %mul3A_468 = arith.mulf %unpack3A_466, %broadcast_in_dim3A_441 : vector<16xf32>
          %mul3A_469 = arith.mulf %unpack3A_467, %broadcast_in_dim3A_441 : vector<16xf32>
          %add3A_470 = arith.constant 48 : i32
          %add3A_471 = arith.addi %mul3A_436, %add3A_470 : i32
          %get3A_472 = arith.index_cast %while3A_423 : i32 to index
          %get3A_473 = arith.index_cast %add3A_471 : i32 to index
          %get3A_474 = tpu.vector_load %arg16[%get3A_472, %get3A_473] {strides = array<i32>} : memref<128x128xi32, #tpu.memory_space<vmem>>, vector<16xi32>,
          %bitcast3A_475 = vector.bitcast %get3A_474 : vector<16xi32> to vector<32xbf16>
          %unpack3A_476 = tpu.unpack_subelements %bitcast3A_475, 0 {pack_format = #tpu.pack_format<interleaved>} : vector<32xbf16> -> vector<16xf32>
          %unpack3A_477 = tpu.unpack_subelements %bitcast3A_475, 1 {pack_format = #tpu.pack_format<interleaved>} : vector<32xbf16> -> vector<16xf32>
          %mul3A_478 = arith.mulf %unpack3A_476, %broadcast_in_dim3A_441 : vector<16xf32>
          %mul3A_479 = arith.mulf %unpack3A_477, %broadcast_in_dim3A_441 : vector<16xf32>
          %jit3A_480 = arith.constant 0.000000e+00 : f32
          %broadcast_in_dim3A_481 = vector.broadcast %jit3A_480 : f32 to vector<16xf32>
          %select_n3A_482 = arith.select %eq3A_12, %broadcast_in_dim3A_441, %broadcast_in_dim3A_481 : vector<16xi1>, vector<16xf32>
          %swap3A = arith.index_cast %and3A_433 : i32 to index
          %swap3A_483 = tpu.vector_load %arg18[%swap3A] {strides = array<i32>} : memref<336xf32, #tpu.memory_space<vmem>>, vector<16xf32>,
          tpu.vector_store %arg18[%swap3A], %select_n3A_482 {add = true, strides = array<i32>} : memref<336xf32, #tpu.memory_space<vmem>>, vector<16xf32>,
          %swap3A_484 = arith.index_cast %and3A_433 : i32 to index
          %swap3A_485 = arith.constant 0 : index
          %swap3A_486 = tpu.vector_load %arg17[%swap3A_484, %swap3A_485] {strides = array<i32>} : memref<320x128xf32, #tpu.memory_space<vmem>>, vector<16xf32>,
          tpu.vector_store %arg17[%swap3A_484, %swap3A_485], %mul3A_448 {add = true, strides = array<i32>} : memref<320x128xf32, #tpu.memory_space<vmem>>, vector<16xf32>,
          %swap3A_487 = arith.index_cast %and3A_433 : i32 to index
          %swap3A_488 = arith.constant 16 : index
          %swap3A_489 = tpu.vector_load %arg17[%swap3A_487, %swap3A_488] {strides = array<i32>} : memref<320x128xf32, #tpu.memory_space<vmem>>, vector<16xf32>,
          tpu.vector_store %arg17[%swap3A_487, %swap3A_488], %mul3A_449 {add = true, strides = array<i32>} : memref<320x128xf32, #tpu.memory_space<vmem>>, vector<16xf32>,
          %swap3A_490 = arith.index_cast %and3A_433 : i32 to index
          %swap3A_491 = arith.constant 32 : index
          %swap3A_492 = tpu.vector_load %arg17[%swap3A_490, %swap3A_491] {strides = array<i32>} : memref<320x128xf32, #tpu.memory_space<vmem>>, vector<16xf32>,
          tpu.vector_store %arg17[%swap3A_490, %swap3A_491], %mul3A_458 {add = true, strides = array<i32>} : memref<320x128xf32, #tpu.memory_space<vmem>>, vector<16xf32>,
          %swap3A_493 = arith.index_cast %and3A_433 : i32 to index
          %swap3A_494 = arith.constant 48 : index
          %swap3A_495 = tpu.vector_load %arg17[%swap3A_493, %swap3A_494] {strides = array<i32>} : memref<320x128xf32, #tpu.memory_space<vmem>>, vector<16xf32>,
          tpu.vector_store %arg17[%swap3A_493, %swap3A_494], %mul3A_459 {add = true, strides = array<i32>} : memref<320x128xf32, #tpu.memory_space<vmem>>, vector<16xf32>,
          %swap3A_496 = arith.index_cast %and3A_433 : i32 to index
          %swap3A_497 = arith.constant 64 : index
          %swap3A_498 = tpu.vector_load %arg17[%swap3A_496, %swap3A_497] {strides = array<i32>} : memref<320x128xf32, #tpu.memory_space<vmem>>, vector<16xf32>,
          tpu.vector_store %arg17[%swap3A_496, %swap3A_497], %mul3A_468 {add = true, strides = array<i32>} : memref<320x128xf32, #tpu.memory_space<vmem>>, vector<16xf32>,
          %swap3A_499 = arith.index_cast %and3A_433 : i32 to index
          %swap3A_500 = arith.constant 80 : index
          %swap3A_501 = tpu.vector_load %arg17[%swap3A_499, %swap3A_500] {strides = array<i32>} : memref<320x128xf32, #tpu.memory_space<vmem>>, vector<16xf32>,
          tpu.vector_store %arg17[%swap3A_499, %swap3A_500], %mul3A_469 {add = true, strides = array<i32>} : memref<320x128xf32, #tpu.memory_space<vmem>>, vector<16xf32>,
          %swap3A_502 = arith.index_cast %and3A_433 : i32 to index
          %swap3A_503 = arith.constant 96 : index
          %swap3A_504 = tpu.vector_load %arg17[%swap3A_502, %swap3A_503] {strides = array<i32>} : memref<320x128xf32, #tpu.memory_space<vmem>>, vector<16xf32>,
          tpu.vector_store %arg17[%swap3A_502, %swap3A_503], %mul3A_478 {add = true, strides = array<i32>} : memref<320x128xf32, #tpu.memory_space<vmem>>, vector<16xf32>,
          %swap3A_505 = arith.index_cast %and3A_433 : i32 to index
          %swap3A_506 = arith.constant 112 : index
          %swap3A_507 = tpu.vector_load %arg17[%swap3A_505, %swap3A_506] {strides = array<i32>} : memref<320x128xf32, #tpu.memory_space<vmem>>, vector<16xf32>,
          tpu.vector_store %arg17[%swap3A_505, %swap3A_506], %mul3A_479 {add = true, strides = array<i32>} : memref<320x128xf32, #tpu.memory_space<vmem>>, vector<16xf32>,
          scf.yield %squeeze3A_431 : i32
        }
        %while3A_420 = arith.constant 1 : i32
        %while3A_421 = scf.for %while3A_423 = %while3A_417 to %while3A_413 step %while3A_420 iter_args(%while3A_424 = %while3A_419) -> (i32)  : i32 {
          %add3A_425 = arith.addi %mul3A_252, %while3A_423 : i32
          %add3A_426 = arith.constant 1 : i32
          %add3A_427 = arith.addi %add3A_425, %add3A_426 : i32
          %get3A_428 = arith.index_cast %add3A_427 : i32 to index
          %get3A_429 = tpu.vector_load %arg13[%get3A_428] {strides = array<i32>} : memref<3344xi32, #tpu.memory_space<vmem>>, vector<16xi32>,
          %slice3A_430 = vector.extract_strided_slice %get3A_429 {offsets = [0], sizes = [1], strides = [1]} : vector<16xi32> to vector<1xi32>
          %squeeze3A_431 = vector.extract %slice3A_430[0] : i32 from vector<1xi32>
          %and3A_432 = arith.constant 4095 : i32
          %and3A_433 = arith.andi %while3A_424, %and3A_432 : i32
          %shift_right_logical3A = arith.constant 12 : i32
          %shift_right_logical3A_434 = arith.shrui %while3A_424, %shift_right_logical3A : i32
          %mul3A_435 = arith.constant 64 : i32
          %mul3A_436 = arith.muli %shift_right_logical3A_434, %mul3A_435 : i32
          %get3A_437 = arith.index_cast %while3A_423 : i32 to index
          %get3A_438 = tpu.vector_load %arg15[%get3A_437] {strides = array<i32>} : memref<144xf32, #tpu.memory_space<vmem>>, vector<16xf32>,
          %slice3A_439 = vector.extract_strided_slice %get3A_438 {offsets = [0], sizes = [1], strides = [1]} : vector<16xf32> to vector<1xf32>
          %squeeze3A_440 = vector.extract %slice3A_439[0] : f32 from vector<1xf32>
          %broadcast_in_dim3A_441 = vector.broadcast %squeeze3A_440 : f32 to vector<16xf32>
          %add3A_442 = arith.constant 0 : i32
          %add3A_443 = arith.addi %mul3A_436, %add3A_442 : i32
          %get3A_444 = arith.index_cast %while3A_423 : i32 to index
          %get3A_445 = arith.index_cast %add3A_443 : i32 to index
          %get3A_446 = tpu.vector_load %arg16[%get3A_444, %get3A_445] {strides = array<i32>} : memref<128x128xi32, #tpu.memory_space<vmem>>, vector<16xi32>,
          %bitcast3A = vector.bitcast %get3A_446 : vector<16xi32> to vector<32xbf16>
          %unpack3A = tpu.unpack_subelements %bitcast3A, 0 {pack_format = #tpu.pack_format<interleaved>} : vector<32xbf16> -> vector<16xf32>
          %unpack3A_447 = tpu.unpack_subelements %bitcast3A, 1 {pack_format = #tpu.pack_format<interleaved>} : vector<32xbf16> -> vector<16xf32>
          %mul3A_448 = arith.mulf %unpack3A, %broadcast_in_dim3A_441 : vector<16xf32>
          %mul3A_449 = arith.mulf %unpack3A_447, %broadcast_in_dim3A_441 : vector<16xf32>
          %add3A_450 = arith.constant 16 : i32
          %add3A_451 = arith.addi %mul3A_436, %add3A_450 : i32
          %get3A_452 = arith.index_cast %while3A_423 : i32 to index
          %get3A_453 = arith.index_cast %add3A_451 : i32 to index
          %get3A_454 = tpu.vector_load %arg16[%get3A_452, %get3A_453] {strides = array<i32>} : memref<128x128xi32, #tpu.memory_space<vmem>>, vector<16xi32>,
          %bitcast3A_455 = vector.bitcast %get3A_454 : vector<16xi32> to vector<32xbf16>
          %unpack3A_456 = tpu.unpack_subelements %bitcast3A_455, 0 {pack_format = #tpu.pack_format<interleaved>} : vector<32xbf16> -> vector<16xf32>
          %unpack3A_457 = tpu.unpack_subelements %bitcast3A_455, 1 {pack_format = #tpu.pack_format<interleaved>} : vector<32xbf16> -> vector<16xf32>
          %mul3A_458 = arith.mulf %unpack3A_456, %broadcast_in_dim3A_441 : vector<16xf32>
          %mul3A_459 = arith.mulf %unpack3A_457, %broadcast_in_dim3A_441 : vector<16xf32>
          %add3A_460 = arith.constant 32 : i32
          %add3A_461 = arith.addi %mul3A_436, %add3A_460 : i32
          %get3A_462 = arith.index_cast %while3A_423 : i32 to index
          %get3A_463 = arith.index_cast %add3A_461 : i32 to index
          %get3A_464 = tpu.vector_load %arg16[%get3A_462, %get3A_463] {strides = array<i32>} : memref<128x128xi32, #tpu.memory_space<vmem>>, vector<16xi32>,
          %bitcast3A_465 = vector.bitcast %get3A_464 : vector<16xi32> to vector<32xbf16>
          %unpack3A_466 = tpu.unpack_subelements %bitcast3A_465, 0 {pack_format = #tpu.pack_format<interleaved>} : vector<32xbf16> -> vector<16xf32>
          %unpack3A_467 = tpu.unpack_subelements %bitcast3A_465, 1 {pack_format = #tpu.pack_format<interleaved>} : vector<32xbf16> -> vector<16xf32>
          %mul3A_468 = arith.mulf %unpack3A_466, %broadcast_in_dim3A_441 : vector<16xf32>
          %mul3A_469 = arith.mulf %unpack3A_467, %broadcast_in_dim3A_441 : vector<16xf32>
          %add3A_470 = arith.constant 48 : i32
          %add3A_471 = arith.addi %mul3A_436, %add3A_470 : i32
          %get3A_472 = arith.index_cast %while3A_423 : i32 to index
          %get3A_473 = arith.index_cast %add3A_471 : i32 to index
          %get3A_474 = tpu.vector_load %arg16[%get3A_472, %get3A_473] {strides = array<i32>} : memref<128x128xi32, #tpu.memory_space<vmem>>, vector<16xi32>,
          %bitcast3A_475 = vector.bitcast %get3A_474 : vector<16xi32> to vector<32xbf16>
          %unpack3A_476 = tpu.unpack_subelements %bitcast3A_475, 0 {pack_format = #tpu.pack_format<interleaved>} : vector<32xbf16> -> vector<16xf32>
          %unpack3A_477 = tpu.unpack_subelements %bitcast3A_475, 1 {pack_format = #tpu.pack_format<interleaved>} : vector<32xbf16> -> vector<16xf32>
          %mul3A_478 = arith.mulf %unpack3A_476, %broadcast_in_dim3A_441 : vector<16xf32>
          %mul3A_479 = arith.mulf %unpack3A_477, %broadcast_in_dim3A_441 : vector<16xf32>
          %jit3A_480 = arith.constant 0.000000e+00 : f32
          %broadcast_in_dim3A_481 = vector.broadcast %jit3A_480 : f32 to vector<16xf32>
          %select_n3A_482 = arith.select %eq3A_12, %broadcast_in_dim3A_441, %broadcast_in_dim3A_481 : vector<16xi1>, vector<16xf32>
          %swap3A = arith.index_cast %and3A_433 : i32 to index
          %swap3A_483 = tpu.vector_load %arg18[%swap3A] {strides = array<i32>} : memref<336xf32, #tpu.memory_space<vmem>>, vector<16xf32>,
          tpu.vector_store %arg18[%swap3A], %select_n3A_482 {add = true, strides = array<i32>} : memref<336xf32, #tpu.memory_space<vmem>>, vector<16xf32>,
          %swap3A_484 = arith.index_cast %and3A_433 : i32 to index
          %swap3A_485 = arith.constant 0 : index
          %swap3A_486 = tpu.vector_load %arg17[%swap3A_484, %swap3A_485] {strides = array<i32>} : memref<320x128xf32, #tpu.memory_space<vmem>>, vector<16xf32>,
          tpu.vector_store %arg17[%swap3A_484, %swap3A_485], %mul3A_448 {add = true, strides = array<i32>} : memref<320x128xf32, #tpu.memory_space<vmem>>, vector<16xf32>,
          %swap3A_487 = arith.index_cast %and3A_433 : i32 to index
          %swap3A_488 = arith.constant 16 : index
          %swap3A_489 = tpu.vector_load %arg17[%swap3A_487, %swap3A_488] {strides = array<i32>} : memref<320x128xf32, #tpu.memory_space<vmem>>, vector<16xf32>,
          tpu.vector_store %arg17[%swap3A_487, %swap3A_488], %mul3A_449 {add = true, strides = array<i32>} : memref<320x128xf32, #tpu.memory_space<vmem>>, vector<16xf32>,
          %swap3A_490 = arith.index_cast %and3A_433 : i32 to index
          %swap3A_491 = arith.constant 32 : index
          %swap3A_492 = tpu.vector_load %arg17[%swap3A_490, %swap3A_491] {strides = array<i32>} : memref<320x128xf32, #tpu.memory_space<vmem>>, vector<16xf32>,
          tpu.vector_store %arg17[%swap3A_490, %swap3A_491], %mul3A_458 {add = true, strides = array<i32>} : memref<320x128xf32, #tpu.memory_space<vmem>>, vector<16xf32>,
          %swap3A_493 = arith.index_cast %and3A_433 : i32 to index
          %swap3A_494 = arith.constant 48 : index
          %swap3A_495 = tpu.vector_load %arg17[%swap3A_493, %swap3A_494] {strides = array<i32>} : memref<320x128xf32, #tpu.memory_space<vmem>>, vector<16xf32>,
          tpu.vector_store %arg17[%swap3A_493, %swap3A_494], %mul3A_459 {add = true, strides = array<i32>} : memref<320x128xf32, #tpu.memory_space<vmem>>, vector<16xf32>,
          %swap3A_496 = arith.index_cast %and3A_433 : i32 to index
          %swap3A_497 = arith.constant 64 : index
          %swap3A_498 = tpu.vector_load %arg17[%swap3A_496, %swap3A_497] {strides = array<i32>} : memref<320x128xf32, #tpu.memory_space<vmem>>, vector<16xf32>,
          tpu.vector_store %arg17[%swap3A_496, %swap3A_497], %mul3A_468 {add = true, strides = array<i32>} : memref<320x128xf32, #tpu.memory_space<vmem>>, vector<16xf32>,
          %swap3A_499 = arith.index_cast %and3A_433 : i32 to index
          %swap3A_500 = arith.constant 80 : index
          %swap3A_501 = tpu.vector_load %arg17[%swap3A_499, %swap3A_500] {strides = array<i32>} : memref<320x128xf32, #tpu.memory_space<vmem>>, vector<16xf32>,
          tpu.vector_store %arg17[%swap3A_499, %swap3A_500], %mul3A_469 {add = true, strides = array<i32>} : memref<320x128xf32, #tpu.memory_space<vmem>>, vector<16xf32>,
          %swap3A_502 = arith.index_cast %and3A_433 : i32 to index
          %swap3A_503 = arith.constant 96 : index
          %swap3A_504 = tpu.vector_load %arg17[%swap3A_502, %swap3A_503] {strides = array<i32>} : memref<320x128xf32, #tpu.memory_space<vmem>>, vector<16xf32>,
          tpu.vector_store %arg17[%swap3A_502, %swap3A_503], %mul3A_478 {add = true, strides = array<i32>} : memref<320x128xf32, #tpu.memory_space<vmem>>, vector<16xf32>,
          %swap3A_505 = arith.index_cast %and3A_433 : i32 to index
          %swap3A_506 = arith.constant 112 : index
          %swap3A_507 = tpu.vector_load %arg17[%swap3A_505, %swap3A_506] {strides = array<i32>} : memref<320x128xf32, #tpu.memory_space<vmem>>, vector<16xf32>,
          tpu.vector_store %arg17[%swap3A_505, %swap3A_506], %mul3A_479 {add = true, strides = array<i32>} : memref<320x128xf32, #tpu.memory_space<vmem>>, vector<16xf32>,
          scf.yield %squeeze3A_431 : i32
        }
        %while3A_422 = arith.constant 0 : i32
        scf.yield %while3A_422 : i32
      }
      %while3A_246 = arith.constant 1 : i32
      %while3A_247 = scf.for %while3A_249 = %while3A_243 to %while3A_239 step %while3A_246 iter_args(%while3A_250 = %while3A_245) -> (i32)  : i32 {
        %mul3A_251 = arith.constant 128 : i32
        %mul3A_252 = arith.muli %while3A_249, %mul3A_251 : i32
        %add3A_253 = arith.constant 0 : i32
        %add3A_254 = arith.addi %mul3A_252, %add3A_253 : i32
        %dma_start3A_255 = arith.constant 0 : i32
        %dma_start3A_256 = arith.constant 0 : i32
        %dma_start3A_257 = tpu.memref_slice %arg16[%dma_start3A_255, %dma_start3A_256] : memref<128x128xi32, #tpu.memory_space<vmem>> -> memref<16x128xi32, #tpu.memory_space<vmem>>
        %dma_start3A_258 = tpu.memref_slice %arg14[%add3A_254] : memref<3344xi32, #tpu.memory_space<vmem>> -> memref<16xi32, #tpu.memory_space<vmem>>
        %dma_start3A_259 = arith.constant 0 : i32
        %dma_start3A_260 = arith.constant 0 : i32
        %dma_start3A_261 = tpu.memref_slice %arg19[%dma_start3A_259, %dma_start3A_260] : memref<5000x128xi32, #tpu.memory_space<vmem_shared>> -> memref<5000x128xi32, #tpu.memory_space<vmem_shared>>
        tpu.enqueue_indirect_dma source(%dma_start3A_261 : memref<5000x128xi32, #tpu.memory_space<vmem_shared>>) target(%dma_start3A_257 : memref<16x128xi32, #tpu.memory_space<vmem>>) offsets(%dma_start3A_258 : memref<16xi32, #tpu.memory_space<vmem>>) semaphore(%arg21 : memref<!tpu.dma_semaphore, #tpu.memory_space<semaphore_mem>>)
        %add3A_262 = arith.constant 16 : i32
        %add3A_263 = arith.addi %mul3A_252, %add3A_262 : i32
        %dma_start3A_264 = arith.constant 16 : i32
        %dma_start3A_265 = arith.constant 0 : i32
        %dma_start3A_266 = tpu.memref_slice %arg16[%dma_start3A_264, %dma_start3A_265] : memref<128x128xi32, #tpu.memory_space<vmem>> -> memref<16x128xi32, #tpu.memory_space<vmem>>
        %dma_start3A_267 = tpu.memref_slice %arg14[%add3A_263] : memref<3344xi32, #tpu.memory_space<vmem>> -> memref<16xi32, #tpu.memory_space<vmem>>
        %dma_start3A_268 = arith.constant 0 : i32
        %dma_start3A_269 = arith.constant 0 : i32
        %dma_start3A_270 = tpu.memref_slice %arg19[%dma_start3A_268, %dma_start3A_269] : memref<5000x128xi32, #tpu.memory_space<vmem_shared>> -> memref<5000x128xi32, #tpu.memory_space<vmem_shared>>
        tpu.enqueue_indirect_dma source(%dma_start3A_270 : memref<5000x128xi32, #tpu.memory_space<vmem_shared>>) target(%dma_start3A_266 : memref<16x128xi32, #tpu.memory_space<vmem>>) offsets(%dma_start3A_267 : memref<16xi32, #tpu.memory_space<vmem>>) semaphore(%arg21 : memref<!tpu.dma_semaphore, #tpu.memory_space<semaphore_mem>>)
        %add3A_271 = arith.constant 32 : i32
        %add3A_272 = arith.addi %mul3A_252, %add3A_271 : i32
        %dma_start3A_273 = arith.constant 32 : i32
        %dma_start3A_274 = arith.constant 0 : i32
        %dma_start3A_275 = tpu.memref_slice %arg16[%dma_start3A_273, %dma_start3A_274] : memref<128x128xi32, #tpu.memory_space<vmem>> -> memref<16x128xi32, #tpu.memory_space<vmem>>
        %dma_start3A_276 = tpu.memref_slice %arg14[%add3A_272] : memref<3344xi32, #tpu.memory_space<vmem>> -> memref<16xi32, #tpu.memory_space<vmem>>
        %dma_start3A_277 = arith.constant 0 : i32
        %dma_start3A_278 = arith.constant 0 : i32
        %dma_start3A_279 = tpu.memref_slice %arg19[%dma_start3A_277, %dma_start3A_278] : memref<5000x128xi32, #tpu.memory_space<vmem_shared>> -> memref<5000x128xi32, #tpu.memory_space<vmem_shared>>
        tpu.enqueue_indirect_dma source(%dma_start3A_279 : memref<5000x128xi32, #tpu.memory_space<vmem_shared>>) target(%dma_start3A_275 : memref<16x128xi32, #tpu.memory_space<vmem>>) offsets(%dma_start3A_276 : memref<16xi32, #tpu.memory_space<vmem>>) semaphore(%arg21 : memref<!tpu.dma_semaphore, #tpu.memory_space<semaphore_mem>>)
        %add3A_280 = arith.constant 48 : i32
        %add3A_281 = arith.addi %mul3A_252, %add3A_280 : i32
        %dma_start3A_282 = arith.constant 48 : i32
        %dma_start3A_283 = arith.constant 0 : i32
        %dma_start3A_284 = tpu.memref_slice %arg16[%dma_start3A_282, %dma_start3A_283] : memref<128x128xi32, #tpu.memory_space<vmem>> -> memref<16x128xi32, #tpu.memory_space<vmem>>
        %dma_start3A_285 = tpu.memref_slice %arg14[%add3A_281] : memref<3344xi32, #tpu.memory_space<vmem>> -> memref<16xi32, #tpu.memory_space<vmem>>
        %dma_start3A_286 = arith.constant 0 : i32
        %dma_start3A_287 = arith.constant 0 : i32
        %dma_start3A_288 = tpu.memref_slice %arg19[%dma_start3A_286, %dma_start3A_287] : memref<5000x128xi32, #tpu.memory_space<vmem_shared>> -> memref<5000x128xi32, #tpu.memory_space<vmem_shared>>
        tpu.enqueue_indirect_dma source(%dma_start3A_288 : memref<5000x128xi32, #tpu.memory_space<vmem_shared>>) target(%dma_start3A_284 : memref<16x128xi32, #tpu.memory_space<vmem>>) offsets(%dma_start3A_285 : memref<16xi32, #tpu.memory_space<vmem>>) semaphore(%arg21 : memref<!tpu.dma_semaphore, #tpu.memory_space<semaphore_mem>>)
        %add3A_289 = arith.constant 64 : i32
        %add3A_290 = arith.addi %mul3A_252, %add3A_289 : i32
        %dma_start3A_291 = arith.constant 64 : i32
        %dma_start3A_292 = arith.constant 0 : i32
        %dma_start3A_293 = tpu.memref_slice %arg16[%dma_start3A_291, %dma_start3A_292] : memref<128x128xi32, #tpu.memory_space<vmem>> -> memref<16x128xi32, #tpu.memory_space<vmem>>
        %dma_start3A_294 = tpu.memref_slice %arg14[%add3A_290] : memref<3344xi32, #tpu.memory_space<vmem>> -> memref<16xi32, #tpu.memory_space<vmem>>
        %dma_start3A_295 = arith.constant 0 : i32
        %dma_start3A_296 = arith.constant 0 : i32
        %dma_start3A_297 = tpu.memref_slice %arg19[%dma_start3A_295, %dma_start3A_296] : memref<5000x128xi32, #tpu.memory_space<vmem_shared>> -> memref<5000x128xi32, #tpu.memory_space<vmem_shared>>
        tpu.enqueue_indirect_dma source(%dma_start3A_297 : memref<5000x128xi32, #tpu.memory_space<vmem_shared>>) target(%dma_start3A_293 : memref<16x128xi32, #tpu.memory_space<vmem>>) offsets(%dma_start3A_294 : memref<16xi32, #tpu.memory_space<vmem>>) semaphore(%arg21 : memref<!tpu.dma_semaphore, #tpu.memory_space<semaphore_mem>>)
        %add3A_298 = arith.constant 80 : i32
        %add3A_299 = arith.addi %mul3A_252, %add3A_298 : i32
        %dma_start3A_300 = arith.constant 80 : i32
        %dma_start3A_301 = arith.constant 0 : i32
        %dma_start3A_302 = tpu.memref_slice %arg16[%dma_start3A_300, %dma_start3A_301] : memref<128x128xi32, #tpu.memory_space<vmem>> -> memref<16x128xi32, #tpu.memory_space<vmem>>
        %dma_start3A_303 = tpu.memref_slice %arg14[%add3A_299] : memref<3344xi32, #tpu.memory_space<vmem>> -> memref<16xi32, #tpu.memory_space<vmem>>
        %dma_start3A_304 = arith.constant 0 : i32
        %dma_start3A_305 = arith.constant 0 : i32
        %dma_start3A_306 = tpu.memref_slice %arg19[%dma_start3A_304, %dma_start3A_305] : memref<5000x128xi32, #tpu.memory_space<vmem_shared>> -> memref<5000x128xi32, #tpu.memory_space<vmem_shared>>
        tpu.enqueue_indirect_dma source(%dma_start3A_306 : memref<5000x128xi32, #tpu.memory_space<vmem_shared>>) target(%dma_start3A_302 : memref<16x128xi32, #tpu.memory_space<vmem>>) offsets(%dma_start3A_303 : memref<16xi32, #tpu.memory_space<vmem>>) semaphore(%arg21 : memref<!tpu.dma_semaphore, #tpu.memory_space<semaphore_mem>>)
        %add3A_307 = arith.constant 96 : i32
        %add3A_308 = arith.addi %mul3A_252, %add3A_307 : i32
        %dma_start3A_309 = arith.constant 96 : i32
        %dma_start3A_310 = arith.constant 0 : i32
        %dma_start3A_311 = tpu.memref_slice %arg16[%dma_start3A_309, %dma_start3A_310] : memref<128x128xi32, #tpu.memory_space<vmem>> -> memref<16x128xi32, #tpu.memory_space<vmem>>
        %dma_start3A_312 = tpu.memref_slice %arg14[%add3A_308] : memref<3344xi32, #tpu.memory_space<vmem>> -> memref<16xi32, #tpu.memory_space<vmem>>
        %dma_start3A_313 = arith.constant 0 : i32
        %dma_start3A_314 = arith.constant 0 : i32
        %dma_start3A_315 = tpu.memref_slice %arg19[%dma_start3A_313, %dma_start3A_314] : memref<5000x128xi32, #tpu.memory_space<vmem_shared>> -> memref<5000x128xi32, #tpu.memory_space<vmem_shared>>
        tpu.enqueue_indirect_dma source(%dma_start3A_315 : memref<5000x128xi32, #tpu.memory_space<vmem_shared>>) target(%dma_start3A_311 : memref<16x128xi32, #tpu.memory_space<vmem>>) offsets(%dma_start3A_312 : memref<16xi32, #tpu.memory_space<vmem>>) semaphore(%arg21 : memref<!tpu.dma_semaphore, #tpu.memory_space<semaphore_mem>>)
        %add3A_316 = arith.constant 112 : i32
        %add3A_317 = arith.addi %mul3A_252, %add3A_316 : i32
        %dma_start3A_318 = arith.constant 112 : i32
        %dma_start3A_319 = arith.constant 0 : i32
        %dma_start3A_320 = tpu.memref_slice %arg16[%dma_start3A_318, %dma_start3A_319] : memref<128x128xi32, #tpu.memory_space<vmem>> -> memref<16x128xi32, #tpu.memory_space<vmem>>
        %dma_start3A_321 = tpu.memref_slice %arg14[%add3A_317] : memref<3344xi32, #tpu.memory_space<vmem>> -> memref<16xi32, #tpu.memory_space<vmem>>
        %dma_start3A_322 = arith.constant 0 : i32
        %dma_start3A_323 = arith.constant 0 : i32
        %dma_start3A_324 = tpu.memref_slice %arg19[%dma_start3A_322, %dma_start3A_323] : memref<5000x128xi32, #tpu.memory_space<vmem_shared>> -> memref<5000x128xi32, #tpu.memory_space<vmem_shared>>
        tpu.enqueue_indirect_dma source(%dma_start3A_324 : memref<5000x128xi32, #tpu.memory_space<vmem_shared>>) target(%dma_start3A_320 : memref<16x128xi32, #tpu.memory_space<vmem>>) offsets(%dma_start3A_321 : memref<16xi32, #tpu.memory_space<vmem>>) semaphore(%arg21 : memref<!tpu.dma_semaphore, #tpu.memory_space<semaphore_mem>>)
        %scan3A_325 = arith.constant 0 : i32
        %scan3A_326 = arith.constant 0 : i32
        %scan3A_327 = arith.constant 8 : i32
        %scan3A_328 = arith.addi %scan3A_326, %scan3A_327 : i32
        %scan3A_329 = arith.constant 4 : i32
        %scan3A_330 = scf.for %scan3A_423 = %scan3A_326 to %scan3A_328 step %scan3A_329 iter_args(%scan3A_424 = %scan3A_325) -> (i32)  : i32 {
          %mul3A_425 = arith.constant 16 : i32
          %mul3A_426 = arith.muli %scan3A_423, %mul3A_425 : i32
          %add3A_427 = arith.addi %mul3A_252, %mul3A_426 : i32
          %get3A_428 = arith.index_cast %add3A_427 : i32 to index
          %get3A_429 = tpu.vector_load %arg13[%get3A_428] {strides = array<i32>} : memref<3344xi32, #tpu.memory_space<vmem>>, vector<16xi32>,
          %and3A_430 = arith.constant 4095 : i32
          %and3A_431 = vector.broadcast %and3A_430 : i32 to vector<16xi32>
          %and3A_432 = arith.andi %get3A_429, %and3A_431 : vector<16xi32>
          %get3A_433 = arith.index_cast %add3A_427 : i32 to index
          %get3A_434 = tpu.vector_load %arg14[%get3A_433] {strides = array<i32>} : memref<3344xi32, #tpu.memory_space<vmem>>, vector<16xi32>,
          %shift_left3A = arith.constant 1 : i32
          %shift_left3A_435 = vector.broadcast %shift_left3A : i32 to vector<16xi32>
          %shift_left3A_436 = arith.shli %get3A_434, %shift_left3A_435 : vector<16xi32>
          %shift_right_logical3A = arith.constant 12 : i32
          %shift_right_logical3A_437 = vector.broadcast %shift_right_logical3A : i32 to vector<16xi32>
          %shift_right_logical3A_438 = arith.shrui %get3A_429, %shift_right_logical3A_437 : vector<16xi32>
          %and3A_439 = arith.constant 1 : i32
          %and3A_440 = vector.broadcast %and3A_439 : i32 to vector<16xi32>
          %and3A_441 = arith.andi %shift_right_logical3A_438, %and3A_440 : vector<16xi32>
          %or3A = arith.ori %shift_left3A_436, %and3A_441 : vector<16xi32>
          %gather3A = tpu.vector_load_idx %arg9[%and3A_432] : memref<320xf32, #tpu.memory_space<vmem>>[vector<16xi32>], vector<16xf32>,
          %gather3A_442 = tpu.vector_load_idx %arg10[%or3A] : memref<10240xf32, #tpu.memory_space<vmem>>[vector<16xi32>], vector<16xf32>,
          %add3A_443 = arith.addf %gather3A, %gather3A_442 : vector<16xf32>
          %ge3A = arith.constant 0.000000e+00 : f32
          %ge3A_444 = vector.broadcast %ge3A : f32 to vector<16xf32>
          %ge3A_445 = arith.cmpf oge, %add3A_443, %ge3A_444 : vector<16xf32>
          %mul3A_446 = arith.constant 0.00999999977 : f32
          %mul3A_447 = vector.broadcast %mul3A_446 : f32 to vector<16xf32>
          %mul3A_448 = arith.mulf %mul3A_447, %add3A_443 : vector<16xf32>
          %select_n3A_449 = arith.select %ge3A_445, %add3A_443, %mul3A_448 : vector<16xi1>, vector<16xf32>
          %max3A = arith.constant -2.000000e+00 : f32
          %max3A_450 = vector.broadcast %max3A : f32 to vector<16xf32>
          %max3A_451 = arith.maximumf %select_n3A_449, %max3A_450 : vector<16xf32>
          %min3A_452 = arith.constant 2.000000e+00 : f32
          %min3A_453 = vector.broadcast %min3A_452 : f32 to vector<16xf32>
          %min3A_454 = arith.minimumf %max3A_451, %min3A_453 : vector<16xf32>
          %mul3A_455 = arith.constant 16 : i32
          %mul3A_456 = arith.muli %scan3A_423, %mul3A_455 : i32
          %add3A_457 = arith.addi %mul3A_252, %mul3A_456 : i32
          %iota3A_458 = tpu.iota {dimensions = array<i32: 0>} : vector<16xi32>
          %add3A_459 = vector.broadcast %add3A_457 : i32 to vector<16xi32>
          %add3A_460 = arith.addi %add3A_459, %iota3A_458 : vector<16xi32>
          %lt3A_461 = vector.broadcast %scan3A_54 : i32 to vector<16xi32>
          %lt3A_462 = arith.cmpi slt, %add3A_460, %lt3A_461 : vector<16xi32>
          %exp3A = math.exp %min3A_454 : vector<16xf32>
          %jit3A_463 = arith.constant 0.000000e+00 : f32
          %broadcast_in_dim3A_464 = vector.broadcast %jit3A_463 : f32 to vector<16xf32>
          %select_n3A_465 = arith.select %lt3A_462, %exp3A, %broadcast_in_dim3A_464 : vector<16xi1>, vector<16xf32>
          %mul3A_466 = arith.constant 16 : i32
          %mul3A_467 = arith.muli %scan3A_423, %mul3A_466 : i32
          %swap3A = arith.index_cast %mul3A_467 : i32 to index
          %swap3A_468 = tpu.vector_load %arg15[%swap3A] {strides = array<i32>} : memref<144xf32, #tpu.memory_space<vmem>>, vector<16xf32>,
          tpu.vector_store %arg15[%swap3A], %select_n3A_465 {strides = array<i32>} : memref<144xf32, #tpu.memory_space<vmem>>, vector<16xf32>,
          %scan3A_469 = arith.constant 0 : i32
          %scan3A_470 = arith.constant 1 : i32
          %scan3A_471 = arith.addi %scan3A_423, %scan3A_470 : i32
          %mul3A_472 = arith.constant 16 : i32
          %mul3A_473 = arith.muli %scan3A_471, %mul3A_472 : i32
          %add3A_474 = arith.addi %mul3A_252, %mul3A_473 : i32
          %get3A_475 = arith.index_cast %add3A_474 : i32 to index
          %get3A_476 = tpu.vector_load %arg13[%get3A_475] {strides = array<i32>} : memref<3344xi32, #tpu.memory_space<vmem>>, vector<16xi32>,
          %and3A_477 = arith.constant 4095 : i32
          %and3A_478 = vector.broadcast %and3A_477 : i32 to vector<16xi32>
          %and3A_479 = arith.andi %get3A_476, %and3A_478 : vector<16xi32>
          %get3A_480 = arith.index_cast %add3A_474 : i32 to index
          %get3A_481 = tpu.vector_load %arg14[%get3A_480] {strides = array<i32>} : memref<3344xi32, #tpu.memory_space<vmem>>, vector<16xi32>,
          %shift_left3A_482 = arith.constant 1 : i32
          %shift_left3A_483 = vector.broadcast %shift_left3A_482 : i32 to vector<16xi32>
          %shift_left3A_484 = arith.shli %get3A_481, %shift_left3A_483 : vector<16xi32>
          %shift_right_logical3A_485 = arith.constant 12 : i32
          %shift_right_logical3A_486 = vector.broadcast %shift_right_logical3A_485 : i32 to vector<16xi32>
          %shift_right_logical3A_487 = arith.shrui %get3A_476, %shift_right_logical3A_486 : vector<16xi32>
          %and3A_488 = arith.constant 1 : i32
          %and3A_489 = vector.broadcast %and3A_488 : i32 to vector<16xi32>
          %and3A_490 = arith.andi %shift_right_logical3A_487, %and3A_489 : vector<16xi32>
          %or3A_491 = arith.ori %shift_left3A_484, %and3A_490 : vector<16xi32>
          %gather3A_492 = tpu.vector_load_idx %arg9[%and3A_479] : memref<320xf32, #tpu.memory_space<vmem>>[vector<16xi32>], vector<16xf32>,
          %gather3A_493 = tpu.vector_load_idx %arg10[%or3A_491] : memref<10240xf32, #tpu.memory_space<vmem>>[vector<16xi32>], vector<16xf32>,
          %add3A_494 = arith.addf %gather3A_492, %gather3A_493 : vector<16xf32>
          %ge3A_495 = arith.constant 0.000000e+00 : f32
          %ge3A_496 = vector.broadcast %ge3A_495 : f32 to vector<16xf32>
          %ge3A_497 = arith.cmpf oge, %add3A_494, %ge3A_496 : vector<16xf32>
          %mul3A_498 = arith.constant 0.00999999977 : f32
          %mul3A_499 = vector.broadcast %mul3A_498 : f32 to vector<16xf32>
          %mul3A_500 = arith.mulf %mul3A_499, %add3A_494 : vector<16xf32>
          %select_n3A_501 = arith.select %ge3A_497, %add3A_494, %mul3A_500 : vector<16xi1>, vector<16xf32>
          %max3A_502 = arith.constant -2.000000e+00 : f32
          %max3A_503 = vector.broadcast %max3A_502 : f32 to vector<16xf32>
          %max3A_504 = arith.maximumf %select_n3A_501, %max3A_503 : vector<16xf32>
          %min3A_505 = arith.constant 2.000000e+00 : f32
          %min3A_506 = vector.broadcast %min3A_505 : f32 to vector<16xf32>
          %min3A_507 = arith.minimumf %max3A_504, %min3A_506 : vector<16xf32>
          %mul3A_508 = arith.constant 16 : i32
          %mul3A_509 = arith.muli %scan3A_471, %mul3A_508 : i32
          %add3A_510 = arith.addi %mul3A_252, %mul3A_509 : i32
          %iota3A_511 = tpu.iota {dimensions = array<i32: 0>} : vector<16xi32>
          %add3A_512 = vector.broadcast %add3A_510 : i32 to vector<16xi32>
          %add3A_513 = arith.addi %add3A_512, %iota3A_511 : vector<16xi32>
          %lt3A_514 = vector.broadcast %scan3A_54 : i32 to vector<16xi32>
          %lt3A_515 = arith.cmpi slt, %add3A_513, %lt3A_514 : vector<16xi32>
          %exp3A_516 = math.exp %min3A_507 : vector<16xf32>
          %jit3A_517 = arith.constant 0.000000e+00 : f32
          %broadcast_in_dim3A_518 = vector.broadcast %jit3A_517 : f32 to vector<16xf32>
          %select_n3A_519 = arith.select %lt3A_515, %exp3A_516, %broadcast_in_dim3A_518 : vector<16xi1>, vector<16xf32>
          %mul3A_520 = arith.constant 16 : i32
          %mul3A_521 = arith.muli %scan3A_471, %mul3A_520 : i32
          %swap3A_522 = arith.index_cast %mul3A_521 : i32 to index
          %swap3A_523 = tpu.vector_load %arg15[%swap3A_522] {strides = array<i32>} : memref<144xf32, #tpu.memory_space<vmem>>, vector<16xf32>,
          tpu.vector_store %arg15[%swap3A_522], %select_n3A_519 {strides = array<i32>} : memref<144xf32, #tpu.memory_space<vmem>>, vector<16xf32>,
          %scan3A_524 = arith.constant 0 : i32
          %scan3A_525 = arith.constant 2 : i32
          %scan3A_526 = arith.addi %scan3A_423, %scan3A_525 : i32
          %mul3A_527 = arith.constant 16 : i32
          %mul3A_528 = arith.muli %scan3A_526, %mul3A_527 : i32
          %add3A_529 = arith.addi %mul3A_252, %mul3A_528 : i32
          %get3A_530 = arith.index_cast %add3A_529 : i32 to index
          %get3A_531 = tpu.vector_load %arg13[%get3A_530] {strides = array<i32>} : memref<3344xi32, #tpu.memory_space<vmem>>, vector<16xi32>,
          %and3A_532 = arith.constant 4095 : i32
          %and3A_533 = vector.broadcast %and3A_532 : i32 to vector<16xi32>
          %and3A_534 = arith.andi %get3A_531, %and3A_533 : vector<16xi32>
          %get3A_535 = arith.index_cast %add3A_529 : i32 to index
          %get3A_536 = tpu.vector_load %arg14[%get3A_535] {strides = array<i32>} : memref<3344xi32, #tpu.memory_space<vmem>>, vector<16xi32>,
          %shift_left3A_537 = arith.constant 1 : i32
          %shift_left3A_538 = vector.broadcast %shift_left3A_537 : i32 to vector<16xi32>
          %shift_left3A_539 = arith.shli %get3A_536, %shift_left3A_538 : vector<16xi32>
          %shift_right_logical3A_540 = arith.constant 12 : i32
          %shift_right_logical3A_541 = vector.broadcast %shift_right_logical3A_540 : i32 to vector<16xi32>
          %shift_right_logical3A_542 = arith.shrui %get3A_531, %shift_right_logical3A_541 : vector<16xi32>
          %and3A_543 = arith.constant 1 : i32
          %and3A_544 = vector.broadcast %and3A_543 : i32 to vector<16xi32>
          %and3A_545 = arith.andi %shift_right_logical3A_542, %and3A_544 : vector<16xi32>
          %or3A_546 = arith.ori %shift_left3A_539, %and3A_545 : vector<16xi32>
          %gather3A_547 = tpu.vector_load_idx %arg9[%and3A_534] : memref<320xf32, #tpu.memory_space<vmem>>[vector<16xi32>], vector<16xf32>,
          %gather3A_548 = tpu.vector_load_idx %arg10[%or3A_546] : memref<10240xf32, #tpu.memory_space<vmem>>[vector<16xi32>], vector<16xf32>,
          %add3A_549 = arith.addf %gather3A_547, %gather3A_548 : vector<16xf32>
          %ge3A_550 = arith.constant 0.000000e+00 : f32
          %ge3A_551 = vector.broadcast %ge3A_550 : f32 to vector<16xf32>
          %ge3A_552 = arith.cmpf oge, %add3A_549, %ge3A_551 : vector<16xf32>
          %mul3A_553 = arith.constant 0.00999999977 : f32
          %mul3A_554 = vector.broadcast %mul3A_553 : f32 to vector<16xf32>
          %mul3A_555 = arith.mulf %mul3A_554, %add3A_549 : vector<16xf32>
          %select_n3A_556 = arith.select %ge3A_552, %add3A_549, %mul3A_555 : vector<16xi1>, vector<16xf32>
          %max3A_557 = arith.constant -2.000000e+00 : f32
          %max3A_558 = vector.broadcast %max3A_557 : f32 to vector<16xf32>
          %max3A_559 = arith.maximumf %select_n3A_556, %max3A_558 : vector<16xf32>
          %min3A_560 = arith.constant 2.000000e+00 : f32
          %min3A_561 = vector.broadcast %min3A_560 : f32 to vector<16xf32>
          %min3A_562 = arith.minimumf %max3A_559, %min3A_561 : vector<16xf32>
          %mul3A_563 = arith.constant 16 : i32
          %mul3A_564 = arith.muli %scan3A_526, %mul3A_563 : i32
          %add3A_565 = arith.addi %mul3A_252, %mul3A_564 : i32
          %iota3A_566 = tpu.iota {dimensions = array<i32: 0>} : vector<16xi32>
          %add3A_567 = vector.broadcast %add3A_565 : i32 to vector<16xi32>
          %add3A_568 = arith.addi %add3A_567, %iota3A_566 : vector<16xi32>
          %lt3A_569 = vector.broadcast %scan3A_54 : i32 to vector<16xi32>
          %lt3A_570 = arith.cmpi slt, %add3A_568, %lt3A_569 : vector<16xi32>
          %exp3A_571 = math.exp %min3A_562 : vector<16xf32>
          %jit3A_572 = arith.constant 0.000000e+00 : f32
          %broadcast_in_dim3A_573 = vector.broadcast %jit3A_572 : f32 to vector<16xf32>
          %select_n3A_574 = arith.select %lt3A_570, %exp3A_571, %broadcast_in_dim3A_573 : vector<16xi1>, vector<16xf32>
          %mul3A_575 = arith.constant 16 : i32
          %mul3A_576 = arith.muli %scan3A_526, %mul3A_575 : i32
          %swap3A_577 = arith.index_cast %mul3A_576 : i32 to index
          %swap3A_578 = tpu.vector_load %arg15[%swap3A_577] {strides = array<i32>} : memref<144xf32, #tpu.memory_space<vmem>>, vector<16xf32>,
          tpu.vector_store %arg15[%swap3A_577], %select_n3A_574 {strides = array<i32>} : memref<144xf32, #tpu.memory_space<vmem>>, vector<16xf32>,
          %scan3A_579 = arith.constant 0 : i32
          %scan3A_580 = arith.constant 3 : i32
          %scan3A_581 = arith.addi %scan3A_423, %scan3A_580 : i32
          %mul3A_582 = arith.constant 16 : i32
          %mul3A_583 = arith.muli %scan3A_581, %mul3A_582 : i32
          %add3A_584 = arith.addi %mul3A_252, %mul3A_583 : i32
          %get3A_585 = arith.index_cast %add3A_584 : i32 to index
          %get3A_586 = tpu.vector_load %arg13[%get3A_585] {strides = array<i32>} : memref<3344xi32, #tpu.memory_space<vmem>>, vector<16xi32>,
          %and3A_587 = arith.constant 4095 : i32
          %and3A_588 = vector.broadcast %and3A_587 : i32 to vector<16xi32>
          %and3A_589 = arith.andi %get3A_586, %and3A_588 : vector<16xi32>
          %get3A_590 = arith.index_cast %add3A_584 : i32 to index
          %get3A_591 = tpu.vector_load %arg14[%get3A_590] {strides = array<i32>} : memref<3344xi32, #tpu.memory_space<vmem>>, vector<16xi32>,
          %shift_left3A_592 = arith.constant 1 : i32
          %shift_left3A_593 = vector.broadcast %shift_left3A_592 : i32 to vector<16xi32>
          %shift_left3A_594 = arith.shli %get3A_591, %shift_left3A_593 : vector<16xi32>
          %shift_right_logical3A_595 = arith.constant 12 : i32
          %shift_right_logical3A_596 = vector.broadcast %shift_right_logical3A_595 : i32 to vector<16xi32>
          %shift_right_logical3A_597 = arith.shrui %get3A_586, %shift_right_logical3A_596 : vector<16xi32>
          %and3A_598 = arith.constant 1 : i32
          %and3A_599 = vector.broadcast %and3A_598 : i32 to vector<16xi32>
          %and3A_600 = arith.andi %shift_right_logical3A_597, %and3A_599 : vector<16xi32>
          %or3A_601 = arith.ori %shift_left3A_594, %and3A_600 : vector<16xi32>
          %gather3A_602 = tpu.vector_load_idx %arg9[%and3A_589] : memref<320xf32, #tpu.memory_space<vmem>>[vector<16xi32>], vector<16xf32>,
          %gather3A_603 = tpu.vector_load_idx %arg10[%or3A_601] : memref<10240xf32, #tpu.memory_space<vmem>>[vector<16xi32>], vector<16xf32>,
          %add3A_604 = arith.addf %gather3A_602, %gather3A_603 : vector<16xf32>
          %ge3A_605 = arith.constant 0.000000e+00 : f32
          %ge3A_606 = vector.broadcast %ge3A_605 : f32 to vector<16xf32>
          %ge3A_607 = arith.cmpf oge, %add3A_604, %ge3A_606 : vector<16xf32>
          %mul3A_608 = arith.constant 0.00999999977 : f32
          %mul3A_609 = vector.broadcast %mul3A_608 : f32 to vector<16xf32>
          %mul3A_610 = arith.mulf %mul3A_609, %add3A_604 : vector<16xf32>
          %select_n3A_611 = arith.select %ge3A_607, %add3A_604, %mul3A_610 : vector<16xi1>, vector<16xf32>
          %max3A_612 = arith.constant -2.000000e+00 : f32
          %max3A_613 = vector.broadcast %max3A_612 : f32 to vector<16xf32>
          %max3A_614 = arith.maximumf %select_n3A_611, %max3A_613 : vector<16xf32>
          %min3A_615 = arith.constant 2.000000e+00 : f32
          %min3A_616 = vector.broadcast %min3A_615 : f32 to vector<16xf32>
          %min3A_617 = arith.minimumf %max3A_614, %min3A_616 : vector<16xf32>
          %mul3A_618 = arith.constant 16 : i32
          %mul3A_619 = arith.muli %scan3A_581, %mul3A_618 : i32
          %add3A_620 = arith.addi %mul3A_252, %mul3A_619 : i32
          %iota3A_621 = tpu.iota {dimensions = array<i32: 0>} : vector<16xi32>
          %add3A_622 = vector.broadcast %add3A_620 : i32 to vector<16xi32>
          %add3A_623 = arith.addi %add3A_622, %iota3A_621 : vector<16xi32>
          %lt3A_624 = vector.broadcast %scan3A_54 : i32 to vector<16xi32>
          %lt3A_625 = arith.cmpi slt, %add3A_623, %lt3A_624 : vector<16xi32>
          %exp3A_626 = math.exp %min3A_617 : vector<16xf32>
          %jit3A_627 = arith.constant 0.000000e+00 : f32
          %broadcast_in_dim3A_628 = vector.broadcast %jit3A_627 : f32 to vector<16xf32>
          %select_n3A_629 = arith.select %lt3A_625, %exp3A_626, %broadcast_in_dim3A_628 : vector<16xi1>, vector<16xf32>
          %mul3A_630 = arith.constant 16 : i32
          %mul3A_631 = arith.muli %scan3A_581, %mul3A_630 : i32
          %swap3A_632 = arith.index_cast %mul3A_631 : i32 to index
          %swap3A_633 = tpu.vector_load %arg15[%swap3A_632] {strides = array<i32>} : memref<144xf32, #tpu.memory_space<vmem>>, vector<16xf32>,
          tpu.vector_store %arg15[%swap3A_632], %select_n3A_629 {strides = array<i32>} : memref<144xf32, #tpu.memory_space<vmem>>, vector<16xf32>,
          %scan3A_634 = arith.constant 0 : i32
          scf.yield %scan3A_634 : i32
        }
        %scan3A_331 = arith.constant 8 : i32
        %add3A_332 = arith.constant 0 : i32
        %add3A_333 = arith.addi %mul3A_252, %add3A_332 : i32
        %dma_wait3A_334 = arith.constant 0 : i32
        %dma_wait3A_335 = arith.constant 0 : i32
        %dma_wait3A_336 = tpu.memref_slice %arg16[%dma_wait3A_334, %dma_wait3A_335] : memref<128x128xi32, #tpu.memory_space<vmem>> -> memref<16x128xi32, #tpu.memory_space<vmem>>
        %dma_wait3A_337 = tpu.memref_slice %arg14[%add3A_333] : memref<3344xi32, #tpu.memory_space<vmem>> -> memref<16xi32, #tpu.memory_space<vmem>>
        %dma_wait3A_338 = arith.constant 0 : i32
        %dma_wait3A_339 = arith.constant 0 : i32
        %dma_wait3A_340 = tpu.memref_slice %arg19[%dma_wait3A_338, %dma_wait3A_339] : memref<5000x128xi32, #tpu.memory_space<vmem_shared>> -> memref<5000x128xi32, #tpu.memory_space<vmem_shared>>
        tpu.wait_indirect_dma semaphore(%arg21 : memref<!tpu.dma_semaphore, #tpu.memory_space<semaphore_mem>>) src(%dma_wait3A_340 : memref<5000x128xi32, #tpu.memory_space<vmem_shared>>) dst(%dma_wait3A_336 : memref<16x128xi32, #tpu.memory_space<vmem>>)
        %add3A_341 = arith.constant 16 : i32
        %add3A_342 = arith.addi %mul3A_252, %add3A_341 : i32
        %dma_wait3A_343 = arith.constant 16 : i32
        %dma_wait3A_344 = arith.constant 0 : i32
        %dma_wait3A_345 = tpu.memref_slice %arg16[%dma_wait3A_343, %dma_wait3A_344] : memref<128x128xi32, #tpu.memory_space<vmem>> -> memref<16x128xi32, #tpu.memory_space<vmem>>
        %dma_wait3A_346 = tpu.memref_slice %arg14[%add3A_342] : memref<3344xi32, #tpu.memory_space<vmem>> -> memref<16xi32, #tpu.memory_space<vmem>>
        %dma_wait3A_347 = arith.constant 0 : i32
        %dma_wait3A_348 = arith.constant 0 : i32
        %dma_wait3A_349 = tpu.memref_slice %arg19[%dma_wait3A_347, %dma_wait3A_348] : memref<5000x128xi32, #tpu.memory_space<vmem_shared>> -> memref<5000x128xi32, #tpu.memory_space<vmem_shared>>
        tpu.wait_indirect_dma semaphore(%arg21 : memref<!tpu.dma_semaphore, #tpu.memory_space<semaphore_mem>>) src(%dma_wait3A_349 : memref<5000x128xi32, #tpu.memory_space<vmem_shared>>) dst(%dma_wait3A_345 : memref<16x128xi32, #tpu.memory_space<vmem>>)
        %add3A_350 = arith.constant 32 : i32
        %add3A_351 = arith.addi %mul3A_252, %add3A_350 : i32
        %dma_wait3A_352 = arith.constant 32 : i32
        %dma_wait3A_353 = arith.constant 0 : i32
        %dma_wait3A_354 = tpu.memref_slice %arg16[%dma_wait3A_352, %dma_wait3A_353] : memref<128x128xi32, #tpu.memory_space<vmem>> -> memref<16x128xi32, #tpu.memory_space<vmem>>
        %dma_wait3A_355 = tpu.memref_slice %arg14[%add3A_351] : memref<3344xi32, #tpu.memory_space<vmem>> -> memref<16xi32, #tpu.memory_space<vmem>>
        %dma_wait3A_356 = arith.constant 0 : i32
        %dma_wait3A_357 = arith.constant 0 : i32
        %dma_wait3A_358 = tpu.memref_slice %arg19[%dma_wait3A_356, %dma_wait3A_357] : memref<5000x128xi32, #tpu.memory_space<vmem_shared>> -> memref<5000x128xi32, #tpu.memory_space<vmem_shared>>
        tpu.wait_indirect_dma semaphore(%arg21 : memref<!tpu.dma_semaphore, #tpu.memory_space<semaphore_mem>>) src(%dma_wait3A_358 : memref<5000x128xi32, #tpu.memory_space<vmem_shared>>) dst(%dma_wait3A_354 : memref<16x128xi32, #tpu.memory_space<vmem>>)
        %add3A_359 = arith.constant 48 : i32
        %add3A_360 = arith.addi %mul3A_252, %add3A_359 : i32
        %dma_wait3A_361 = arith.constant 48 : i32
        %dma_wait3A_362 = arith.constant 0 : i32
        %dma_wait3A_363 = tpu.memref_slice %arg16[%dma_wait3A_361, %dma_wait3A_362] : memref<128x128xi32, #tpu.memory_space<vmem>> -> memref<16x128xi32, #tpu.memory_space<vmem>>
        %dma_wait3A_364 = tpu.memref_slice %arg14[%add3A_360] : memref<3344xi32, #tpu.memory_space<vmem>> -> memref<16xi32, #tpu.memory_space<vmem>>
        %dma_wait3A_365 = arith.constant 0 : i32
        %dma_wait3A_366 = arith.constant 0 : i32
        %dma_wait3A_367 = tpu.memref_slice %arg19[%dma_wait3A_365, %dma_wait3A_366] : memref<5000x128xi32, #tpu.memory_space<vmem_shared>> -> memref<5000x128xi32, #tpu.memory_space<vmem_shared>>
        tpu.wait_indirect_dma semaphore(%arg21 : memref<!tpu.dma_semaphore, #tpu.memory_space<semaphore_mem>>) src(%dma_wait3A_367 : memref<5000x128xi32, #tpu.memory_space<vmem_shared>>) dst(%dma_wait3A_363 : memref<16x128xi32, #tpu.memory_space<vmem>>)
        %add3A_368 = arith.constant 64 : i32
        %add3A_369 = arith.addi %mul3A_252, %add3A_368 : i32
        %dma_wait3A_370 = arith.constant 64 : i32
        %dma_wait3A_371 = arith.constant 0 : i32
        %dma_wait3A_372 = tpu.memref_slice %arg16[%dma_wait3A_370, %dma_wait3A_371] : memref<128x128xi32, #tpu.memory_space<vmem>> -> memref<16x128xi32, #tpu.memory_space<vmem>>
        %dma_wait3A_373 = tpu.memref_slice %arg14[%add3A_369] : memref<3344xi32, #tpu.memory_space<vmem>> -> memref<16xi32, #tpu.memory_space<vmem>>
        %dma_wait3A_374 = arith.constant 0 : i32
        %dma_wait3A_375 = arith.constant 0 : i32
        %dma_wait3A_376 = tpu.memref_slice %arg19[%dma_wait3A_374, %dma_wait3A_375] : memref<5000x128xi32, #tpu.memory_space<vmem_shared>> -> memref<5000x128xi32, #tpu.memory_space<vmem_shared>>
        tpu.wait_indirect_dma semaphore(%arg21 : memref<!tpu.dma_semaphore, #tpu.memory_space<semaphore_mem>>) src(%dma_wait3A_376 : memref<5000x128xi32, #tpu.memory_space<vmem_shared>>) dst(%dma_wait3A_372 : memref<16x128xi32, #tpu.memory_space<vmem>>)
        %add3A_377 = arith.constant 80 : i32
        %add3A_378 = arith.addi %mul3A_252, %add3A_377 : i32
        %dma_wait3A_379 = arith.constant 80 : i32
        %dma_wait3A_380 = arith.constant 0 : i32
        %dma_wait3A_381 = tpu.memref_slice %arg16[%dma_wait3A_379, %dma_wait3A_380] : memref<128x128xi32, #tpu.memory_space<vmem>> -> memref<16x128xi32, #tpu.memory_space<vmem>>
        %dma_wait3A_382 = tpu.memref_slice %arg14[%add3A_378] : memref<3344xi32, #tpu.memory_space<vmem>> -> memref<16xi32, #tpu.memory_space<vmem>>
        %dma_wait3A_383 = arith.constant 0 : i32
        %dma_wait3A_384 = arith.constant 0 : i32
        %dma_wait3A_385 = tpu.memref_slice %arg19[%dma_wait3A_383, %dma_wait3A_384] : memref<5000x128xi32, #tpu.memory_space<vmem_shared>> -> memref<5000x128xi32, #tpu.memory_space<vmem_shared>>
        tpu.wait_indirect_dma semaphore(%arg21 : memref<!tpu.dma_semaphore, #tpu.memory_space<semaphore_mem>>) src(%dma_wait3A_385 : memref<5000x128xi32, #tpu.memory_space<vmem_shared>>) dst(%dma_wait3A_381 : memref<16x128xi32, #tpu.memory_space<vmem>>)
        %add3A_386 = arith.constant 96 : i32
        %add3A_387 = arith.addi %mul3A_252, %add3A_386 : i32
        %dma_wait3A_388 = arith.constant 96 : i32
        %dma_wait3A_389 = arith.constant 0 : i32
        %dma_wait3A_390 = tpu.memref_slice %arg16[%dma_wait3A_388, %dma_wait3A_389] : memref<128x128xi32, #tpu.memory_space<vmem>> -> memref<16x128xi32, #tpu.memory_space<vmem>>
        %dma_wait3A_391 = tpu.memref_slice %arg14[%add3A_387] : memref<3344xi32, #tpu.memory_space<vmem>> -> memref<16xi32, #tpu.memory_space<vmem>>
        %dma_wait3A_392 = arith.constant 0 : i32
        %dma_wait3A_393 = arith.constant 0 : i32
        %dma_wait3A_394 = tpu.memref_slice %arg19[%dma_wait3A_392, %dma_wait3A_393] : memref<5000x128xi32, #tpu.memory_space<vmem_shared>> -> memref<5000x128xi32, #tpu.memory_space<vmem_shared>>
        tpu.wait_indirect_dma semaphore(%arg21 : memref<!tpu.dma_semaphore, #tpu.memory_space<semaphore_mem>>) src(%dma_wait3A_394 : memref<5000x128xi32, #tpu.memory_space<vmem_shared>>) dst(%dma_wait3A_390 : memref<16x128xi32, #tpu.memory_space<vmem>>)
        %add3A_395 = arith.constant 112 : i32
        %add3A_396 = arith.addi %mul3A_252, %add3A_395 : i32
        %dma_wait3A_397 = arith.constant 112 : i32
        %dma_wait3A_398 = arith.constant 0 : i32
        %dma_wait3A_399 = tpu.memref_slice %arg16[%dma_wait3A_397, %dma_wait3A_398] : memref<128x128xi32, #tpu.memory_space<vmem>> -> memref<16x128xi32, #tpu.memory_space<vmem>>
        %dma_wait3A_400 = tpu.memref_slice %arg14[%add3A_396] : memref<3344xi32, #tpu.memory_space<vmem>> -> memref<16xi32, #tpu.memory_space<vmem>>
        %dma_wait3A_401 = arith.constant 0 : i32
        %dma_wait3A_402 = arith.constant 0 : i32
        %dma_wait3A_403 = tpu.memref_slice %arg19[%dma_wait3A_401, %dma_wait3A_402] : memref<5000x128xi32, #tpu.memory_space<vmem_shared>> -> memref<5000x128xi32, #tpu.memory_space<vmem_shared>>
        tpu.wait_indirect_dma semaphore(%arg21 : memref<!tpu.dma_semaphore, #tpu.memory_space<semaphore_mem>>) src(%dma_wait3A_403 : memref<5000x128xi32, #tpu.memory_space<vmem_shared>>) dst(%dma_wait3A_399 : memref<16x128xi32, #tpu.memory_space<vmem>>)
        %sub3A_404 = arith.subi %scan3A_54, %mul3A_252 : i32
        %min3A_405 = arith.constant 128 : i32
        %min3A_406 = arith.minsi %sub3A_404, %min3A_405 : i32
        %get3A_407 = arith.index_cast %mul3A_252 : i32 to index
        %get3A_408 = tpu.vector_load %arg13[%get3A_407] {strides = array<i32>} : memref<3344xi32, #tpu.memory_space<vmem>>, vector<16xi32>,
        %slice3A_409 = vector.extract_strided_slice %get3A_408 {offsets = [0], sizes = [1], strides = [1]} : vector<16xi32> to vector<1xi32>
        %squeeze3A_410 = vector.extract %slice3A_409[0] : i32 from vector<1xi32>
        %while3A_411 = arith.constant 0 : i32
        %while3A_412 = arith.subi %min3A_406, %while3A_411 : i32
        %while3A_413 = arith.addi %while3A_411, %while3A_412 : i32
        %while3A_414 = arith.constant 1 : i32
        %while3A_415 = arith.divsi %while3A_412, %while3A_414 : i32
        %while3A_416 = arith.muli %while3A_415, %while3A_414 : i32
        %while3A_417 = arith.addi %while3A_411, %while3A_416 : i32
        %while3A_418 = arith.constant 1 : i32
        %while3A_419 = scf.for %while3A_423 = %while3A_411 to %while3A_417 step %while3A_418 iter_args(%while3A_424 = %squeeze3A_410) -> (i32)  : i32 {
          %add3A_425 = arith.addi %mul3A_252, %while3A_423 : i32
          %add3A_426 = arith.constant 1 : i32
          %add3A_427 = arith.addi %add3A_425, %add3A_426 : i32
          %get3A_428 = arith.index_cast %add3A_427 : i32 to index
          %get3A_429 = tpu.vector_load %arg13[%get3A_428] {strides = array<i32>} : memref<3344xi32, #tpu.memory_space<vmem>>, vector<16xi32>,
          %slice3A_430 = vector.extract_strided_slice %get3A_429 {offsets = [0], sizes = [1], strides = [1]} : vector<16xi32> to vector<1xi32>
          %squeeze3A_431 = vector.extract %slice3A_430[0] : i32 from vector<1xi32>
          %and3A_432 = arith.constant 4095 : i32
          %and3A_433 = arith.andi %while3A_424, %and3A_432 : i32
          %shift_right_logical3A = arith.constant 12 : i32
          %shift_right_logical3A_434 = arith.shrui %while3A_424, %shift_right_logical3A : i32
          %mul3A_435 = arith.constant 64 : i32
          %mul3A_436 = arith.muli %shift_right_logical3A_434, %mul3A_435 : i32
          %get3A_437 = arith.index_cast %while3A_423 : i32 to index
          %get3A_438 = tpu.vector_load %arg15[%get3A_437] {strides = array<i32>} : memref<144xf32, #tpu.memory_space<vmem>>, vector<16xf32>,
          %slice3A_439 = vector.extract_strided_slice %get3A_438 {offsets = [0], sizes = [1], strides = [1]} : vector<16xf32> to vector<1xf32>
          %squeeze3A_440 = vector.extract %slice3A_439[0] : f32 from vector<1xf32>
          %broadcast_in_dim3A_441 = vector.broadcast %squeeze3A_440 : f32 to vector<16xf32>
          %add3A_442 = arith.constant 0 : i32
          %add3A_443 = arith.addi %mul3A_436, %add3A_442 : i32
          %get3A_444 = arith.index_cast %while3A_423 : i32 to index
          %get3A_445 = arith.index_cast %add3A_443 : i32 to index
          %get3A_446 = tpu.vector_load %arg16[%get3A_444, %get3A_445] {strides = array<i32>} : memref<128x128xi32, #tpu.memory_space<vmem>>, vector<16xi32>,
          %bitcast3A = vector.bitcast %get3A_446 : vector<16xi32> to vector<32xbf16>
          %unpack3A = tpu.unpack_subelements %bitcast3A, 0 {pack_format = #tpu.pack_format<interleaved>} : vector<32xbf16> -> vector<16xf32>
          %unpack3A_447 = tpu.unpack_subelements %bitcast3A, 1 {pack_format = #tpu.pack_format<interleaved>} : vector<32xbf16> -> vector<16xf32>
          %mul3A_448 = arith.mulf %unpack3A, %broadcast_in_dim3A_441 : vector<16xf32>
          %mul3A_449 = arith.mulf %unpack3A_447, %broadcast_in_dim3A_441 : vector<16xf32>
          %add3A_450 = arith.constant 16 : i32
          %add3A_451 = arith.addi %mul3A_436, %add3A_450 : i32
          %get3A_452 = arith.index_cast %while3A_423 : i32 to index
          %get3A_453 = arith.index_cast %add3A_451 : i32 to index
          %get3A_454 = tpu.vector_load %arg16[%get3A_452, %get3A_453] {strides = array<i32>} : memref<128x128xi32, #tpu.memory_space<vmem>>, vector<16xi32>,
          %bitcast3A_455 = vector.bitcast %get3A_454 : vector<16xi32> to vector<32xbf16>
          %unpack3A_456 = tpu.unpack_subelements %bitcast3A_455, 0 {pack_format = #tpu.pack_format<interleaved>} : vector<32xbf16> -> vector<16xf32>
          %unpack3A_457 = tpu.unpack_subelements %bitcast3A_455, 1 {pack_format = #tpu.pack_format<interleaved>} : vector<32xbf16> -> vector<16xf32>
          %mul3A_458 = arith.mulf %unpack3A_456, %broadcast_in_dim3A_441 : vector<16xf32>
          %mul3A_459 = arith.mulf %unpack3A_457, %broadcast_in_dim3A_441 : vector<16xf32>
          %add3A_460 = arith.constant 32 : i32
          %add3A_461 = arith.addi %mul3A_436, %add3A_460 : i32
          %get3A_462 = arith.index_cast %while3A_423 : i32 to index
          %get3A_463 = arith.index_cast %add3A_461 : i32 to index
          %get3A_464 = tpu.vector_load %arg16[%get3A_462, %get3A_463] {strides = array<i32>} : memref<128x128xi32, #tpu.memory_space<vmem>>, vector<16xi32>,
          %bitcast3A_465 = vector.bitcast %get3A_464 : vector<16xi32> to vector<32xbf16>
          %unpack3A_466 = tpu.unpack_subelements %bitcast3A_465, 0 {pack_format = #tpu.pack_format<interleaved>} : vector<32xbf16> -> vector<16xf32>
          %unpack3A_467 = tpu.unpack_subelements %bitcast3A_465, 1 {pack_format = #tpu.pack_format<interleaved>} : vector<32xbf16> -> vector<16xf32>
          %mul3A_468 = arith.mulf %unpack3A_466, %broadcast_in_dim3A_441 : vector<16xf32>
          %mul3A_469 = arith.mulf %unpack3A_467, %broadcast_in_dim3A_441 : vector<16xf32>
          %add3A_470 = arith.constant 48 : i32
          %add3A_471 = arith.addi %mul3A_436, %add3A_470 : i32
          %get3A_472 = arith.index_cast %while3A_423 : i32 to index
          %get3A_473 = arith.index_cast %add3A_471 : i32 to index
          %get3A_474 = tpu.vector_load %arg16[%get3A_472, %get3A_473] {strides = array<i32>} : memref<128x128xi32, #tpu.memory_space<vmem>>, vector<16xi32>,
          %bitcast3A_475 = vector.bitcast %get3A_474 : vector<16xi32> to vector<32xbf16>
          %unpack3A_476 = tpu.unpack_subelements %bitcast3A_475, 0 {pack_format = #tpu.pack_format<interleaved>} : vector<32xbf16> -> vector<16xf32>
          %unpack3A_477 = tpu.unpack_subelements %bitcast3A_475, 1 {pack_format = #tpu.pack_format<interleaved>} : vector<32xbf16> -> vector<16xf32>
          %mul3A_478 = arith.mulf %unpack3A_476, %broadcast_in_dim3A_441 : vector<16xf32>
          %mul3A_479 = arith.mulf %unpack3A_477, %broadcast_in_dim3A_441 : vector<16xf32>
          %jit3A_480 = arith.constant 0.000000e+00 : f32
          %broadcast_in_dim3A_481 = vector.broadcast %jit3A_480 : f32 to vector<16xf32>
          %select_n3A_482 = arith.select %eq3A_12, %broadcast_in_dim3A_441, %broadcast_in_dim3A_481 : vector<16xi1>, vector<16xf32>
          %swap3A = arith.index_cast %and3A_433 : i32 to index
          %swap3A_483 = tpu.vector_load %arg18[%swap3A] {strides = array<i32>} : memref<336xf32, #tpu.memory_space<vmem>>, vector<16xf32>,
          tpu.vector_store %arg18[%swap3A], %select_n3A_482 {add = true, strides = array<i32>} : memref<336xf32, #tpu.memory_space<vmem>>, vector<16xf32>,
          %swap3A_484 = arith.index_cast %and3A_433 : i32 to index
          %swap3A_485 = arith.constant 0 : index
          %swap3A_486 = tpu.vector_load %arg17[%swap3A_484, %swap3A_485] {strides = array<i32>} : memref<320x128xf32, #tpu.memory_space<vmem>>, vector<16xf32>,
          tpu.vector_store %arg17[%swap3A_484, %swap3A_485], %mul3A_448 {add = true, strides = array<i32>} : memref<320x128xf32, #tpu.memory_space<vmem>>, vector<16xf32>,
          %swap3A_487 = arith.index_cast %and3A_433 : i32 to index
          %swap3A_488 = arith.constant 16 : index
          %swap3A_489 = tpu.vector_load %arg17[%swap3A_487, %swap3A_488] {strides = array<i32>} : memref<320x128xf32, #tpu.memory_space<vmem>>, vector<16xf32>,
          tpu.vector_store %arg17[%swap3A_487, %swap3A_488], %mul3A_449 {add = true, strides = array<i32>} : memref<320x128xf32, #tpu.memory_space<vmem>>, vector<16xf32>,
          %swap3A_490 = arith.index_cast %and3A_433 : i32 to index
          %swap3A_491 = arith.constant 32 : index
          %swap3A_492 = tpu.vector_load %arg17[%swap3A_490, %swap3A_491] {strides = array<i32>} : memref<320x128xf32, #tpu.memory_space<vmem>>, vector<16xf32>,
          tpu.vector_store %arg17[%swap3A_490, %swap3A_491], %mul3A_458 {add = true, strides = array<i32>} : memref<320x128xf32, #tpu.memory_space<vmem>>, vector<16xf32>,
          %swap3A_493 = arith.index_cast %and3A_433 : i32 to index
          %swap3A_494 = arith.constant 48 : index
          %swap3A_495 = tpu.vector_load %arg17[%swap3A_493, %swap3A_494] {strides = array<i32>} : memref<320x128xf32, #tpu.memory_space<vmem>>, vector<16xf32>,
          tpu.vector_store %arg17[%swap3A_493, %swap3A_494], %mul3A_459 {add = true, strides = array<i32>} : memref<320x128xf32, #tpu.memory_space<vmem>>, vector<16xf32>,
          %swap3A_496 = arith.index_cast %and3A_433 : i32 to index
          %swap3A_497 = arith.constant 64 : index
          %swap3A_498 = tpu.vector_load %arg17[%swap3A_496, %swap3A_497] {strides = array<i32>} : memref<320x128xf32, #tpu.memory_space<vmem>>, vector<16xf32>,
          tpu.vector_store %arg17[%swap3A_496, %swap3A_497], %mul3A_468 {add = true, strides = array<i32>} : memref<320x128xf32, #tpu.memory_space<vmem>>, vector<16xf32>,
          %swap3A_499 = arith.index_cast %and3A_433 : i32 to index
          %swap3A_500 = arith.constant 80 : index
          %swap3A_501 = tpu.vector_load %arg17[%swap3A_499, %swap3A_500] {strides = array<i32>} : memref<320x128xf32, #tpu.memory_space<vmem>>, vector<16xf32>,
          tpu.vector_store %arg17[%swap3A_499, %swap3A_500], %mul3A_469 {add = true, strides = array<i32>} : memref<320x128xf32, #tpu.memory_space<vmem>>, vector<16xf32>,
          %swap3A_502 = arith.index_cast %and3A_433 : i32 to index
          %swap3A_503 = arith.constant 96 : index
          %swap3A_504 = tpu.vector_load %arg17[%swap3A_502, %swap3A_503] {strides = array<i32>} : memref<320x128xf32, #tpu.memory_space<vmem>>, vector<16xf32>,
          tpu.vector_store %arg17[%swap3A_502, %swap3A_503], %mul3A_478 {add = true, strides = array<i32>} : memref<320x128xf32, #tpu.memory_space<vmem>>, vector<16xf32>,
          %swap3A_505 = arith.index_cast %and3A_433 : i32 to index
          %swap3A_506 = arith.constant 112 : index
          %swap3A_507 = tpu.vector_load %arg17[%swap3A_505, %swap3A_506] {strides = array<i32>} : memref<320x128xf32, #tpu.memory_space<vmem>>, vector<16xf32>,
          tpu.vector_store %arg17[%swap3A_505, %swap3A_506], %mul3A_479 {add = true, strides = array<i32>} : memref<320x128xf32, #tpu.memory_space<vmem>>, vector<16xf32>,
          scf.yield %squeeze3A_431 : i32
        }
        %while3A_420 = arith.constant 1 : i32
        %while3A_421 = scf.for %while3A_423 = %while3A_417 to %while3A_413 step %while3A_420 iter_args(%while3A_424 = %while3A_419) -> (i32)  : i32 {
          %add3A_425 = arith.addi %mul3A_252, %while3A_423 : i32
          %add3A_426 = arith.constant 1 : i32
          %add3A_427 = arith.addi %add3A_425, %add3A_426 : i32
          %get3A_428 = arith.index_cast %add3A_427 : i32 to index
          %get3A_429 = tpu.vector_load %arg13[%get3A_428] {strides = array<i32>} : memref<3344xi32, #tpu.memory_space<vmem>>, vector<16xi32>,
          %slice3A_430 = vector.extract_strided_slice %get3A_429 {offsets = [0], sizes = [1], strides = [1]} : vector<16xi32> to vector<1xi32>
          %squeeze3A_431 = vector.extract %slice3A_430[0] : i32 from vector<1xi32>
          %and3A_432 = arith.constant 4095 : i32
          %and3A_433 = arith.andi %while3A_424, %and3A_432 : i32
          %shift_right_logical3A = arith.constant 12 : i32
          %shift_right_logical3A_434 = arith.shrui %while3A_424, %shift_right_logical3A : i32
          %mul3A_435 = arith.constant 64 : i32
          %mul3A_436 = arith.muli %shift_right_logical3A_434, %mul3A_435 : i32
          %get3A_437 = arith.index_cast %while3A_423 : i32 to index
          %get3A_438 = tpu.vector_load %arg15[%get3A_437] {strides = array<i32>} : memref<144xf32, #tpu.memory_space<vmem>>, vector<16xf32>,
          %slice3A_439 = vector.extract_strided_slice %get3A_438 {offsets = [0], sizes = [1], strides = [1]} : vector<16xf32> to vector<1xf32>
          %squeeze3A_440 = vector.extract %slice3A_439[0] : f32 from vector<1xf32>
          %broadcast_in_dim3A_441 = vector.broadcast %squeeze3A_440 : f32 to vector<16xf32>
          %add3A_442 = arith.constant 0 : i32
          %add3A_443 = arith.addi %mul3A_436, %add3A_442 : i32
          %get3A_444 = arith.index_cast %while3A_423 : i32 to index
          %get3A_445 = arith.index_cast %add3A_443 : i32 to index
          %get3A_446 = tpu.vector_load %arg16[%get3A_444, %get3A_445] {strides = array<i32>} : memref<128x128xi32, #tpu.memory_space<vmem>>, vector<16xi32>,
          %bitcast3A = vector.bitcast %get3A_446 : vector<16xi32> to vector<32xbf16>
          %unpack3A = tpu.unpack_subelements %bitcast3A, 0 {pack_format = #tpu.pack_format<interleaved>} : vector<32xbf16> -> vector<16xf32>
          %unpack3A_447 = tpu.unpack_subelements %bitcast3A, 1 {pack_format = #tpu.pack_format<interleaved>} : vector<32xbf16> -> vector<16xf32>
          %mul3A_448 = arith.mulf %unpack3A, %broadcast_in_dim3A_441 : vector<16xf32>
          %mul3A_449 = arith.mulf %unpack3A_447, %broadcast_in_dim3A_441 : vector<16xf32>
          %add3A_450 = arith.constant 16 : i32
          %add3A_451 = arith.addi %mul3A_436, %add3A_450 : i32
          %get3A_452 = arith.index_cast %while3A_423 : i32 to index
          %get3A_453 = arith.index_cast %add3A_451 : i32 to index
          %get3A_454 = tpu.vector_load %arg16[%get3A_452, %get3A_453] {strides = array<i32>} : memref<128x128xi32, #tpu.memory_space<vmem>>, vector<16xi32>,
          %bitcast3A_455 = vector.bitcast %get3A_454 : vector<16xi32> to vector<32xbf16>
          %unpack3A_456 = tpu.unpack_subelements %bitcast3A_455, 0 {pack_format = #tpu.pack_format<interleaved>} : vector<32xbf16> -> vector<16xf32>
          %unpack3A_457 = tpu.unpack_subelements %bitcast3A_455, 1 {pack_format = #tpu.pack_format<interleaved>} : vector<32xbf16> -> vector<16xf32>
          %mul3A_458 = arith.mulf %unpack3A_456, %broadcast_in_dim3A_441 : vector<16xf32>
          %mul3A_459 = arith.mulf %unpack3A_457, %broadcast_in_dim3A_441 : vector<16xf32>
          %add3A_460 = arith.constant 32 : i32
          %add3A_461 = arith.addi %mul3A_436, %add3A_460 : i32
          %get3A_462 = arith.index_cast %while3A_423 : i32 to index
          %get3A_463 = arith.index_cast %add3A_461 : i32 to index
          %get3A_464 = tpu.vector_load %arg16[%get3A_462, %get3A_463] {strides = array<i32>} : memref<128x128xi32, #tpu.memory_space<vmem>>, vector<16xi32>,
          %bitcast3A_465 = vector.bitcast %get3A_464 : vector<16xi32> to vector<32xbf16>
          %unpack3A_466 = tpu.unpack_subelements %bitcast3A_465, 0 {pack_format = #tpu.pack_format<interleaved>} : vector<32xbf16> -> vector<16xf32>
          %unpack3A_467 = tpu.unpack_subelements %bitcast3A_465, 1 {pack_format = #tpu.pack_format<interleaved>} : vector<32xbf16> -> vector<16xf32>
          %mul3A_468 = arith.mulf %unpack3A_466, %broadcast_in_dim3A_441 : vector<16xf32>
          %mul3A_469 = arith.mulf %unpack3A_467, %broadcast_in_dim3A_441 : vector<16xf32>
          %add3A_470 = arith.constant 48 : i32
          %add3A_471 = arith.addi %mul3A_436, %add3A_470 : i32
          %get3A_472 = arith.index_cast %while3A_423 : i32 to index
          %get3A_473 = arith.index_cast %add3A_471 : i32 to index
          %get3A_474 = tpu.vector_load %arg16[%get3A_472, %get3A_473] {strides = array<i32>} : memref<128x128xi32, #tpu.memory_space<vmem>>, vector<16xi32>,
          %bitcast3A_475 = vector.bitcast %get3A_474 : vector<16xi32> to vector<32xbf16>
          %unpack3A_476 = tpu.unpack_subelements %bitcast3A_475, 0 {pack_format = #tpu.pack_format<interleaved>} : vector<32xbf16> -> vector<16xf32>
          %unpack3A_477 = tpu.unpack_subelements %bitcast3A_475, 1 {pack_format = #tpu.pack_format<interleaved>} : vector<32xbf16> -> vector<16xf32>
          %mul3A_478 = arith.mulf %unpack3A_476, %broadcast_in_dim3A_441 : vector<16xf32>
          %mul3A_479 = arith.mulf %unpack3A_477, %broadcast_in_dim3A_441 : vector<16xf32>
          %jit3A_480 = arith.constant 0.000000e+00 : f32
          %broadcast_in_dim3A_481 = vector.broadcast %jit3A_480 : f32 to vector<16xf32>
          %select_n3A_482 = arith.select %eq3A_12, %broadcast_in_dim3A_441, %broadcast_in_dim3A_481 : vector<16xi1>, vector<16xf32>
          %swap3A = arith.index_cast %and3A_433 : i32 to index
          %swap3A_483 = tpu.vector_load %arg18[%swap3A] {strides = array<i32>} : memref<336xf32, #tpu.memory_space<vmem>>, vector<16xf32>,
          tpu.vector_store %arg18[%swap3A], %select_n3A_482 {add = true, strides = array<i32>} : memref<336xf32, #tpu.memory_space<vmem>>, vector<16xf32>,
          %swap3A_484 = arith.index_cast %and3A_433 : i32 to index
          %swap3A_485 = arith.constant 0 : index
          %swap3A_486 = tpu.vector_load %arg17[%swap3A_484, %swap3A_485] {strides = array<i32>} : memref<320x128xf32, #tpu.memory_space<vmem>>, vector<16xf32>,
          tpu.vector_store %arg17[%swap3A_484, %swap3A_485], %mul3A_448 {add = true, strides = array<i32>} : memref<320x128xf32, #tpu.memory_space<vmem>>, vector<16xf32>,
          %swap3A_487 = arith.index_cast %and3A_433 : i32 to index
          %swap3A_488 = arith.constant 16 : index
          %swap3A_489 = tpu.vector_load %arg17[%swap3A_487, %swap3A_488] {strides = array<i32>} : memref<320x128xf32, #tpu.memory_space<vmem>>, vector<16xf32>,
          tpu.vector_store %arg17[%swap3A_487, %swap3A_488], %mul3A_449 {add = true, strides = array<i32>} : memref<320x128xf32, #tpu.memory_space<vmem>>, vector<16xf32>,
          %swap3A_490 = arith.index_cast %and3A_433 : i32 to index
          %swap3A_491 = arith.constant 32 : index
          %swap3A_492 = tpu.vector_load %arg17[%swap3A_490, %swap3A_491] {strides = array<i32>} : memref<320x128xf32, #tpu.memory_space<vmem>>, vector<16xf32>,
          tpu.vector_store %arg17[%swap3A_490, %swap3A_491], %mul3A_458 {add = true, strides = array<i32>} : memref<320x128xf32, #tpu.memory_space<vmem>>, vector<16xf32>,
          %swap3A_493 = arith.index_cast %and3A_433 : i32 to index
          %swap3A_494 = arith.constant 48 : index
          %swap3A_495 = tpu.vector_load %arg17[%swap3A_493, %swap3A_494] {strides = array<i32>} : memref<320x128xf32, #tpu.memory_space<vmem>>, vector<16xf32>,
          tpu.vector_store %arg17[%swap3A_493, %swap3A_494], %mul3A_459 {add = true, strides = array<i32>} : memref<320x128xf32, #tpu.memory_space<vmem>>, vector<16xf32>,
          %swap3A_496 = arith.index_cast %and3A_433 : i32 to index
          %swap3A_497 = arith.constant 64 : index
          %swap3A_498 = tpu.vector_load %arg17[%swap3A_496, %swap3A_497] {strides = array<i32>} : memref<320x128xf32, #tpu.memory_space<vmem>>, vector<16xf32>,
          tpu.vector_store %arg17[%swap3A_496, %swap3A_497], %mul3A_468 {add = true, strides = array<i32>} : memref<320x128xf32, #tpu.memory_space<vmem>>, vector<16xf32>,
          %swap3A_499 = arith.index_cast %and3A_433 : i32 to index
          %swap3A_500 = arith.constant 80 : index
          %swap3A_501 = tpu.vector_load %arg17[%swap3A_499, %swap3A_500] {strides = array<i32>} : memref<320x128xf32, #tpu.memory_space<vmem>>, vector<16xf32>,
          tpu.vector_store %arg17[%swap3A_499, %swap3A_500], %mul3A_469 {add = true, strides = array<i32>} : memref<320x128xf32, #tpu.memory_space<vmem>>, vector<16xf32>,
          %swap3A_502 = arith.index_cast %and3A_433 : i32 to index
          %swap3A_503 = arith.constant 96 : index
          %swap3A_504 = tpu.vector_load %arg17[%swap3A_502, %swap3A_503] {strides = array<i32>} : memref<320x128xf32, #tpu.memory_space<vmem>>, vector<16xf32>,
          tpu.vector_store %arg17[%swap3A_502, %swap3A_503], %mul3A_478 {add = true, strides = array<i32>} : memref<320x128xf32, #tpu.memory_space<vmem>>, vector<16xf32>,
          %swap3A_505 = arith.index_cast %and3A_433 : i32 to index
          %swap3A_506 = arith.constant 112 : index
          %swap3A_507 = tpu.vector_load %arg17[%swap3A_505, %swap3A_506] {strides = array<i32>} : memref<320x128xf32, #tpu.memory_space<vmem>>, vector<16xf32>,
          tpu.vector_store %arg17[%swap3A_505, %swap3A_506], %mul3A_479 {add = true, strides = array<i32>} : memref<320x128xf32, #tpu.memory_space<vmem>>, vector<16xf32>,
          scf.yield %squeeze3A_431 : i32
        }
        %while3A_422 = arith.constant 0 : i32
        scf.yield %while3A_422 : i32
      }
      %scan3A_248 = arith.constant 0 : i32
      scf.yield %scan3A_248 : i32
    }
    %scan3A_39 = arith.constant 100 : i32
    "tpu.region"() ({
      %run_scoped3A = tpu.sem_alloc : memref<!tpu.dma_semaphore, #tpu.memory_space<semaphore_mem>>
      %dma_start3A_40 = arith.constant 0 : i32
      %dma_start3A_41 = tpu.memref_slice %arg7[%mul3A_2, %dma_start3A_40] : memref<10240x128xf32, #tpu.memory_space<hbm>> -> memref<320x128xf32, #tpu.memory_space<hbm>>
      %dma_start3A_42 = arith.constant 0 : i32
      %dma_start3A_43 = tpu.memref_slice %arg7[%mul3A_2, %dma_start3A_42] : memref<10240x128xf32, #tpu.memory_space<hbm>> -> memref<320x128xf32, #tpu.memory_space<hbm>>
      tpu.enqueue_dma source(%arg17 : memref<320x128xf32, #tpu.memory_space<vmem>>) target(%dma_start3A_43 : memref<320x128xf32, #tpu.memory_space<hbm>>) target_semaphore(%run_scoped3A : memref<!tpu.dma_semaphore, #tpu.memory_space<semaphore_mem>>)
      %dma_wait3A = arith.constant 0 : i32
      %dma_wait3A_44 = tpu.memref_slice %arg7[%mul3A_2, %dma_wait3A] : memref<10240x128xf32, #tpu.memory_space<hbm>> -> memref<320x128xf32, #tpu.memory_space<hbm>>
      %dma_wait3A_45 = arith.constant 0 : i32
      %dma_wait3A_46 = tpu.memref_slice %arg7[%mul3A_2, %dma_wait3A_45] : memref<10240x128xf32, #tpu.memory_space<hbm>> -> memref<320x128xf32, #tpu.memory_space<hbm>>
      tpu.wait_dma2 semaphore(%run_scoped3A : memref<!tpu.dma_semaphore, #tpu.memory_space<semaphore_mem>>) src(%arg17 : memref<320x128xf32, #tpu.memory_space<vmem>>) dst(%dma_wait3A_46 : memref<320x128xf32, #tpu.memory_space<hbm>>)
      tpu.yield
    }) : () -> ()
    "tpu.region"() ({
      %run_scoped3A = tpu.sem_alloc : memref<!tpu.dma_semaphore, #tpu.memory_space<semaphore_mem>>
      %dma_start3A_40 = arith.constant 0 : i32
      %dma_start3A_41 = tpu.memref_slice %arg18[%dma_start3A_40] : memref<336xf32, #tpu.memory_space<vmem>> -> memref<320xf32, #tpu.memory_space<vmem>>
      %dma_start3A_42 = tpu.memref_slice %arg8[%mul3A_2] : memref<10240xf32, #tpu.memory_space<hbm>> -> memref<320xf32, #tpu.memory_space<hbm>>
      %dma_start3A_43 = tpu.memref_slice %arg8[%mul3A_2] : memref<10240xf32, #tpu.memory_space<hbm>> -> memref<320xf32, #tpu.memory_space<hbm>>
      %dma_start3A_44 = arith.constant 0 : i32
      %dma_start3A_45 = tpu.memref_slice %arg18[%dma_start3A_44] : memref<336xf32, #tpu.memory_space<vmem>> -> memref<320xf32, #tpu.memory_space<vmem>>
      tpu.enqueue_dma source(%dma_start3A_45 : memref<320xf32, #tpu.memory_space<vmem>>) target(%dma_start3A_43 : memref<320xf32, #tpu.memory_space<hbm>>) target_semaphore(%run_scoped3A : memref<!tpu.dma_semaphore, #tpu.memory_space<semaphore_mem>>)
      %dma_wait3A = arith.constant 0 : i32
      %dma_wait3A_46 = tpu.memref_slice %arg18[%dma_wait3A] : memref<336xf32, #tpu.memory_space<vmem>> -> memref<320xf32, #tpu.memory_space<vmem>>
      %dma_wait3A_47 = tpu.memref_slice %arg8[%mul3A_2] : memref<10240xf32, #tpu.memory_space<hbm>> -> memref<320xf32, #tpu.memory_space<hbm>>
      %dma_wait3A_48 = tpu.memref_slice %arg8[%mul3A_2] : memref<10240xf32, #tpu.memory_space<hbm>> -> memref<320xf32, #tpu.memory_space<hbm>>
      %dma_wait3A_49 = arith.constant 0 : i32
      %dma_wait3A_50 = tpu.memref_slice %arg18[%dma_wait3A_49] : memref<336xf32, #tpu.memory_space<vmem>> -> memref<320xf32, #tpu.memory_space<vmem>>
      tpu.wait_dma2 semaphore(%run_scoped3A : memref<!tpu.dma_semaphore, #tpu.memory_space<semaphore_mem>>) src(%dma_wait3A_50 : memref<320xf32, #tpu.memory_space<vmem>>) dst(%dma_wait3A_48 : memref<320xf32, #tpu.memory_space<hbm>>)
      tpu.yield
    }) : () -> ()
    return
  }
}

module attributes {stable_mosaic.version = 14 : i64} {
  func.func @_prep_body(%arg0: memref<10000x128xf32, #tpu.memory_space<vmem>>, %arg1: memref<128x128xf32, #tpu.memory_space<vmem>>, %arg2: memref<128x128xf32, #tpu.memory_space<vmem>>, %arg3: memref<128x8xf32, #tpu.memory_space<vmem>>, %arg4: memref<10000x128xbf16, #tpu.memory_space<vmem>>, %arg5: memref<10000xf32, #tpu.memory_space<vmem>>, %arg6: memref<10000xf32, #tpu.memory_space<vmem>>) attributes {dimension_semantics = [], scalar_prefetch = 0 : i64, scratch_operands = 0 : i64, tpu.core_type = #tpu.core_type<tc>} {
    %get3A = arith.constant 0 : index
    %get3A_0 = arith.constant 0 : index
    %get3A_1 = vector.load %arg0[%get3A, %get3A_0] : memref<10000x128xf32, #tpu.memory_space<vmem>>, vector<10000x128xf32>
    %get3A_2 = arith.constant 0 : index
    %get3A_3 = arith.constant 0 : index
    %get3A_4 = vector.load %arg2[%get3A_2, %get3A_3] : memref<128x128xf32, #tpu.memory_space<vmem>>, vector<128x128xf32>
    %dot_general3A = arith.constant dense<0.000000e+00> : vector<10000x128xf32>
    %dot_general3A_5 = tpu.matmul %get3A_1, %get3A_4, %dot_general3A {dimension_numbers = #tpu.dot_dimension_numbers<[1], [0], [0], [1], [0, 0, 1, 1], [], []>, transpose_lhs_hint = false} : vector<10000x128xf32>, vector<128x128xf32>, vector<10000x128xf32> -> vector<10000x128xf32>
    %convert_element_type3A = arith.truncf %dot_general3A_5 : vector<10000x128xf32> to vector<10000x128xbf16>
    %swap3A = arith.constant 0 : index
    %swap3A_6 = arith.constant 0 : index
    %swap3A_7 = vector.load %arg4[%swap3A, %swap3A_6] : memref<10000x128xbf16, #tpu.memory_space<vmem>>, vector<10000x128xbf16>
    tpu.vector_store %arg4[%swap3A, %swap3A_6], %convert_element_type3A {strides = array<i32>} : memref<10000x128xbf16, #tpu.memory_space<vmem>>, vector<10000x128xbf16>,
    %get3A_8 = arith.constant 0 : index
    %get3A_9 = arith.constant 0 : index
    %get3A_10 = vector.load %arg1[%get3A_8, %get3A_9] : memref<128x128xf32, #tpu.memory_space<vmem>>, vector<128x128xf32>
    %get3A_11 = arith.constant 0 : index
    %get3A_12 = arith.constant 0 : index
    %get3A_13 = vector.load %arg3[%get3A_11, %get3A_12] : memref<128x8xf32, #tpu.memory_space<vmem>>, vector<128x8xf32>
    %dot_general3A_14 = arith.constant dense<0.000000e+00> : vector<128x8xf32>
    %dot_general3A_15 = tpu.matmul %get3A_10, %get3A_13, %dot_general3A_14 {dimension_numbers = #tpu.dot_dimension_numbers<[1], [0], [0], [1], [0, 0, 1, 1], [], []>, transpose_lhs_hint = false} : vector<128x128xf32>, vector<128x8xf32>, vector<128x8xf32> -> vector<128x8xf32>
    %dot_general3A_16 = arith.constant dense<0.000000e+00> : vector<10000x8xf32>
    %dot_general3A_17 = tpu.matmul %get3A_1, %dot_general3A_15, %dot_general3A_16 {dimension_numbers = #tpu.dot_dimension_numbers<[1], [0], [0], [1], [0, 0, 1, 1], [], []>, transpose_lhs_hint = false} : vector<10000x128xf32>, vector<128x8xf32>, vector<10000x8xf32> -> vector<10000x8xf32>
    %slice3A = vector.extract_strided_slice %dot_general3A_17 {offsets = [0, 0], sizes = [10000, 1], strides = [1, 1]} : vector<10000x8xf32> to vector<10000x1xf32>
    %squeeze3A = vector.shape_cast %slice3A : vector<10000x1xf32> to vector<10000xf32>
    %swap3A_18 = arith.constant 0 : index
    %swap3A_19 = vector.load %arg5[%swap3A_18] : memref<10000xf32, #tpu.memory_space<vmem>>, vector<10000xf32>
    tpu.vector_store %arg5[%swap3A_18], %squeeze3A {strides = array<i32>} : memref<10000xf32, #tpu.memory_space<vmem>>, vector<10000xf32>,
    %slice3A_20 = vector.extract_strided_slice %dot_general3A_17 {offsets = [0, 1], sizes = [10000, 1], strides = [1, 1]} : vector<10000x8xf32> to vector<10000x1xf32>
    %squeeze3A_21 = vector.shape_cast %slice3A_20 : vector<10000x1xf32> to vector<10000xf32>
    %swap3A_22 = arith.constant 0 : index
    %swap3A_23 = vector.load %arg6[%swap3A_22] : memref<10000xf32, #tpu.memory_space<vmem>>, vector<10000xf32>
    tpu.vector_store %arg6[%swap3A_22], %squeeze3A_21 {strides = array<i32>} : memref<10000xf32, #tpu.memory_space<vmem>>, vector<10000xf32>,
    return
  }
}

module attributes {stable_mosaic.version = 14 : i64} {
  func.func @_fin_body(%arg0: i32, %arg1: memref<1000x128xf32, #tpu.memory_space<vmem>>, %arg2: memref<1000x1xf32, #tpu.memory_space<vmem>>, %arg3: memref<1000x128xf32, #tpu.memory_space<vmem>>) attributes {dimension_semantics = [#tpu.dimension_semantics<arbitrary>], iteration_bounds = array<i64: 10>, scalar_prefetch = 0 : i64, scratch_operands = 0 : i64, tpu.core_type = #tpu.core_type<tc>, window_params = [{transform_indices = @transform_0, window_bounds = array<i64: 1000, 128>}, {transform_indices = @transform_1, window_bounds = array<i64: 1000, 1>}, {transform_indices = @transform_2, window_bounds = array<i64: 1000, 128>}]} {
    %get3A = arith.constant 0 : index
    %get3A_0 = arith.constant 0 : index
    %get3A_1 = vector.load %arg2[%get3A, %get3A_0] : memref<1000x1xf32, #tpu.memory_space<vmem>>, vector<1000x1xf32>
    %gt3A = arith.constant 0.000000e+00 : f32
    %gt3A_2 = vector.broadcast %gt3A : f32 to vector<1000x1xf32>
    %gt3A_3 = arith.cmpf ogt, %get3A_1, %gt3A_2 : vector<1000x1xf32>
    %jit3A = arith.constant 1.000000e+00 : f32
    %broadcast_in_dim3A = vector.broadcast %jit3A : f32 to vector<1000x1xf32>
    %select_n3A = arith.select %gt3A_3, %get3A_1, %broadcast_in_dim3A : vector<1000x1xi1>, vector<1000x1xf32>
    %get3A_4 = arith.constant 0 : index
    %get3A_5 = arith.constant 0 : index
    %get3A_6 = vector.load %arg1[%get3A_4, %get3A_5] : memref<1000x128xf32, #tpu.memory_space<vmem>>, vector<1000x128xf32>
    %div3A = vector.broadcast %select_n3A : vector<1000x1xf32> to vector<1000x128xf32>
    %div3A_7 = arith.divf %get3A_6, %div3A : vector<1000x128xf32>
    %swap3A = arith.constant 0 : index
    %swap3A_8 = arith.constant 0 : index
    %swap3A_9 = vector.load %arg3[%swap3A, %swap3A_8] : memref<1000x128xf32, #tpu.memory_space<vmem>>, vector<1000x128xf32>
    tpu.vector_store %arg3[%swap3A, %swap3A_8], %div3A_7 {strides = array<i32>} : memref<1000x128xf32, #tpu.memory_space<vmem>>, vector<1000x128xf32>,
    return
  }
  func.func @transform_0(%arg0: i32) -> (i32, i32) {
    %c0_i32 = arith.constant 0 : i32
    %c0_i32_0 = arith.constant 0 : i32
    return %arg0, %c0_i32 : i32, i32
  }
  func.func @transform_1(%arg0: i32) -> (i32, i32) {
    %c0_i32 = arith.constant 0 : i32
    %c0_i32_0 = arith.constant 0 : i32
    return %arg0, %c0_i32 : i32, i32
  }
  func.func @transform_2(%arg0: i32) -> (i32, i32) {
    %c0_i32 = arith.constant 0 : i32
    %c0_i32_0 = arith.constant 0 : i32
    return %arg0, %c0_i32 : i32, i32
  }
}

</mosaic_0001>

<sc_bundles>
// kernel: kernel.6.cloned.1.call-start
scs
__scs_entry_jumppad:
0x0: {  	(pc) =	sbr.rel $0x88, $3  }
0x1: {  	(tag) =	ssettag $0x0;
	lr =	simm.s32 $0x1  }
0x2: {  	[smem:$0x3F9D] =	sst lr;
	_ =	strace $0xD0000000  }
0x3: {  	_ = 	snop  }
0x4: {  	_ = 	snop  }
0x5: {  	_ = 	snop  }
0x6: {  	_ = 	snop  }
0x7: {  	_ = 	snop  }
__scs_overlays_trampoline_lowered:
0x8: {  	[smem:$0x3FAC] =	sst s0  }
0x9: {  	[smem:$0x3FAD] =	sst s1  }
0xa: {  	[smem:$0x3FAE] =	sst s2  }
0xb: {  	[smem:$0x3FAF] =	sst s3  }
0xc: {  	[smem:$0x3FB0] =	sst s4  }
0xd: {  	[smem:$0x3FB1] =	sst s5  }
0xe: {  	[smem:$0x3FB2] =	sst s6  }
0xf: {  	[smem:$0x3FB3] =	sst s7  }
0x10: {  	[smem:$0x3FB4] =	sst s8  }
0x11: {  	[smem:$0x3FB5] =	sst s9;
	s0 =	simm.s32 @!p0 $0x0  }
0x12: {  	s1 =	sld [smem:$0x3F9B];
	s0 =	simm.s32 @p0 $0x1  }
0x13: {  	[smem:$0x3FB6] =	sst s0;
	s0 =	simm.s32 @!p1 $0x0  }
0x14: {  	s2 =	sld [smem:$0x3F9A];
	s0 =	simm.s32 @p1 $0x1  }
0x15: {  	[smem:$0x3FB7] =	sst s0;
	s0 =	simm.s32 @!p2 $0x0  }
0x16: {  	s3 =	sld [smem:$0x3FDB];
	s0 =	simm.s32 @p2 $0x1  }
0x17: {  	s4 =	simm.s32 $0x1BF5;
	[smem:$0x3FB9] =	sst s0  }
0x18: {  	s0 =	sld [smem:$0x3F9C];
	_ =	swait.ge [sflag:s4], $0x0  }
0x19: {  	s7 =	sld [smem:$0x3F9D]  }
0x1a: {  	s8 =	sadd.s32 $0xFFFFE003, lr  }
0x1b: {  	s9 =	sadd.s32 $0xFFFFFEF7, lr;
	s5 =	simm.s32 $0xFFFFFFFF;
	p2 =	slt.u32 s8, $0xFFFFF086  }
0x1c: {  	p1 =	slt.u32 s9, $0xF7A;
	s5 =	simm.s32 @!p2 $0x0  }
0x1d: {  	s5 =	simm.s32 @p1 $0x1;
	p0 =	seq.s32 s7, s2  }
0x1e: {  	s7 =	smul.u32 @!p0 $0xF7A, s2;
	p2 =	seq.s32 @!p0 s5, $0x0  }
0x1f: {  	s9 =	smul.u32 $0xF7A, s1;
	s8 =	simm.s32 @!p0 $0x1BF5;
	p2 =	por !p2, p0  }
0x20: {  	[sflag:s8] =	ssyncset.s32 @!p0 $0xFFFFF086;
	s6 =	sadd.s32 @!p0 s3, s7;
	s7 =	simm.s32 @!p0 $0x108  }
0x21: {  	s3 =	sadd.s32 s3, s9;
	s6 =	sadd.s32 @!p0 $0x88, s6;
	s7 =	simm.s32 @p2 $0x1082  }
0x22: {  	[simem:s7], [sflag:s8] =	dma.local @!p0 [hbm:s6], $0xF7A  }
0x23: {  	s9 =	sor.u32 $0xD0000000, s2;
	s6 =	simm.s32 $0x108;
	_ =	swait.ge @!p0 [sflag:s8], $0x0  }
0x24: {  	s3 =	sadd.s32 $0x88, s3;
	s6 =	simm.s32 @!p1 $0x1082;
	[sflag:s4] =	ssyncset.s32 $0xFFFFF086  }
0x25: {  	[simem:s6], [sflag:s4] =	dma.local [hbm:s3], $0xF7A  }
0x26: {  	[smem:$0x3F9D] =	sst s1;
	(tag) =	ssettag s2;
	_ =	strace s9  }
0x27: {  	s1 =	sld [smem:$0x3FAD]  }
0x28: {  	s2 =	sld [smem:$0x3FAE]  }
0x29: {  	s4 =	sld [smem:$0x3FB0]  }
0x2a: {  	p0 =	seq.s32 s5, $0x0;
	s5 =	sld [smem:$0x3FB1]  }
0x2b: {  	s6 =	sld [smem:$0x3FB2]  }
0x2c: {  	s7 =	sld [smem:$0x3FB3]  }
0x2d: {  	s3 =	simm.s32 $0x108;
	s8 =	sld [smem:$0x3FB4]  }
0x2e: {  	s3 =	simm.s32 @!p0 $0x1082;
	s9 =	sld [smem:$0x3FB5]  }
0x2f: {  	lr =	sadd.s32 s0, s3;
	s0 =	sld [smem:$0x3FAC]  }
0x30: {  	s3 =	sld [smem:$0x3FAF]  }
0x31: {  	[smem:$0x3FB8] =	sst s10  }
0x32: {  	s10 =	sld [smem:$0x3FB6];
	_ =	sdelay $0x3  }
0x33: {  	p0 =	seq.s32 s10, $0x1;
	s10 =	sld [smem:$0x3FB8];
	_ =	sdelay $0x3  }
0x34: {  	[smem:$0x3FB8] =	sst s10  }
0x35: {  	s10 =	sld [smem:$0x3FB7];
	_ =	sdelay $0x3  }
0x36: {  	p1 =	seq.s32 s10, $0x1;
	s10 =	sld [smem:$0x3FB8];
	_ =	sdelay $0x3  }
0x37: {  	[smem:$0x3FB8] =	sst s10  }
0x38: {  	s10 =	sld [smem:$0x3FB9]  }
0x39: {  	_ = 	snop;
	(pc) =	sbr.ind lr, $3  }
0x3a: {  	_ = 	snop  }
0x3b: {  	_ = 	snop  }
0x3c: {  	p2 =	seq.s32 s10, $0x1;
	s10 =	sld [smem:$0x3FB8]  }
0x3d: {  	_ =	shalt  }
0x3e: {  	_ =	shalt  }
0x3f: {  	_ =	shalt  }
0x40: {  	_ =	shalt  }
0x41: {  	_ =	shalt  }
0x42: {  	_ =	shalt  }
0x43: {  	_ =	shalt  }
0x44: {  	_ =	shalt  }
0x45: {  	_ =	shalt  }
0x46: {  	_ =	shalt  }
0x47: {  	_ =	shalt  }
0x48: {  	_ =	shalt  }
0x49: {  	_ =	shalt  }
0x4a: {  	_ =	shalt  }
0x4b: {  	_ =	shalt  }
0x4c: {  	_ =	shalt  }
0x4d: {  	_ =	shalt  }
0x4e: {  	_ =	shalt  }
0x4f: {  	_ =	shalt  }
0x50: {  	_ =	shalt  }
0x51: {  	_ =	shalt  }
0x52: {  	_ =	shalt  }
0x53: {  	_ =	shalt  }
0x54: {  	_ =	shalt  }
0x55: {  	_ =	shalt  }
0x56: {  	_ =	shalt  }
0x57: {  	_ =	shalt  }
0x58: {  	_ =	shalt  }
0x59: {  	_ =	shalt  }
0x5a: {  	_ =	shalt  }
0x5b: {  	_ =	shalt  }
0x5c: {  	_ =	shalt  }
0x5d: {  	_ =	shalt  }
0x5e: {  	_ =	shalt  }
0x5f: {  	_ =	shalt  }
0x60: {  	_ =	shalt  }
0x61: {  	_ =	shalt  }
0x62: {  	_ =	shalt  }
0x63: {  	_ =	shalt  }
0x64: {  	_ =	shalt  }
0x65: {  	_ =	shalt  }
0x66: {  	_ =	shalt  }
0x67: {  	_ =	shalt  }
0x68: {  	_ =	shalt  }
0x69: {  	_ =	shalt  }
0x6a: {  	_ =	shalt  }
0x6b: {  	_ =	shalt  }
0x6c: {  	_ =	shalt  }
0x6d: {  	_ =	shalt  }
0x6e: {  	_ =	shalt  }
0x6f: {  	_ =	shalt  }
0x70: {  	_ =	shalt  }
0x71: {  	_ =	shalt  }
0x72: {  	_ =	shalt  }
0x73: {  	_ =	shalt  }
0x74: {  	_ =	shalt  }
0x75: {  	_ =	shalt  }
0x76: {  	_ =	shalt  }
0x77: {  	_ =	shalt  }
0x78: {  	_ =	shalt  }
0x79: {  	_ =	shalt  }
0x7a: {  	_ =	shalt  }
0x7b: {  	_ =	shalt  }
0x7c: {  	_ =	shalt  }
0x7d: {  	_ =	shalt  }
0x7e: {  	_ =	shalt  }
0x7f: {  	_ =	shalt  }
0x80: {  	_ =	shalt  }
0x81: {  	_ =	shalt  }
0x82: {  	_ =	shalt  }
0x83: {  	_ =	shalt  }
0x84: {  	_ =	shalt  }
0x85: {  	_ =	shalt  }
0x86: {  	_ =	shalt  }
0x87: {  	_ =	shalt  }
.Lfunc_end0:
.L_simem_size_0:
called_computation_lowered:
.L_overlay_start_0:
0x88: {  	s2 =	sld [smem:$0x3FD9]  }
0x89: {  	s3 =	sld [smem:$0x3FFE];
	_ =	sdelay $0x1  }
0x8a: {  	s1 =	srdreg.scid  }
0x8b: {  	s0 =	sand.u32 $0x1, s1  }
0x8c: {  	s17 =	sshll.u32 s0, $0xA;
	s2 =	sadd.s32 s3, s2  }
0x8d: {  	s2 =	sadd.s32 s2, s17  }
0x8e: {  	[smem:$0x3FC4] =	sst s2  }
0x8f: {  	_ = 	snop  }
0x90: {  	s2 =	sld [smem:$0x3FD0];
	(tm) =	ssettm $0x1  }
0x91: {  	s18 =	sld [smem:$0x3FFB];
	_ =	sdelay $0x3  }
0x92: {  	_ =	strace s18  }
0x93: {  	s3 =	sld [smem:$0x3FFC];
	_ =	sdelay $0x3  }
0x94: {  	_ =	strace s3  }
0x95: {  	s3 =	sld [smem:$0x3FFD];
	_ =	sdelay $0x3  }
0x96: {  	_ =	strace s3  }
0x97: {  	_ =	strace $0x8FFFFFFF  }
0x98: {  	s19 =	sld [smem:$0x3FDB];
	_ =	sdelay $0x1  }
0x99: {  	s4 =	simm.s32 $_scs_section_size  }
0x9a: {  	s5 =	simm.s32 $_size__tile_overlayer_lowered;
	s6 =	simm.s32 $_tile_overlayer_lowered  }
0x9b: {  	s22 =	simm.s32 $0x1BFF;
	s21 =	sshll.u32 s6, $0x1;
	s3 =	sadd.s32 s4, s19  }
0x9c: {  	s7 =	simm.s32 $0x0;
	s20 =	sshll.u32 s5, $0x1;
	s5 =	sadd.s32 s21, s3  }
0x9d: {  	[timem:s7], [sflag:s22] =	dma.local [hbm:s5], s20  }
0x9e: {  	_ =	swait.ge [sflag:s22], s20  }
0x9f: {  	s4 =	ssub.s32 $0x0, s20;
	[sflag:s22] =	ssyncset.done $0x0  }
0xa0: {  	[sflag:s22] =	ssyncadd.s32 s4;
	_ =	sdelay $0x1  }
0xa1: {  	s23 =	simm.s32 $0x1B8B  }
0xa2: {  	_ =	swait.ge [sflag:s23], $0x1  }
0xa3: {  	[sflag:s23] =	ssyncset.done $0x0  }
0xa4: {  	s25 =	simm.s32 $0x1B8E;
	s24 =	sld [smem:$0x3FFE];
	[sflag:s23] =	ssyncadd.s32 $0xFFFFFFFF  }
0xa5: {  	s26 =	simm.s32 $execute0_lowered;
	[smem:$0x3FD2] =	sst s25  }
0xa6: {  	s5 =	sshll.u32 s26, $0x1;
	_ =	strace $0x80000046;
	[dreg:$0x1] =	wrdreg $0xFFFFFFFF  }
0xa7: {  	s28 =	simm.s32 $_size_execute0_lowered;
	s3 =	sadd.s32 s3, s5;
	[dreg:$0x0] =	wrdreg $0x0  }
0xa8: {  	s5 =	sshll.u32 s28, $0x1;
	[dreg:$0x2] =	wrdreg s3  }
0xa9: {  	[dreg:$0x3] =	wrdreg s5  }
0xaa: {  	[dreg:$0x4] =	wrdreg $0xC0  }
0xab: {  	_ =	task [dreg:s7], $0x5FFFF  }
0xac: {  	[dreg:$0x1] =	wrdreg $0xFFFFFFFF  }
0xad: {  	[dreg:$0x0] =	wrdreg $0x60  }
0xae: {  	[dreg:$0x2] =	wrdreg s2  }
0xaf: {  	[dreg:$0x3] =	wrdreg s24  }
0xb0: {  	[dreg:$0x4] =	wrdreg $0x140000  }
0xb1: {  	[dreg:$0x5] =	wrdreg $0x9  }
0xb2: {  	_ =	task.clear_ibuf [dreg:s7], $0x6FFFF;
	_ =	strace $0x90000046  }
0xb3: {  	s29 =	simm.s32 $0x9;
	_ =	strace $0x80000048  }
0xb4: {  	_ =	swait.ge [sflag:s29], $0x1  }
0xb5: {  	[sflag:s29] =	ssyncadd.s32 $0xFFFFFFFF  }
0xb6: {  	_ =	strace $0x90000048  }
0xb7: {  	_ =	sfence  }
0xb8: {  	s30 =	sld [smem:$0x0];
	_ =	sdelay $0x2  }
0xb9: {  	s31 =	sshll.u32 s1, $0xD;
	s1 =	sshrl.u32 s1, $0x2  }
0xba: {  	s3 =	sand.u32 $0x4000, s31;
	s1 =	sadd.s32 s1, s30  }
0xbb: {  	s0 =	sor.u32 s3, s0;
	s1 =	sshll.u32 s1, $0x11  }
0xbc: {  	s0 =	sor.u32 s1, s0  }
0xbd: {  	s0 =	sadd.s32 $0x8F2B, s0  }
0xbe: {  	[sflag:s0] =	ssyncadd.remote.s32 $0x1  }
0xbf: {  	_ =	sfence.sel $0xFFFF  }
0xc0: {  	[dreg:$0x0] =	wrdreg $0xFFFFFFFF;
	(pc) =	sbr.abs _section_cstart, $3  }
0xc1: {  	[dreg:$0x1] =	wrdreg $0xFFFFFFFF  }
0xc2: {  	_ =	task.clear_ibuf [dreg:s7], $0x2FFFF;
	_ =	strace $0x9FFFFFFF  }
0xc3: {  	(tm) =	ssettm $0x7FFFFFFF  }
tec
execute0_lowered:
.L_overlay_start_1:
0x0: {  	(tag) =	ssettag $0x1  }
0x1: {  	s0 =	rddreg [dreg:$0x1]  }
0x2: {  	s2 =	rddreg [dreg:$0x2]  }
0x3: {  	s1 =	srdreg.scid;
	s4 =	stileid.u32  }
0x4: {  	s3 =	simm.s32 $0x0;
	s12 =	simm.s32 $0x180;
	s16 =	simm.s32 $0x1  }
0x5: {  	s17 =	simm.s32 $0x10;
	s19 =	simm.s32 $0x5E80;
	s25 =	simm.s32 $0x7680  }
0x6: {  	s28 =	simm.s32 $0x7E80;
	s30 =	simm.s32 $0x8680;
	s14 =	simm.s32 $0x9680  }
0x7: {  	s15 =	simm.s32 $0x2;
	s1 =	sand.u32 $0x1, s1;
	s5 =	sshll.u32 s4, $0x1  }
0x8: {  	[smem:$0x7FF] =	sst s3;
	s21 =	sadd.s32 $0xA00, s0;
	s22 =	sadd.s32 $0xAE00, s0  }
0x9: {  	s23 =	sadd.s32 $0x1000, s0;
	p0 =	sne.s32 s4, $0x0;
	s4 =	simm.s32 $0x3  }
0xa: {  	s6 =	sor.u32 s1, s5;
	_ =	strace $0x80000047;
	[dreg:$0x4] =	wrdreg s21  }
0xb: {  	[dreg:$0x5] =	wrdreg s22;
	s1 =	ssub.s32 $0x2, s1;
	s7 =	smul.u32 $0x140, s6  }
0xc: {  	[dreg:$0x6] =	wrdreg s23;
	s8 =	smul.u32 $0x1400, s6;
	s10 =	sshrl.u32 s1, $0x1  }
0xd: {  	s21 =	simm.s32 $0x6680;
	s1 =	ssub.s32 s1, s10;
	s9 =	sshrl.u32 s7, $0x3  }
0xe: {  	s8 =	sadd.s32 s8, s0;
	s31 =	smax.u32 s1, $0x1;
	s0 =	sadd.s32 s9, s0  }
.Ltmp0:
0xf: {  	s29 =	sadd.s32 $0x15200, s8;
	[dreg:$0xa] =	wrdreg s31;
	(pc) =	sbr.rel .LBB2_1-.Ltmp0, $4  }
0x10: {  	s23 =	simm.s32 $0x6E80;
	s26 =	sadd.s32 $0x400, s0;
	[dreg:$0x8] =	wrdreg s29  }
0x11: {  	s5 =	simm.s32 $0x0;
	s0 =	sadd.s32 $0x14C00, s0;
	[dreg:$0x7] =	wrdreg s26  }
0x12: {  	v2 =	vimm.f32 $0.0e+00;
	v3 =	vimm.s32 $0x0;
	v4 =	vlaneseq.u32;
	s24 =	sadd.s32 $0x140, s7;
	[dreg:$0x9] =	wrdreg s0;
	s0 =	sshrl.u32 @!p0 s2, $0x3  }
0x13: {  	vm0 =	vmmov $0x1;
	v0 =	vmov s7;
	s7 =	simm.s32 $0x0;
	v1 =	vmov s24;
	[dreg:$0xb] =	wrdreg s0;
	s0 =	simm.s32 $0x8E80  }
.LBB2_22:
0x14: {  	s1 =	rddreg [dreg:$0x8];
	s4 =	simm.s32 $0x9E80  }
0x15: {  	[hbm4b:s1+s3] =	stream.linear.scatter [tilespmem:s4], [sflag:$0x3], $0xA000, $0x38;
	[tilespmem:$0x1DC40] =	vst v63  }
0x16: {  	s4 =	simm.s32 $0x3  }
0x17: {  	_ =	swait.ge [sflag:s4], $0xA000  }
0x18: {  	[sflag:s4] =	ssyncset.done $0x0  }
0x19: {  	s5 =	simm.s32 $0x13E80;
	s26 =	rddreg [dreg:$0x9];
	[sflag:s4] =	ssyncadd.s32 $0xFFFF6000  }
0x1a: {  	[hbm4b:s26+s3] =	stream.linear.scatter [tilespmem:s5], [sflag:$0x3], $0x140, $0x38;
	[tilespmem:$0x1DC40] =	vst v63  }
0x1b: {  	_ =	swait.ge [sflag:s4], $0x140  }
0x1c: {  	s29 =	rddreg [dreg:$0xc]  }
0x1d: {  	s31 =	rddreg [dreg:$0xa];
	s5 =	sadd.s32 $0x1, s29  }
0x1e: {  	p1 =	sne.s32 s5, s31  }
.Ltmp1:
0x1f: {  	_ = 	snop;
	(pc) =	sbr.rel @!p1 .LBB2_23-.Ltmp1, $3  }
0x20: {  	_ =	sdelay $0x1  }
0x21: {  	[sflag:s4] =	ssyncset.done $0x0  }
0x22: {  	[sflag:s4] =	ssyncadd.s32 $0xFFFFFEC0  }
.LBB2_1:
0x23: {  	[dreg:$0xc] =	wrdreg s5  }
0x24: {  	s1 =	rddreg [dreg:$0x7]  }
0x25: {  	[tilespmem:s3], [sflag:$0x3] =	stream.linear.gather [hbm4b:s1+s3], $0x140, $0x38;
	[tilespmem:$0x1DC40] =	vst v63  }
0x26: {  	_ =	swait.ge [sflag:s4], $0x140  }
0x27: {  	[sflag:s4] =	ssyncset.done $0x0  }
0x28: {  	s31 =	rddreg [dreg:$0x4];
	[sflag:s4] =	ssyncadd.s32 $0xFFFFFEC0  }
0x29: {  	[tilespmem:s12], [sflag:$0x3] =	stream.linear.gather [hbm4b:s31+s3], $0x2800, $0x38;
	[tilespmem:$0x1DC40] =	vst v63  }
0x2a: {  	_ =	swait.ge [sflag:s4], $0x2800  }
0x2b: {  	[sflag:s4] =	ssyncset.done $0x0  }
0x2c: {  	s5 =	rddreg [dreg:$0xb];
	[sflag:s4] =	ssyncadd.s32 $0xFFFFD800  }
0x2d: {  	s1 =	simm.s32 @!p0 $0x1C03;
	s4 =	rddreg [dreg:$0x0]  }
0x2e: {  	[spmem:s5], [sflag:s1] =	dma.local @!p0 [hbm:s4], $0x13880  }
0x2f: {  	s1 =	simm.s32 @!p0 $0x3  }
0x30: {  	_ =	swait.ge @!p0 [sflag:s1], $0x13880  }
0x31: {  	[sflag:s1] =	ssyncset.done @!p0 $0x0  }
0x32: {  	s4 =	simm.s32 $0x200;
	[sflag:s1] =	ssyncadd.s32 @!p0 $0xFFFEC780;
	s1 =	simm.s32 $0x0  }
.LBB2_2:
0x33: {  	p1 =	sne.s32 s4, $0x27E00;
	[tilespmem:s1+$0x9EF0] =	vst v2  }
0x34: {  	[tilespmem:s1+$0x9E80] =	vst v2  }
0x35: {  	[tilespmem:s1+$0x9E90] =	vst v2  }
.Ltmp2:
0x36: {  	[tilespmem:s1+$0x9EA0] =	vst v2;
	(pc) =	sbr.rel @p1 .LBB2_2-.Ltmp2, $4  }
0x37: {  	[tilespmem:s1+$0x9EB0] =	vst v2  }
0x38: {  	[tilespmem:s1+$0x9EC0] =	vst v2  }
0x39: {  	[tilespmem:s1+$0x9ED0] =	vst v2  }
0x3a: {  	[tilespmem:s1+$0x9EE0] =	vst v2;
	s1 =	sshra.s32 s4, $0x2;
	s4 =	sadd.s32 $0x200, s4  }
0x3b: {  	[tilespmem:s1+$0x9EF0] =	vst v2  }
0x3c: {  	[tilespmem:s1+$0x9E80] =	vst v2  }
0x3d: {  	[tilespmem:s1+$0x9E90] =	vst v2  }
0x3e: {  	[tilespmem:s1+$0x9EA0] =	vst v2  }
0x3f: {  	[tilespmem:s1+$0x9EB0] =	vst v2  }
0x40: {  	[tilespmem:s1+$0x9EC0] =	vst v2  }
0x41: {  	[tilespmem:s1+$0x9ED0] =	vst v2  }
0x42: {  	[tilespmem:s1+$0x9EE0] =	vst v2  }
0x43: {  	[tilespmem:$0x13E80] =	vst v2  }
0x44: {  	[tilespmem:$0x13E90] =	vst v2  }
0x45: {  	[tilespmem:$0x13EA0] =	vst v2  }
0x46: {  	[tilespmem:$0x13EB0] =	vst v2  }
0x47: {  	[tilespmem:$0x13EC0] =	vst v2  }
0x48: {  	[tilespmem:$0x13ED0] =	vst v2  }
0x49: {  	[tilespmem:$0x13EE0] =	vst v2  }
0x4a: {  	[tilespmem:$0x13EF0] =	vst v2  }
0x4b: {  	[tilespmem:$0x13F00] =	vst v2  }
0x4c: {  	[tilespmem:$0x13F10] =	vst v2  }
0x4d: {  	[tilespmem:$0x13F20] =	vst v2  }
0x4e: {  	[tilespmem:$0x13F30] =	vst v2  }
0x4f: {  	[tilespmem:$0x13F40] =	vst v2  }
0x50: {  	[tilespmem:$0x13F50] =	vst v2  }
0x51: {  	[tilespmem:$0x13F60] =	vst v2  }
0x52: {  	[tilespmem:$0x13F70] =	vst v2  }
0x53: {  	[tilespmem:$0x13F80] =	vst v2  }
0x54: {  	[tilespmem:$0x13F90] =	vst v2  }
0x55: {  	[tilespmem:$0x13FA0] =	vst v2  }
0x56: {  	[tilespmem:$0x13FB0] =	vst v2  }
0x57: {  	[tilespmem:$0x13FC0] =	vst v2  }
.Ltmp3:
0x58: {  	[bflag:$0x0] =	sbarrier.arrive $0xFFFF;
	(pc) =	sbr.rel .LBB2_5-.Ltmp3, $4  }
0x59: {  	s4 =	simm.s32 $0x2980;
	s26 =	rddreg [dreg:$0x5]  }
0x5a: {  	[tilespmem:s4], [sflag:$0x1] =	stream.linear.gather [hbm4b:s26+s7], $0xC80, $0x38;
	[tilespmem:$0x1DC40] =	vst v63  }
0x5b: {  	s31 =	simm.s32 $0x3600;
	s9 =	simm.s32 $0x0;
	s29 =	rddreg [dreg:$0x6]  }
0x5c: {  	[tilespmem:s31], [sflag:$0x1] =	stream.linear.gather [hbm4b:s29+s7], $0xC80, $0x38;
	[tilespmem:$0x1DC40] =	vst v63  }
.LBB2_4:
0x5d: {  	p1 =	seq.s32 s9, $0x64  }
.Ltmp4:
0x5e: {  	_ = 	snop;
	(pc) =	sbr.rel @p1 .LBB2_22-.Ltmp4, $1  }
0x5f: {  	_ =	sdelay $0x3  }
.LBB2_5:
0x60: {  	_ =	swait.ge [sflag:s16], $0xC80  }
0x61: {  	[sflag:s16] =	ssyncset.done $0x0  }
0x62: {  	[sflag:s16] =	ssyncadd.s32 $0xFFFFF380  }
0x63: {  	_ =	swait.ge [sflag:s16], $0xC80  }
0x64: {  	[sflag:s16] =	ssyncset.done $0x0  }
0x65: {  	s8 =	simm.s32 $0x29C0;
	[sflag:s16] =	ssyncadd.s32 $0xFFFFF380  }
0x66: {  	v5 =	vld [tilespmem:s8+$0xFFFFFFC0];
	_ =	sdelay $0x2  }
0x67: {  	s4 =	simm.s32 $0x3640  }
0x68: {  	v6 =	vld [tilespmem:s4+$0xFFFFFFC0]  }
0x69: {  	vm1 =	vge.s32 v5, v0;
	vm2 =	vlt.s32 v5, v1  }
0x6a: {  	vm1 =	vmand vm1, vm2  }
0x6b: {  	v7 =	vmpcnt.ones.xlane vm1;
	_ =	sdelay $0x1  }
0x6c: {  	v8 =	vshll.u32 v6, $0xC;
	(v2sf) =	vpush v7, $0x0  }
0x6d: {  	v5 =	vsub.s32 v5, v0;
	v7 =	vand.u32 $0x1000, v8  }
0x6e: {  	v5 =	vor.u32 v5, v7  }
0x6f: {  	[tilespmem:s7+$0x4280] =	vst.msk vm1, v5;
	v5 =	vshrl.u32 v6, $0x1  }
0x70: {  	[tilespmem:s7+$0x5000] =	vst.msk vm1, v5  }
0x71: {  	v5 =	vld [tilespmem:s8+$0xFFFFFFD0];
	_ =	sdelay $0x3  }
0x72: {  	v6 =	vld [tilespmem:s4+$0xFFFFFFD0]  }
0x73: {  	vm1 =	vge.s32 v5, v0;
	vm2 =	vlt.s32 v5, v1  }
0x74: {  	vm1 =	vmand vm1, vm2  }
0x75: {  	v7 =	vmpcnt.ones.xlane vm1;
	_ =	sdelay $0x1  }
0x76: {  	(v2sf) =	vpush v7, $0x0;
	v7 =	vshll.u32 v6, $0xC  }
0x77: {  	v5 =	vsub.s32 v5, v0;
	v7 =	vand.u32 $0x1000, v7;
	s1 =	spop (v2sf)  }
0x78: {  	v5 =	vor.u32 v5, v7;
	s1 =	sadd.s32 $0x0, s1  }
0x79: {  	v6 =	vshrl.u32 v6, $0x1;
	[tilespmem:s1+$0x4280] =	vst.msk vm1, v5  }
0x7a: {  	[tilespmem:s1+$0x5000] =	vst.msk vm1, v6  }
0x7b: {  	v5 =	vld [tilespmem:s8+$0xFFFFFFE0];
	_ =	sdelay $0x3  }
0x7c: {  	v6 =	vld [tilespmem:s4+$0xFFFFFFE0]  }
0x7d: {  	vm1 =	vge.s32 v5, v0;
	vm2 =	vlt.s32 v5, v1  }
0x7e: {  	vm1 =	vmand vm1, vm2  }
0x7f: {  	v7 =	vmpcnt.ones.xlane vm1;
	_ =	sdelay $0x1  }
0x80: {  	v8 =	vshll.u32 v6, $0xC;
	(v2sf) =	vpush v7, $0x0  }
0x81: {  	v5 =	vsub.s32 v5, v0;
	v7 =	vand.u32 $0x1000, v8;
	s5 =	spop (v2sf)  }
0x82: {  	s1 =	sadd.s32 s1, s5;
	v5 =	vor.u32 v5, v7  }
0x83: {  	[tilespmem:s1+$0x4280] =	vst.msk vm1, v5;
	v5 =	vshrl.u32 v6, $0x1  }
0x84: {  	[tilespmem:s1+$0x5000] =	vst.msk vm1, v5  }
0x85: {  	v5 =	vld [tilespmem:s8+$0xFFFFFFF0];
	_ =	sdelay $0x3  }
0x86: {  	v6 =	vld [tilespmem:s4+$0xFFFFFFF0]  }
0x87: {  	vm1 =	vge.s32 v5, v0;
	vm2 =	vlt.s32 v5, v1  }
0x88: {  	vm1 =	vmand vm1, vm2  }
0x89: {  	v7 =	vmpcnt.ones.xlane vm1;
	_ =	sdelay $0x1  }
0x8a: {  	(v2sf) =	vpush v7, $0x0;
	v7 =	vshll.u32 v6, $0xC  }
0x8b: {  	v5 =	vsub.s32 v5, v0;
	v7 =	vand.u32 $0x1000, v7;
	s22 =	spop (v2sf)  }
0x8c: {  	v5 =	vor.u32 v5, v7;
	s1 =	sadd.s32 s1, s22  }
0x8d: {  	[tilespmem:s1+$0x4280] =	vst.msk vm1, v5;
	v5 =	vshrl.u32 v6, $0x1  }
0x8e: {  	[tilespmem:s1+$0x5000] =	vst.msk vm1, v5  }
0x8f: {  	v5 =	vld [tilespmem:s8+$0x0];
	_ =	sdelay $0x3  }
0x90: {  	v6 =	vld [tilespmem:s4+$0x0]  }
0x91: {  	vm1 =	vge.s32 v5, v0;
	vm2 =	vlt.s32 v5, v1  }
0x92: {  	vm1 =	vmand vm1, vm2  }
0x93: {  	v7 =	vmpcnt.ones.xlane vm1;
	_ =	sdelay $0x1  }
0x94: {  	v8 =	vshll.u32 v6, $0xC;
	(v2sf) =	vpush v7, $0x0  }
0x95: {  	v5 =	vsub.s32 v5, v0;
	v7 =	vand.u32 $0x1000, v8;
	s24 =	spop (v2sf)  }
0x96: {  	s1 =	sadd.s32 s1, s24;
	v5 =	vor.u32 v5, v7  }
0x97: {  	[tilespmem:s1+$0x4280] =	vst.msk vm1, v5;
	v5 =	vshrl.u32 v6, $0x1  }
0x98: {  	[tilespmem:s1+$0x5000] =	vst.msk vm1, v5  }
0x99: {  	v5 =	vld [tilespmem:s8+$0x10];
	_ =	sdelay $0x3  }
0x9a: {  	v6 =	vld [tilespmem:s4+$0x10]  }
0x9b: {  	vm1 =	vge.s32 v5, v0;
	vm2 =	vlt.s32 v5, v1  }
0x9c: {  	vm1 =	vmand vm1, vm2  }
0x9d: {  	v7 =	vmpcnt.ones.xlane vm1;
	_ =	sdelay $0x1  }
0x9e: {  	(v2sf) =	vpush v7, $0x0;
	v7 =	vshll.u32 v6, $0xC  }
0x9f: {  	v5 =	vsub.s32 v5, v0;
	v7 =	vand.u32 $0x1000, v7;
	s26 =	spop (v2sf)  }
0xa0: {  	v5 =	vor.u32 v5, v7;
	s1 =	sadd.s32 s1, s26  }
0xa1: {  	[tilespmem:s1+$0x4280] =	vst.msk vm1, v5;
	v5 =	vshrl.u32 v6, $0x1  }
0xa2: {  	[tilespmem:s1+$0x5000] =	vst.msk vm1, v5  }
0xa3: {  	v5 =	vld [tilespmem:s8+$0x20];
	_ =	sdelay $0x3  }
0xa4: {  	v6 =	vld [tilespmem:s4+$0x20]  }
0xa5: {  	vm1 =	vge.s32 v5, v0;
	vm2 =	vlt.s32 v5, v1  }
0xa6: {  	vm1 =	vmand vm1, vm2  }
0xa7: {  	v7 =	vmpcnt.ones.xlane vm1;
	_ =	sdelay $0x1  }
0xa8: {  	v8 =	vshll.u32 v6, $0xC;
	(v2sf) =	vpush v7, $0x0  }
0xa9: {  	v5 =	vsub.s32 v5, v0;
	v8 =	vand.u32 $0x1000, v8;
	s29 =	spop (v2sf)  }
0xaa: {  	v5 =	vor.u32 v5, v8;
	s1 =	sadd.s32 s1, s29  }
0xab: {  	[tilespmem:s1+$0x4280] =	vst.msk vm1, v5;
	v5 =	vshrl.u32 v6, $0x1  }
0xac: {  	[tilespmem:s1+$0x5000] =	vst.msk vm1, v5  }
0xad: {  	v5 =	vld [tilespmem:s8+$0x30];
	_ =	sdelay $0x3  }
0xae: {  	v6 =	vld [tilespmem:s4+$0x30]  }
0xaf: {  	vm1 =	vge.s32 v5, v0;
	vm2 =	vlt.s32 v5, v1  }
0xb0: {  	vm1 =	vmand vm1, vm2  }
0xb1: {  	v7 =	vmpcnt.ones.xlane vm1;
	_ =	sdelay $0x1  }
0xb2: {  	(v2sf) =	vpush v7, $0x0;
	v7 =	vshll.u32 v6, $0xC  }
0xb3: {  	v5 =	vsub.s32 v5, v0;
	v7 =	vand.u32 $0x1000, v7;
	s31 =	spop (v2sf)  }
0xb4: {  	v5 =	vor.u32 v5, v7;
	s11 =	sadd.s32 s1, s31  }
0xb5: {  	[tilespmem:s11+$0x4280] =	vst.msk vm1, v5;
	v5 =	vshrl.u32 v6, $0x1  }
0xb6: {  	s10 =	smov.u32 s9;
	s9 =	simm.s32 $0x2A40;
	[tilespmem:s11+$0x5000] =	vst.msk vm1, v5  }
0xb7: {  	v6 =	vld [tilespmem:s9+$0xFFFFFFC0];
	_ =	sdelay $0x4  }
0xb8: {  	vm1 =	vge.s32 v6, v0;
	vm2 =	vlt.s32 v6, v1  }
0xb9: {  	s8 =	simm.s32 $0x36C0;
	vm1 =	vmand vm1, vm2  }
0xba: {  	v5 =	vld [tilespmem:s8+$0xFFFFFFC0];
	v7 =	vmpcnt.ones.xlane vm1;
	_ =	sdelay $0x1  }
0xbb: {  	(v2sf) =	vpush v7, $0x0;
	_ =	sdelay $0x2  }
0xbc: {  	v8 =	vshll.u32 v5, $0xC  }
0xbd: {  	s4 =	simm.s32 $0x8;
	v6 =	vsub.s32 v6, v0;
	v7 =	vand.u32 $0x1000, v8;
	s1 =	spop (v2sf)  }
.LBB2_6:
0xbe: {  	s4 =	sadd.s32 $0x8, s4;
	v6 =	vor.u32 v6, v7;
	s1 =	sadd.s32 s11, s1  }
0xbf: {  	v5 =	vshrl.u32 v5, $0x1;
	p1 =	slt.u32 s4, $0xC0;
	[tilespmem:s1+$0x4280] =	vst.msk vm1, v6  }
0xc0: {  	[tilespmem:s1+$0x5000] =	vst.msk vm1, v5  }
0xc1: {  	v5 =	vld [tilespmem:s9+$0xFFFFFFD0]  }
0xc2: {  	v6 =	vld [tilespmem:s8+$0xFFFFFFD0];
	_ =	sdelay $0x3  }
0xc3: {  	vm1 =	vge.s32 v5, v0;
	vm2 =	vlt.s32 v5, v1  }
0xc4: {  	v5 =	vsub.s32 v5, v0;
	vm1 =	vmand vm1, vm2;
	v7 =	vshll.u32 v6, $0xC  }
0xc5: {  	v7 =	vand.u32 $0x1000, v7;
	v8 =	vmpcnt.ones.xlane vm1;
	s5 =	spop (v2sf)  }
0xc6: {  	v6 =	vshrl.u32 v6, $0x1;
	s1 =	sadd.s32 s1, s5;
	v5 =	vor.u32 v5, v7  }
0xc7: {  	[tilespmem:s1+$0x4280] =	vst.msk vm1, v5;
	(v2sf) =	vpush v8, $0x0  }
0xc8: {  	[tilespmem:s1+$0x5000] =	vst.msk vm1, v6  }
0xc9: {  	v5 =	vld [tilespmem:s9+$0xFFFFFFE0];
	_ =	sdelay $0x4  }
0xca: {  	vm1 =	vge.s32 v5, v0;
	vm2 =	vlt.s32 v5, v1  }
0xcb: {  	vm1 =	vmand vm1, vm2  }
0xcc: {  	v6 =	vld [tilespmem:s8+$0xFFFFFFE0];
	v7 =	vmpcnt.ones.xlane vm1;
	_ =	sdelay $0x1  }
0xcd: {  	(v2sf) =	vpush v7, $0x0;
	_ =	sdelay $0x2  }
0xce: {  	v7 =	vshll.u32 v6, $0xC  }
0xcf: {  	v5 =	vsub.s32 v5, v0;
	v7 =	vand.u32 $0x1000, v7;
	s5 =	spop (v2sf)  }
0xd0: {  	s1 =	sadd.s32 s1, s5;
	v5 =	vor.u32 v5, v7  }
0xd1: {  	[tilespmem:s1+$0x4280] =	vst.msk vm1, v5;
	v5 =	vshrl.u32 v6, $0x1  }
0xd2: {  	[tilespmem:s1+$0x5000] =	vst.msk vm1, v5  }
0xd3: {  	v5 =	vld [tilespmem:s9+$0xFFFFFFF0]  }
0xd4: {  	v6 =	vld [tilespmem:s8+$0xFFFFFFF0];
	_ =	sdelay $0x3  }
0xd5: {  	vm1 =	vge.s32 v5, v0;
	vm2 =	vlt.s32 v5, v1  }
0xd6: {  	vm1 =	vmand vm1, vm2;
	v7 =	vshll.u32 v6, $0xC  }
0xd7: {  	v5 =	vsub.s32 v5, v0;
	v7 =	vand.u32 $0x1000, v7;
	v8 =	vmpcnt.ones.xlane vm1;
	s5 =	spop (v2sf)  }
0xd8: {  	s1 =	sadd.s32 s1, s5;
	v5 =	vor.u32 v5, v7  }
0xd9: {  	[tilespmem:s1+$0x4280] =	vst.msk vm1, v5;
	v5 =	vshrl.u32 v6, $0x1;
	(v2sf) =	vpush v8, $0x0  }
0xda: {  	[tilespmem:s1+$0x5000] =	vst.msk vm1, v5  }
0xdb: {  	v5 =	vld [tilespmem:s9+$0x0];
	_ =	sdelay $0x4  }
0xdc: {  	vm1 =	vge.s32 v5, v0;
	vm2 =	vlt.s32 v5, v1  }
0xdd: {  	vm1 =	vmand vm1, vm2  }
0xde: {  	v6 =	vld [tilespmem:s8+$0x0];
	v7 =	vmpcnt.ones.xlane vm1;
	_ =	sdelay $0x1  }
0xdf: {  	(v2sf) =	vpush v7, $0x0;
	_ =	sdelay $0x2  }
0xe0: {  	v7 =	vshll.u32 v6, $0xC  }
0xe1: {  	v5 =	vsub.s32 v5, v0;
	v7 =	vand.u32 $0x1000, v7;
	s5 =	spop (v2sf)  }
0xe2: {  	s1 =	sadd.s32 s1, s5;
	v5 =	vor.u32 v5, v7  }
0xe3: {  	[tilespmem:s1+$0x4280] =	vst.msk vm1, v5;
	v5 =	vshrl.u32 v6, $0x1  }
0xe4: {  	[tilespmem:s1+$0x5000] =	vst.msk vm1, v5  }
0xe5: {  	v5 =	vld [tilespmem:s9+$0x10]  }
0xe6: {  	v6 =	vld [tilespmem:s8+$0x10];
	_ =	sdelay $0x3  }
0xe7: {  	vm1 =	vge.s32 v5, v0;
	vm2 =	vlt.s32 v5, v1  }
0xe8: {  	vm1 =	vmand vm1, vm2;
	v7 =	vshll.u32 v6, $0xC  }
0xe9: {  	v5 =	vsub.s32 v5, v0;
	v7 =	vand.u32 $0x1000, v7;
	v8 =	vmpcnt.ones.xlane vm1;
	s5 =	spop (v2sf)  }
0xea: {  	s1 =	sadd.s32 s1, s5;
	v5 =	vor.u32 v5, v7  }
0xeb: {  	[tilespmem:s1+$0x4280] =	vst.msk vm1, v5;
	v5 =	vshrl.u32 v6, $0x1;
	(v2sf) =	vpush v8, $0x0  }
0xec: {  	[tilespmem:s1+$0x5000] =	vst.msk vm1, v5  }
0xed: {  	v5 =	vld [tilespmem:s9+$0x20]  }
0xee: {  	v6 =	vld [tilespmem:s8+$0x20];
	_ =	sdelay $0x3  }
0xef: {  	vm1 =	vge.s32 v5, v0;
	vm2 =	vlt.s32 v5, v1  }
0xf0: {  	vm1 =	vmand vm1, vm2;
	v7 =	vshll.u32 v6, $0xC  }
0xf1: {  	v7 =	vand.u32 $0x1000, v7;
	v8 =	vmpcnt.ones.xlane vm1;
	_ =	sdelay $0x1  }
0xf2: {  	(v2sf) =	vpush v8, $0x0;
	_ =	sdelay $0x3  }
0xf3: {  	v5 =	vsub.s32 v5, v0;
	s5 =	spop (v2sf)  }
0xf4: {  	v5 =	vor.u32 v5, v7;
	s1 =	sadd.s32 s1, s5  }
0xf5: {  	[tilespmem:s1+$0x4280] =	vst.msk vm1, v5;
	v5 =	vshrl.u32 v6, $0x1  }
0xf6: {  	[tilespmem:s1+$0x5000] =	vst.msk vm1, v5  }
0xf7: {  	v5 =	vld [tilespmem:s9+$0x30]  }
0xf8: {  	v6 =	vld [tilespmem:s8+$0x30];
	_ =	sdelay $0x3  }
0xf9: {  	vm1 =	vge.s32 v5, v0;
	vm2 =	vlt.s32 v5, v1  }
0xfa: {  	vm1 =	vmand vm1, vm2;
	v7 =	vshll.u32 v6, $0xC  }
0xfb: {  	v5 =	vsub.s32 v5, v0;
	v7 =	vand.u32 $0x1000, v7;
	v8 =	vmpcnt.ones.xlane vm1;
	s5 =	spop (v2sf)  }
0xfc: {  	s11 =	sadd.s32 s1, s5;
	v5 =	vor.u32 v5, v7  }
0xfd: {  	s9 =	sadd.s32 $0x80, s9;
	[tilespmem:s11+$0x4280] =	vst.msk vm1, v5;
	v5 =	vshrl.u32 v6, $0x1;
	(v2sf) =	vpush v8, $0x0  }
0xfe: {  	[tilespmem:s11+$0x5000] =	vst.msk vm1, v5  }
0xff: {  	v6 =	vld [tilespmem:s9+$0xFFFFFFC0];
	_ =	sdelay $0x4  }
0x100: {  	vm1 =	vge.s32 v6, v0;
	vm2 =	vlt.s32 v6, v1  }
0x101: {  	s8 =	sadd.s32 $0x80, s8;
	vm1 =	vmand vm1, vm2  }
0x102: {  	v5 =	vld [tilespmem:s8+$0xFFFFFFC0];
	v7 =	vmpcnt.ones.xlane vm1;
	_ =	sdelay $0x1  }
.Ltmp5:
0x103: {  	(v2sf) =	vpush v7, $0x0;
	(pc) =	sbr.rel @p1 .LBB2_6-.Ltmp5, $3  }
0x104: {  	_ =	sdelay $0x1  }
0x105: {  	v7 =	vshll.u32 v5, $0xC  }
0x106: {  	v6 =	vsub.s32 v6, v0;
	v7 =	vand.u32 $0x1000, v7;
	s1 =	spop (v2sf)  }
0x107: {  	v6 =	vor.u32 v6, v7;
	s13 =	sadd.s32 s11, s1  }
0x108: {  	v5 =	vshrl.u32 v5, $0x1;
	[tilespmem:s13+$0x4280] =	vst.msk vm1, v6  }
0x109: {  	[tilespmem:s13+$0x5000] =	vst.msk vm1, v5  }
0x10a: {  	v5 =	vld [tilespmem:s9+$0xFFFFFFD0];
	_ =	sdelay $0x4  }
0x10b: {  	vm1 =	vge.s32 v5, v0;
	vm2 =	vlt.s32 v5, v1  }
0x10c: {  	vm1 =	vmand vm1, vm2  }
0x10d: {  	v6 =	vld [tilespmem:s8+$0xFFFFFFD0];
	v7 =	vmpcnt.ones.xlane vm1;
	_ =	sdelay $0x1  }
0x10e: {  	(v2sf) =	vpush v7, $0x0;
	_ =	sdelay $0x2  }
0x10f: {  	v7 =	vshll.u32 v6, $0xC  }
0x110: {  	v5 =	vsub.s32 v5, v0;
	s24 =	spop (v2sf);
	v7 =	vand.u32 $0x1000, v7  }
0x111: {  	s1 =	sadd.s32 s13, s24;
	v5 =	vor.u32 v5, v7  }
0x112: {  	v6 =	vshrl.u32 v6, $0x1;
	[tilespmem:s1+$0x4280] =	vst.msk vm1, v5  }
0x113: {  	[tilespmem:s1+$0x5000] =	vst.msk vm1, v6  }
0x114: {  	v5 =	vld [tilespmem:s9+$0xFFFFFFE0]  }
0x115: {  	v6 =	vld [tilespmem:s8+$0xFFFFFFE0];
	_ =	sdelay $0x3  }
0x116: {  	vm1 =	vge.s32 v5, v0;
	vm2 =	vlt.s32 v5, v1  }
0x117: {  	v7 =	vshll.u32 v6, $0xC;
	vm1 =	vmand vm1, vm2  }
0x118: {  	v5 =	vsub.s32 v5, v0;
	v7 =	vand.u32 $0x1000, v7;
	v8 =	vmpcnt.ones.xlane vm1;
	s26 =	spop (v2sf)  }
0x119: {  	v5 =	vor.u32 v5, v7;
	s1 =	sadd.s32 s1, s26  }
0x11a: {  	(v2sf) =	vpush v8, $0x0;
	[tilespmem:s1+$0x4280] =	vst.msk vm1, v5;
	v5 =	vshrl.u32 v6, $0x1  }
0x11b: {  	[tilespmem:s1+$0x5000] =	vst.msk vm1, v5  }
0x11c: {  	v5 =	vld [tilespmem:s9+$0xFFFFFFF0];
	_ =	sdelay $0x4  }
0x11d: {  	vm1 =	vge.s32 v5, v0;
	vm2 =	vlt.s32 v5, v1  }
0x11e: {  	vm1 =	vmand vm1, vm2  }
0x11f: {  	v6 =	vld [tilespmem:s8+$0xFFFFFFF0];
	v7 =	vmpcnt.ones.xlane vm1;
	_ =	sdelay $0x1  }
0x120: {  	(v2sf) =	vpush v7, $0x0;
	_ =	sdelay $0x2  }
0x121: {  	v7 =	vshll.u32 v6, $0xC  }
0x122: {  	v5 =	vsub.s32 v5, v0;
	v7 =	vand.u32 $0x1000, v7;
	s29 =	spop (v2sf)  }
0x123: {  	s1 =	sadd.s32 s1, s29;
	v5 =	vor.u32 v5, v7  }
0x124: {  	[tilespmem:s1+$0x4280] =	vst.msk vm1, v5;
	v5 =	vshrl.u32 v6, $0x1  }
0x125: {  	[tilespmem:s1+$0x5000] =	vst.msk vm1, v5  }
0x126: {  	v5 =	vld [tilespmem:s9+$0x0]  }
0x127: {  	v6 =	vld [tilespmem:s8+$0x0];
	_ =	sdelay $0x3  }
0x128: {  	vm1 =	vge.s32 v5, v0;
	vm2 =	vlt.s32 v5, v1  }
0x129: {  	v7 =	vshll.u32 v6, $0xC;
	vm1 =	vmand vm1, vm2  }
0x12a: {  	v5 =	vsub.s32 v5, v0;
	v7 =	vand.u32 $0x1000, v7;
	v63 =	vmpcnt.ones.xlane vm1;
	s11 =	spop (v2sf)  }
0x12b: {  	v5 =	vor.u32 v5, v7;
	s1 =	sadd.s32 s1, s11  }
0x12c: {  	(v2sf) =	vpush v63, $0x0;
	[tilespmem:s1+$0x4280] =	vst.msk vm1, v5;
	v5 =	vshrl.u32 v6, $0x1  }
0x12d: {  	[tilespmem:s1+$0x5000] =	vst.msk vm1, v5  }
0x12e: {  	v5 =	vld [tilespmem:s9+$0x10];
	_ =	sdelay $0x4  }
0x12f: {  	vm1 =	vge.s32 v5, v0;
	vm2 =	vlt.s32 v5, v1  }
0x130: {  	vm1 =	vmand vm1, vm2  }
0x131: {  	v6 =	vld [tilespmem:s8+$0x10];
	v7 =	vmpcnt.ones.xlane vm1;
	_ =	sdelay $0x1  }
0x132: {  	(v2sf) =	vpush v7, $0x0;
	_ =	sdelay $0x2  }
0x133: {  	v7 =	vshll.u32 v6, $0xC  }
0x134: {  	v5 =	vsub.s32 v5, v0;
	v7 =	vand.u32 $0x1000, v7;
	s4 =	spop (v2sf)  }
0x135: {  	s1 =	sadd.s32 s1, s4;
	v5 =	vor.u32 v5, v7  }
0x136: {  	[tilespmem:s1+$0x4280] =	vst.msk vm1, v5;
	v5 =	vshrl.u32 v6, $0x1  }
0x137: {  	[tilespmem:s1+$0x5000] =	vst.msk vm1, v5  }
0x138: {  	v5 =	vld [tilespmem:s9+$0x20]  }
0x139: {  	v6 =	vld [tilespmem:s8+$0x20];
	_ =	sdelay $0x4  }
0x13a: {  	vm1 =	vge.s32 v5, v0;
	v7 =	vshll.u32 v6, $0xC  }
0x13b: {  	vm2 =	vlt.s32 v5, v1;
	v5 =	vsub.s32 v5, v0;
	v7 =	vand.u32 $0x1000, v7;
	s18 =	spop (v2sf)  }
0x13c: {  	vm1 =	vmand vm1, vm2;
	v5 =	vor.u32 v5, v7;
	s1 =	sadd.s32 s1, s18  }
0x13d: {  	[tilespmem:s1+$0x4280] =	vst.msk vm1, v5;
	v5 =	vshrl.u32 v6, $0x1  }
0x13e: {  	[tilespmem:s1+$0x5000] =	vst.msk vm1, v5  }
0x13f: {  	v5 =	vld [tilespmem:s9+$0x30];
	_ =	sdelay $0x4  }
0x140: {  	v6 =	vmpcnt.ones.xlane vm1;
	vm1 =	vge.s32 v5, v0;
	vm2 =	vlt.s32 v5, v1  }
0x141: {  	vm1 =	vmand vm1, vm2  }
0x142: {  	(v2sf) =	vpush v6, $0x0;
	v6 =	vmpcnt.ones.xlane vm1;
	_ =	sdelay $0x1  }
0x143: {  	(v2sf) =	vpush v6, $0x0;
	_ =	sdelay $0x6  }
0x144: {  	v6 =	vld [tilespmem:s8+$0x30];
	_ =	sdelay $0x4  }
0x145: {  	v7 =	vshll.u32 v6, $0xC  }
0x146: {  	v5 =	vsub.s32 v5, v0;
	v7 =	vand.u32 $0x1000, v7;
	s20 =	spop (v2sf)  }
0x147: {  	s1 =	sadd.s32 s1, s20;
	v5 =	vor.u32 v5, v7  }
0x148: {  	[tilespmem:s1+$0x4280] =	vst.msk vm1, v5;
	v5 =	vshrl.u32 v6, $0x1;
	s22 =	spop (v2sf)  }
0x149: {  	[tilespmem:s1+$0x5000] =	vst.msk vm1, v5;
	s8 =	sadd.s32 s1, s22  }
0x14a: {  	[tilespmem:s8+$0x4280] =	vst v3  }
0x14b: {  	[tilespmem:s8+$0x5000] =	vst v3  }
0x14c: {  	[tilespmem:s8+$0x4290] =	vst v3  }
0x14d: {  	[tilespmem:s8+$0x5010] =	vst v3  }
0x14e: {  	[tilespmem:s8+$0x42A0] =	vst v3  }
0x14f: {  	[tilespmem:s8+$0x5020] =	vst v3  }
0x150: {  	[tilespmem:s8+$0x42B0] =	vst v3  }
0x151: {  	[tilespmem:s8+$0x5030] =	vst v3  }
0x152: {  	[tilespmem:s8+$0x42C0] =	vst v3  }
0x153: {  	[tilespmem:s8+$0x5040] =	vst v3  }
0x154: {  	[tilespmem:s8+$0x42D0] =	vst v3  }
0x155: {  	[tilespmem:s8+$0x5050] =	vst v3  }
0x156: {  	p1 =	seq.s32 s10, $0x63;
	s9 =	sadd.s32 $0x1, s10;
	[tilespmem:s8+$0x42E0] =	vst v3  }
0x157: {  	s1 =	smul.u32 @!p1 $0x190, s9;
	[tilespmem:s8+$0x5060] =	vst v3  }
0x158: {  	s5 =	rddreg [dreg:$0x5];
	[tilespmem:s8+$0x42F0] =	vst v3  }
0x159: {  	s31 =	simm.s32 @!p1 $0x0;
	[tilespmem:s8+$0x5070] =	vst v3;
	s10 =	sadd.s32 @!p1 s5, s1;
	s5 =	simm.s32 @!p1 $0x2980  }
0x15a: {  	[tilespmem:s5], [sflag:$0x1] =	stream.linear.gather @!p1 [hbm4b:s10+s31], $0xC80, $0x38;
	[tilespmem:$0x1DC40] =	vst v63  }
0x15b: {  	s5 =	rddreg [dreg:$0x6]  }
0x15c: {  	s1 =	sadd.s32 @!p1 s5, s1;
	s5 =	simm.s32 @!p1 $0x3600  }
0x15d: {  	[tilespmem:s5], [sflag:$0x1] =	stream.linear.gather @!p1 [hbm4b:s1+s31], $0xC80, $0x38;
	[tilespmem:$0x1DC40] =	vst v63  }
0x15e: {  	s5 =	simm.s32 $0x5000  }
0x15f: {  	[tilespmem:s19], [sflag:$0x2] =	stream.indirect.gather [spmem:s2], $0x80, s5, s17, $0xb8;
	[tilespmem:$0x1DC40] =	vst v63  }
0x160: {  	s6 =	simm.s32 $0x5010  }
0x161: {  	[tilespmem:s21], [sflag:$0x2] =	stream.indirect.gather [spmem:s2], $0x80, s6, s17, $0xb8;
	[tilespmem:$0x1DC40] =	vst v63  }
0x162: {  	s10 =	simm.s32 $0x5020  }
0x163: {  	[tilespmem:s23], [sflag:$0x2] =	stream.indirect.gather [spmem:s2], $0x80, s10, s17, $0xb8;
	[tilespmem:$0x1DC40] =	vst v63  }
0x164: {  	s31 =	simm.s32 $0x5030  }
0x165: {  	[tilespmem:s25], [sflag:$0x2] =	stream.indirect.gather [spmem:s2], $0x80, s31, s17, $0xb8;
	[tilespmem:$0x1DC40] =	vst v63  }
0x166: {  	s5 =	simm.s32 $0x5040  }
0x167: {  	[tilespmem:s28], [sflag:$0x2] =	stream.indirect.gather [spmem:s2], $0x80, s5, s17, $0xb8;
	[tilespmem:$0x1DC40] =	vst v63  }
0x168: {  	s6 =	simm.s32 $0x5050  }
0x169: {  	[tilespmem:s30], [sflag:$0x2] =	stream.indirect.gather [spmem:s2], $0x80, s6, s17, $0xb8;
	[tilespmem:$0x1DC40] =	vst v63  }
0x16a: {  	s10 =	simm.s32 $0x5060  }
0x16b: {  	[tilespmem:s0], [sflag:$0x2] =	stream.indirect.gather [spmem:s2], $0x80, s10, s17, $0xb8;
	[tilespmem:$0x1DC40] =	vst v63  }
0x16c: {  	p1 =	por $0x1, $0x1;
	s31 =	simm.s32 $0x5070;
	s10 =	simm.s32 $0x0  }
0x16d: {  	v5 =	vmov s8;
	[tilespmem:s14], [sflag:$0x2] =	stream.indirect.gather [spmem:s2], $0x80, s31, s17, $0xb8;
	[tilespmem:$0x1DC40] =	vst v63  }
.LBB2_8:
0x16e: {  	v6 =	vld [tilespmem:s10+$0x4280]  }
0x16f: {  	v7 =	vld [tilespmem:s10+$0x5000];
	_ =	sdelay $0x3  }
0x170: {  	v8 =	vshrl.u32 v6, $0xC  }
0x171: {  	v7 =	vshll.u32 v7, $0x1;
	v6 =	vand.u32 $0xFFF, v6;
	v8 =	vand.u32 $0x1, v8  }
0x172: {  	v7 =	vor.u32 v8, v7;
	_ =	sdelay $0x3  }
0x173: {  	v6 =	vld.idx.msk [tilespmem:v6+s3+$0x0], $0xffff  }
0x174: {  	v7 =	vld.idx.msk [tilespmem:v7+s12+$0x0], $0xffff;
	_ =	sdelay $0x4  }
0x175: {  	v6 =	vadd.f32 v7, v6;
	_ =	sdelay $0x1  }
0x176: {  	v7 =	vmul.f32 $9.999999770e-03, v6  }
0x177: {  	vm1 =	vge.f32 v6, $0.0e+00  }
0x178: {  	v6 =	vsel vm1, v6, v7  }
0x179: {  	v6 =	vmax.f32 v6, $-2.000000000e+00  }
0x17a: {  	v6 =	vmin.f32 v6, $2.000000000e+00  }
0x17b: {  	v6 =	vmul.f32 $1.442695020e+00, v6;
	_ =	sdelay $0x1  }
0x17c: {  	(erf) = vpow2.f32 v6;
	_ =	sdelay $0x5  }
0x17d: {  	v6 =	vor.u32 s10, v4;
	_ =	sdelay $0x2  }
0x17e: {  	vm1 =	vlt.s32 v6, v5;
	v6 =	vpop (erf)  }
0x17f: {  	v6 =	vnsel vm1, $0x0, v6  }
0x180: {  	[tilespmem:s10+$0x5D80] =	vst v6;
	v6 =	vld [tilespmem:s10+$0x4290]  }
0x181: {  	v7 =	vld [tilespmem:s10+$0x5010];
	_ =	sdelay $0x3  }
0x182: {  	v61 =	vshrl.u32 v6, $0xC  }
0x183: {  	v7 =	vshll.u32 v7, $0x1;
	v6 =	vand.u32 $0xFFF, v6;
	v8 =	vand.u32 $0x1, v61  }
0x184: {  	v7 =	vor.u32 v8, v7;
	_ =	sdelay $0x3  }
0x185: {  	v6 =	vld.idx.msk [tilespmem:v6+s3+$0x0], $0xffff  }
0x186: {  	v7 =	vld.idx.msk [tilespmem:v7+s12+$0x0], $0xffff;
	_ =	sdelay $0x4  }
0x187: {  	v6 =	vadd.f32 v7, v6;
	_ =	sdelay $0x1  }
0x188: {  	v7 =	vmul.f32 $9.999999770e-03, v6  }
0x189: {  	vm1 =	vge.f32 v6, $0.0e+00  }
0x18a: {  	v6 =	vsel vm1, v6, v7  }
0x18b: {  	v6 =	vmax.f32 v6, $-2.000000000e+00  }
0x18c: {  	v6 =	vmin.f32 v6, $2.000000000e+00  }
0x18d: {  	v6 =	vmul.f32 $1.442695020e+00, v6;
	_ =	sdelay $0x1  }
0x18e: {  	(erf) = vpow2.f32 v6;
	_ =	sdelay $0x4  }
0x18f: {  	s1 =	sor.u32 $0x10, s10  }
0x190: {  	v6 =	vor.u32 s1, v4;
	_ =	sdelay $0x2  }
0x191: {  	vm1 =	vlt.s32 v6, v5;
	v6 =	vpop (erf)  }
0x192: {  	v6 =	vnsel vm1, $0x0, v6  }
0x193: {  	[tilespmem:s10+$0x5D90] =	vst v6;
	v6 =	vld [tilespmem:s10+$0x42A0]  }
0x194: {  	v7 =	vld [tilespmem:s10+$0x5020];
	_ =	sdelay $0x3  }
0x195: {  	v62 =	vshrl.u32 v6, $0xC  }
0x196: {  	v7 =	vshll.u32 v7, $0x1;
	v6 =	vand.u32 $0xFFF, v6;
	v8 =	vand.u32 $0x1, v62  }
0x197: {  	v7 =	vor.u32 v8, v7;
	_ =	sdelay $0x3  }
0x198: {  	v6 =	vld.idx.msk [tilespmem:v6+s3+$0x0], $0xffff  }
0x199: {  	v7 =	vld.idx.msk [tilespmem:v7+s12+$0x0], $0xffff;
	_ =	sdelay $0x4  }
0x19a: {  	v6 =	vadd.f32 v7, v6;
	_ =	sdelay $0x1  }
0x19b: {  	v7 =	vmul.f32 $9.999999770e-03, v6  }
0x19c: {  	vm1 =	vge.f32 v6, $0.0e+00  }
0x19d: {  	v6 =	vsel vm1, v6, v7  }
0x19e: {  	v6 =	vmax.f32 v6, $-2.000000000e+00  }
0x19f: {  	v6 =	vmin.f32 v6, $2.000000000e+00  }
0x1a0: {  	v6 =	vmul.f32 $1.442695020e+00, v6;
	_ =	sdelay $0x1  }
0x1a1: {  	(erf) = vpow2.f32 v6;
	_ =	sdelay $0x4  }
0x1a2: {  	s6 =	sor.u32 $0x20, s10  }
0x1a3: {  	v6 =	vor.u32 s6, v4;
	_ =	sdelay $0x2  }
0x1a4: {  	vm1 =	vlt.s32 v6, v5;
	v6 =	vpop (erf)  }
0x1a5: {  	v6 =	vnsel vm1, $0x0, v6  }
0x1a6: {  	[tilespmem:s10+$0x5DA0] =	vst v6;
	v6 =	vld [tilespmem:s10+$0x42B0]  }
0x1a7: {  	v7 =	vld [tilespmem:s10+$0x5030];
	_ =	sdelay $0x3  }
0x1a8: {  	v63 =	vshrl.u32 v6, $0xC  }
0x1a9: {  	v7 =	vshll.u32 v7, $0x1;
	v6 =	vand.u32 $0xFFF, v6;
	v8 =	vand.u32 $0x1, v63  }
0x1aa: {  	v7 =	vor.u32 v8, v7;
	_ =	sdelay $0x3  }
0x1ab: {  	v6 =	vld.idx.msk [tilespmem:v6+s3+$0x0], $0xffff  }
0x1ac: {  	v7 =	vld.idx.msk [tilespmem:v7+s12+$0x0], $0xffff;
	_ =	sdelay $0x4  }
0x1ad: {  	v6 =	vadd.f32 v7, v6;
	_ =	sdelay $0x1  }
0x1ae: {  	v7 =	vmul.f32 $9.999999770e-03, v6  }
0x1af: {  	vm1 =	vge.f32 v6, $0.0e+00  }
0x1b0: {  	v6 =	vsel vm1, v6, v7  }
0x1b1: {  	v6 =	vmax.f32 v6, $-2.000000000e+00  }
0x1b2: {  	v6 =	vmin.f32 v6, $2.000000000e+00  }
0x1b3: {  	v6 =	vmul.f32 $1.442695020e+00, v6;
	_ =	sdelay $0x1  }
0x1b4: {  	(erf) = vpow2.f32 v6;
	_ =	sdelay $0x4  }
0x1b5: {  	s31 =	sor.u32 $0x30, s10  }
0x1b6: {  	p2 =	por p1, p1;
	v6 =	vor.u32 s31, v4  }
.Ltmp6:
0x1b7: {  	_ = 	snop;
	(pc) =	sbr.rel @p2 .LBB2_8-.Ltmp6, $4  }
0x1b8: {  	_ = 	snop  }
0x1b9: {  	vm1 =	vlt.s32 v6, v5;
	v6 =	vpop (erf)  }
0x1ba: {  	v6 =	vnsel vm1, $0x0, v6  }
0x1bb: {  	p1 =	por $0x0, $0x0;
	[tilespmem:s10+$0x5DB0] =	vst v6;
	s10 =	simm.s32 $0x40  }
0x1bc: {  	_ =	swait.ge [sflag:s15], $0x800  }
0x1bd: {  	[sflag:s15] =	ssyncset.done $0x0  }
0x1be: {  	[sflag:s15] =	ssyncadd.s32 $0xFFFFF800  }
0x1bf: {  	_ =	swait.ge [sflag:s15], $0x800  }
0x1c0: {  	[sflag:s15] =	ssyncset.done $0x0  }
0x1c1: {  	[sflag:s15] =	ssyncadd.s32 $0xFFFFF800  }
0x1c2: {  	_ =	swait.ge [sflag:s15], $0x800  }
0x1c3: {  	[sflag:s15] =	ssyncset.done $0x0  }
0x1c4: {  	[sflag:s15] =	ssyncadd.s32 $0xFFFFF800  }
0x1c5: {  	_ =	swait.ge [sflag:s15], $0x800  }
0x1c6: {  	[sflag:s15] =	ssyncset.done $0x0  }
0x1c7: {  	[sflag:s15] =	ssyncadd.s32 $0xFFFFF800  }
0x1c8: {  	_ =	swait.ge [sflag:s15], $0x800  }
0x1c9: {  	[sflag:s15] =	ssyncset.done $0x0  }
0x1ca: {  	[sflag:s15] =	ssyncadd.s32 $0xFFFFF800  }
0x1cb: {  	_ =	swait.ge [sflag:s15], $0x800  }
0x1cc: {  	[sflag:s15] =	ssyncset.done $0x0  }
0x1cd: {  	[sflag:s15] =	ssyncadd.s32 $0xFFFFF800  }
0x1ce: {  	p1 =	slt.s32 s8, $0x1;
	_ =	swait.ge [sflag:s15], $0x800  }
.Ltmp7:
0x1cf: {  	[sflag:s15] =	ssyncset.done $0x0;
	(pc) =	sbr.rel @p1 .LBB2_13-.Ltmp7, $4  }
0x1d0: {  	[sflag:s15] =	ssyncadd.s32 $0xFFFFF800  }
0x1d1: {  	_ =	swait.ge [sflag:s15], $0x800  }
0x1d2: {  	s1 =	sadd.s32 s26, s24;
	[sflag:s15] =	ssyncset.done $0x0  }
0x1d3: {  	s24 =	sadd.s32 s29, s1;
	[sflag:s15] =	ssyncadd.s32 $0xFFFFF800  }
0x1d4: {  	v6 =	vld [tilespmem:$0x4280];
	_ =	sdelay $0x4  }
0x1d5: {  	(v2sf) =	vpush v6, $0x0;
	_ =	sdelay $0xd  }
0x1d6: {  	s10 =	simm.s32 $0x4281;
	s29 =	sadd.s32 s11, s24  }
0x1d7: {  	s29 =	sadd.s32 s4, s29;
	v6 =	vld [tilespmem:s10+$0x0];
	s1 =	spop (v2sf)  }
0x1d8: {  	s26 =	simm.s32 $0x5D80;
	s29 =	sadd.s32 s18, s29;
	s5 =	sshrl.u32 s1, $0x6  }
0x1d9: {  	v8 =	vld [tilespmem:s26+$0x0];
	s29 =	sadd.s32 s20, s29;
	s5 =	sand.u32 $0x3FFFFC0, s5  }
0x1da: {  	s29 =	sadd.s32 s22, s29;
	s5 =	sadd.s32 $0x5E80, s5  }
0x1db: {  	s29 =	sadd.s32 s13, s29;
	v9 =	vld [tilespmem:s5+$0x30]  }
0x1dc: {  	s31 =	smin.u32 s29, $0x80;
	(v2sf) =	vpush v6, $0x0;
	v11 =	vld [tilespmem:s5+$0x20]  }
0x1dd: {  	p1 =	sne.s32 s31, $0x1;
	v7 =	vld [tilespmem:s5+$0x10]  }
.Ltmp8:
0x1de: {  	v13 =	vnsel vm0, $0x0, v8;
	v6 =	vbroadcast v8, $0x0;
	v8 =	vld [tilespmem:s5+$0x0];
	(pc) =	sbr.rel @!p1 .LBB2_12-.Ltmp8, $4  }
0x1df: {  	_ = 	snop  }
0x1e0: {  	v10 =	vunpack.i.u.bf16.f32 v9;
	v9 =	vunpack.i.l.bf16.f32 v9  }
0x1e1: {  	s6 =	sshll.u32 s1, $0x7;
	s1 =	sand.u32 $0xFFF, s1;
	v14 =	vunpack.i.u.bf16.f32 v11;
	v11 =	vunpack.i.l.bf16.f32 v11;
	v12 =	vmul.f32 v9, v6  }
0x1e2: {  	s29 =	simm.s32 $0x5E80;
	s31 =	sadd.s32 $0xFFFFFFFF, s31;
	[tilespmem:s1+$0x13E80] =	vst.add.f32.msk $0xffff, v13;
	s1 =	sand.u32 $0x7FF80, s6;
	v13 =	vunpack.i.l.bf16.f32 v7;
	v11 =	vmul.f32 v11, v6;
	v9 =	vmul.f32 v14, v6  }
.LBB2_11:
0x1e3: {  	v14 =	vunpack.i.u.bf16.f32 v8;
	v13 =	vmul.f32 v13, v6;
	v10 =	vmul.f32 v10, v6;
	[tilespmem:s1+$0x9EE0] =	vst.add.f32.msk $0xffff, v12;
	s26 =	sadd.s32 $0x1, s26;
	s10 =	sadd.s32 $0x1, s10;
	s29 =	sadd.s32 $0x80, s29  }
0x1e4: {  	p1 =	sne.s32 s31, $0x1;
	s31 =	sadd.s32 $0xFFFFFFFF, s31;
	v7 =	vunpack.i.u.bf16.f32 v7;
	v12 =	vmul.f32 v14, v6;
	[tilespmem:s1+$0x9EC0] =	vst.add.f32.msk $0xffff, v11  }
0x1e5: {  	v8 =	vunpack.i.l.bf16.f32 v8;
	v7 =	vmul.f32 v7, v6;
	[tilespmem:s1+$0x9EF0] =	vst.add.f32.msk $0xffff, v10  }
0x1e6: {  	v6 =	vmul.f32 v8, v6;
	[tilespmem:s1+$0x9E90] =	vst.add.f32.msk $0xffff, v12  }
0x1e7: {  	[tilespmem:s1+$0x9ED0] =	vst.add.f32.msk $0xffff, v9  }
0x1e8: {  	[tilespmem:s1+$0x9E80] =	vst.add.f32.msk $0xffff, v6  }
0x1e9: {  	[tilespmem:s1+$0x9EA0] =	vst.add.f32.msk $0xffff, v13  }
0x1ea: {  	[tilespmem:s1+$0x9EB0] =	vst.add.f32.msk $0xffff, v7  }
0x1eb: {  	v6 =	vld [tilespmem:s10+$0x0];
	s1 =	spop (v2sf)  }
0x1ec: {  	s5 =	sshrl.u32 s1, $0x6;
	s6 =	sshll.u32 s1, $0x7  }
0x1ed: {  	s5 =	sand.u32 $0x3FFFFC0, s5  }
0x1ee: {  	v9 =	vld [tilespmem:s26+$0x0];
	s5 =	sadd.s32 s5, s29  }
0x1ef: {  	v11 =	vld [tilespmem:s5+$0x30]  }
0x1f0: {  	v12 =	vld [tilespmem:s5+$0x20];
	(v2sf) =	vpush v6, $0x0  }
0x1f1: {  	v7 =	vld [tilespmem:s5+$0x10]  }
.Ltmp9:
0x1f2: {  	v8 =	vld [tilespmem:s5+$0x0];
	(pc) =	sbr.rel @p1 .LBB2_11-.Ltmp9, $4  }
0x1f3: {  	s1 =	sand.u32 $0xFFF, s1;
	v6 =	vbroadcast v9, $0x0;
	v9 =	vnsel vm0, $0x0, v9  }
0x1f4: {  	v10 =	vunpack.i.u.bf16.f32 v11;
	v11 =	vunpack.i.l.bf16.f32 v11;
	[tilespmem:s1+$0x13E80] =	vst.add.f32.msk $0xffff, v9  }
0x1f5: {  	v9 =	vunpack.i.u.bf16.f32 v12;
	v14 =	vunpack.i.l.bf16.f32 v12;
	v12 =	vmul.f32 v11, v6  }
0x1f6: {  	s1 =	sand.u32 $0x7FF80, s6;
	v13 =	vunpack.i.l.bf16.f32 v7;
	v11 =	vmul.f32 v14, v6;
	v9 =	vmul.f32 v9, v6  }
.LBB2_12:
0x1f7: {  	_ = 	snop  }
0x1f8: {  	[tilespmem:s1+$0x9EE0] =	vst.add.f32.msk $0xffff, v12  }
0x1f9: {  	v10 =	vmul.f32 v10, v6;
	[tilespmem:s1+$0x9EC0] =	vst.add.f32.msk $0xffff, v11  }
0x1fa: {  	v14 =	vunpack.i.u.bf16.f32 v8;
	v63 =	vmul.f32 v13, v6;
	[tilespmem:s1+$0x9ED0] =	vst.add.f32.msk $0xffff, v9  }
0x1fb: {  	v62 =	vunpack.i.l.bf16.f32 v8;
	v61 =	vmul.f32 v14, v6;
	[tilespmem:s1+$0x9EF0] =	vst.add.f32.msk $0xffff, v10  }
0x1fc: {  	v7 =	vunpack.i.u.bf16.f32 v7;
	v8 =	vmul.f32 v62, v6;
	[tilespmem:s1+$0x9EA0] =	vst.add.f32.msk $0xffff, v63  }
0x1fd: {  	v6 =	vmul.f32 v7, v6;
	[tilespmem:s1+$0x9E90] =	vst.add.f32.msk $0xffff, v61  }
0x1fe: {  	[tilespmem:s1+$0x9E80] =	vst.add.f32.msk $0xffff, v8  }
0x1ff: {  	[tilespmem:s1+$0x9EB0] =	vst.add.f32.msk $0xffff, v6;
	s31 =	spop (v2sf)  }
.LBB2_13:
0x200: {  	s1 =	sadd.s32 $0x7F, s8  }
0x201: {  	s5 =	sand.u32 $0x7F, s1  }
0x202: {  	s6 =	sshra.s32 s1, $0x1F;
	p1 =	slt.s32 s1, $0x1;
	p2 =	sne.s32 s5, $0x0  }
0x203: {  	s31 =	sshrl.u32 s6, $0x19;
	p1 =	por !p1, !p2  }
0x204: {  	s5 =	simm.s32 $0x1;
	s1 =	sadd.s32 s31, s1;
	p1 =	por !p1, !p1  }
0x205: {  	s1 =	sshra.s32 s1, $0x7;
	s5 =	simm.s32 @!p1 $0x0  }
0x206: {  	s10 =	ssub.s32 s1, s5  }
0x207: {  	p1 =	slt.s32 s10, $0x2  }
.Ltmp10:
0x208: {  	_ = 	snop;
	(pc) =	sbr.rel @p1 .LBB2_4-.Ltmp10, $1  }
0x209: {  	_ =	sdelay $0x3  }
0x20a: {  	s1 =	sadd.s32 s11, s24  }
0x20b: {  	s1 =	sadd.s32 s4, s1  }
.Ltmp11:
0x20c: {  	s1 =	sadd.s32 s18, s1;
	(pc) =	sbr.rel .LBB2_15-.Ltmp11, $4  }
0x20d: {  	s1 =	sadd.s32 s20, s1  }
0x20e: {  	s1 =	sadd.s32 s22, s1  }
0x20f: {  	s1 =	sadd.s32 s13, s1  }
0x210: {  	s11 =	simm.s32 $0x1;
	s13 =	simm.s32 $0x4301;
	s4 =	sadd.s32 $0xFFFFFF80, s1  }
.LBB2_20:
0x211: {  	[tilespmem:s26+$0x9EE0] =	vst.add.f32.msk $0xffff, v12  }
0x212: {  	v10 =	vmul.f32 v10, v6;
	[tilespmem:s26+$0x9EC0] =	vst.add.f32.msk $0xffff, v11  }
0x213: {  	v14 =	vunpack.i.u.bf16.f32 v8;
	v63 =	vmul.f32 v13, v6;
	[tilespmem:s26+$0x9ED0] =	vst.add.f32.msk $0xffff, v9  }
0x214: {  	v62 =	vunpack.i.l.bf16.f32 v8;
	v61 =	vmul.f32 v14, v6;
	[tilespmem:s26+$0x9EF0] =	vst.add.f32.msk $0xffff, v10  }
0x215: {  	v7 =	vunpack.i.u.bf16.f32 v7;
	v8 =	vmul.f32 v62, v6;
	[tilespmem:s26+$0x9EA0] =	vst.add.f32.msk $0xffff, v63  }
0x216: {  	v6 =	vmul.f32 v7, v6;
	[tilespmem:s26+$0x9E90] =	vst.add.f32.msk $0xffff, v61  }
0x217: {  	[tilespmem:s26+$0x9E80] =	vst.add.f32.msk $0xffff, v8  }
0x218: {  	[tilespmem:s26+$0x9EB0] =	vst.add.f32.msk $0xffff, v6;
	s1 =	spop (v2sf)  }
.LBB2_21:
0x219: {  	s11 =	sadd.s32 $0x1, s11  }
0x21a: {  	p1 =	seq.s32 s11, s10  }
.Ltmp12:
0x21b: {  	_ = 	snop;
	(pc) =	sbr.rel @p1 .LBB2_4-.Ltmp12, $2  }
0x21c: {  	_ =	sdelay $0x2  }
0x21d: {  	s4 =	sadd.s32 $0xFFFFFF80, s4;
	s13 =	sadd.s32 $0x80, s13  }
.LBB2_15:
0x21e: {  	s20 =	sshll.u32 s11, $0x7  }
0x21f: {  	s1 =	sadd.s32 $0x5000, s20  }
0x220: {  	[tilespmem:s19], [sflag:$0x2] =	stream.indirect.gather [spmem:s2], $0x80, s1, s17, $0xb8;
	[tilespmem:$0x1DC40] =	vst v63  }
0x221: {  	s6 =	sadd.s32 $0x5010, s20  }
0x222: {  	[tilespmem:s21], [sflag:$0x2] =	stream.indirect.gather [spmem:s2], $0x80, s6, s17, $0xb8;
	[tilespmem:$0x1DC40] =	vst v63  }
0x223: {  	s18 =	sadd.s32 $0x5020, s20  }
0x224: {  	[tilespmem:s23], [sflag:$0x2] =	stream.indirect.gather [spmem:s2], $0x80, s18, s17, $0xb8;
	[tilespmem:$0x1DC40] =	vst v63  }
0x225: {  	s22 =	sadd.s32 $0x5030, s20  }
0x226: {  	[tilespmem:s25], [sflag:$0x2] =	stream.indirect.gather [spmem:s2], $0x80, s22, s17, $0xb8;
	[tilespmem:$0x1DC40] =	vst v63  }
0x227: {  	s24 =	sadd.s32 $0x5040, s20  }
0x228: {  	[tilespmem:s28], [sflag:$0x2] =	stream.indirect.gather [spmem:s2], $0x80, s24, s17, $0xb8;
	[tilespmem:$0x1DC40] =	vst v63  }
0x229: {  	p1 =	sgt.s32 s4, $0x1;
	s5 =	smov.u32 s4;
	s26 =	sadd.s32 $0x5050, s20  }
0x22a: {  	[tilespmem:s30], [sflag:$0x2] =	stream.indirect.gather [spmem:s2], $0x80, s26, s17, $0xb8;
	[tilespmem:$0x1DC40] =	vst v63  }
0x22b: {  	s29 =	sadd.s32 $0x5060, s20;
	s31 =	sadd.s32 $0x5070, s20;
	s5 =	simm.s32 @!p1 $0x1  }
0x22c: {  	[tilespmem:s0], [sflag:$0x2] =	stream.indirect.gather [spmem:s2], $0x80, s29, s17, $0xb8;
	[tilespmem:$0x1DC40] =	vst v63  }
0x22d: {  	p1 =	por $0x1, $0x1;
	s18 =	smin.u32 s5, $0x80;
	s22 =	simm.s32 $0x0  }
0x22e: {  	[tilespmem:s14], [sflag:$0x2] =	stream.indirect.gather [spmem:s2], $0x80, s31, s17, $0xb8;
	[tilespmem:$0x1DC40] =	vst v63  }
.LBB2_16:
0x22f: {  	s24 =	sor.u32 s20, s22  }
0x230: {  	v6 =	vld [tilespmem:s24+$0x4280]  }
0x231: {  	v7 =	vld [tilespmem:s24+$0x5000];
	_ =	sdelay $0x3  }
0x232: {  	v8 =	vshrl.u32 v6, $0xC  }
0x233: {  	v7 =	vshll.u32 v7, $0x1;
	v6 =	vand.u32 $0xFFF, v6;
	v8 =	vand.u32 $0x1, v8  }
0x234: {  	v7 =	vor.u32 v8, v7;
	_ =	sdelay $0x3  }
0x235: {  	v6 =	vld.idx.msk [tilespmem:v6+s3+$0x0], $0xffff  }
0x236: {  	v7 =	vld.idx.msk [tilespmem:v7+s12+$0x0], $0xffff;
	_ =	sdelay $0x4  }
0x237: {  	v6 =	vadd.f32 v7, v6;
	_ =	sdelay $0x1  }
0x238: {  	v7 =	vmul.f32 $9.999999770e-03, v6  }
0x239: {  	vm1 =	vge.f32 v6, $0.0e+00  }
0x23a: {  	v6 =	vsel vm1, v6, v7  }
0x23b: {  	v6 =	vmax.f32 v6, $-2.000000000e+00  }
0x23c: {  	v6 =	vmin.f32 v6, $2.000000000e+00  }
0x23d: {  	v6 =	vmul.f32 $1.442695020e+00, v6;
	_ =	sdelay $0x1  }
0x23e: {  	(erf) = vpow2.f32 v6;
	_ =	sdelay $0x5  }
0x23f: {  	v6 =	vor.u32 s24, v4;
	_ =	sdelay $0x2  }
0x240: {  	vm1 =	vlt.s32 v6, v5;
	v6 =	vpop (erf)  }
0x241: {  	v6 =	vnsel vm1, $0x0, v6  }
0x242: {  	s1 =	sor.u32 $0x10, s24;
	[tilespmem:s22+$0x5D80] =	vst v6  }
0x243: {  	v6 =	vld [tilespmem:s1+$0x4280]  }
0x244: {  	v7 =	vld [tilespmem:s1+$0x5000];
	_ =	sdelay $0x3  }
0x245: {  	v61 =	vshrl.u32 v6, $0xC  }
0x246: {  	v7 =	vshll.u32 v7, $0x1;
	v6 =	vand.u32 $0xFFF, v6;
	v8 =	vand.u32 $0x1, v61  }
0x247: {  	v7 =	vor.u32 v8, v7;
	_ =	sdelay $0x3  }
0x248: {  	v6 =	vld.idx.msk [tilespmem:v6+s3+$0x0], $0xffff  }
0x249: {  	v7 =	vld.idx.msk [tilespmem:v7+s12+$0x0], $0xffff;
	_ =	sdelay $0x4  }
0x24a: {  	v6 =	vadd.f32 v7, v6;
	_ =	sdelay $0x1  }
0x24b: {  	v7 =	vmul.f32 $9.999999770e-03, v6  }
0x24c: {  	vm1 =	vge.f32 v6, $0.0e+00  }
0x24d: {  	v6 =	vsel vm1, v6, v7  }
0x24e: {  	v6 =	vmax.f32 v6, $-2.000000000e+00  }
0x24f: {  	v6 =	vmin.f32 v6, $2.000000000e+00  }
0x250: {  	v6 =	vmul.f32 $1.442695020e+00, v6;
	_ =	sdelay $0x1  }
0x251: {  	(erf) = vpow2.f32 v6;
	_ =	sdelay $0x5  }
0x252: {  	v6 =	vor.u32 s1, v4;
	_ =	sdelay $0x2  }
0x253: {  	vm1 =	vlt.s32 v6, v5;
	v6 =	vpop (erf)  }
0x254: {  	v6 =	vnsel vm1, $0x0, v6  }
0x255: {  	s29 =	sor.u32 $0x20, s24;
	[tilespmem:s22+$0x5D90] =	vst v6  }
0x256: {  	v6 =	vld [tilespmem:s29+$0x4280]  }
0x257: {  	v7 =	vld [tilespmem:s29+$0x5000];
	_ =	sdelay $0x3  }
0x258: {  	v62 =	vshrl.u32 v6, $0xC  }
0x259: {  	v7 =	vshll.u32 v7, $0x1;
	v6 =	vand.u32 $0xFFF, v6;
	v8 =	vand.u32 $0x1, v62  }
0x25a: {  	v7 =	vor.u32 v8, v7;
	_ =	sdelay $0x3  }
0x25b: {  	v6 =	vld.idx.msk [tilespmem:v6+s3+$0x0], $0xffff  }
0x25c: {  	v7 =	vld.idx.msk [tilespmem:v7+s12+$0x0], $0xffff;
	_ =	sdelay $0x4  }
0x25d: {  	v6 =	vadd.f32 v7, v6;
	_ =	sdelay $0x1  }
0x25e: {  	v7 =	vmul.f32 $9.999999770e-03, v6  }
0x25f: {  	vm1 =	vge.f32 v6, $0.0e+00  }
0x260: {  	v6 =	vsel vm1, v6, v7  }
0x261: {  	v6 =	vmax.f32 v6, $-2.000000000e+00  }
0x262: {  	v6 =	vmin.f32 v6, $2.000000000e+00  }
0x263: {  	v6 =	vmul.f32 $1.442695020e+00, v6;
	_ =	sdelay $0x1  }
0x264: {  	(erf) = vpow2.f32 v6;
	_ =	sdelay $0x5  }
0x265: {  	v6 =	vor.u32 s29, v4;
	_ =	sdelay $0x2  }
0x266: {  	vm1 =	vlt.s32 v6, v5;
	v6 =	vpop (erf)  }
0x267: {  	v6 =	vnsel vm1, $0x0, v6  }
0x268: {  	s31 =	sor.u32 $0x30, s24;
	[tilespmem:s22+$0x5DA0] =	vst v6  }
0x269: {  	v6 =	vld [tilespmem:s31+$0x4280]  }
0x26a: {  	v7 =	vld [tilespmem:s31+$0x5000];
	_ =	sdelay $0x3  }
0x26b: {  	v63 =	vshrl.u32 v6, $0xC  }
0x26c: {  	v7 =	vshll.u32 v7, $0x1;
	v6 =	vand.u32 $0xFFF, v6;
	v8 =	vand.u32 $0x1, v63  }
0x26d: {  	v7 =	vor.u32 v8, v7;
	_ =	sdelay $0x3  }
0x26e: {  	v6 =	vld.idx.msk [tilespmem:v6+s3+$0x0], $0xffff  }
0x26f: {  	v7 =	vld.idx.msk [tilespmem:v7+s12+$0x0], $0xffff;
	_ =	sdelay $0x4  }
0x270: {  	v6 =	vadd.f32 v7, v6;
	_ =	sdelay $0x1  }
0x271: {  	v7 =	vmul.f32 $9.999999770e-03, v6  }
0x272: {  	vm1 =	vge.f32 v6, $0.0e+00  }
0x273: {  	v6 =	vsel vm1, v6, v7  }
0x274: {  	v6 =	vmax.f32 v6, $-2.000000000e+00  }
0x275: {  	v6 =	vmin.f32 v6, $2.000000000e+00  }
0x276: {  	v6 =	vmul.f32 $1.442695020e+00, v6;
	_ =	sdelay $0x1  }
0x277: {  	(erf) = vpow2.f32 v6;
	_ =	sdelay $0x5  }
0x278: {  	p2 =	por p1, p1;
	v6 =	vor.u32 s31, v4  }
.Ltmp13:
0x279: {  	_ = 	snop;
	(pc) =	sbr.rel @p2 .LBB2_16-.Ltmp13, $4  }
0x27a: {  	_ = 	snop  }
0x27b: {  	vm1 =	vlt.s32 v6, v5;
	v6 =	vpop (erf)  }
0x27c: {  	v6 =	vnsel vm1, $0x0, v6  }
0x27d: {  	p1 =	por $0x0, $0x0;
	[tilespmem:s22+$0x5DB0] =	vst v6;
	s22 =	simm.s32 $0x40  }
0x27e: {  	_ =	swait.ge [sflag:s15], $0x800  }
0x27f: {  	[sflag:s15] =	ssyncset.done $0x0  }
0x280: {  	[sflag:s15] =	ssyncadd.s32 $0xFFFFF800  }
0x281: {  	_ =	swait.ge [sflag:s15], $0x800  }
0x282: {  	[sflag:s15] =	ssyncset.done $0x0  }
0x283: {  	[sflag:s15] =	ssyncadd.s32 $0xFFFFF800  }
0x284: {  	_ =	swait.ge [sflag:s15], $0x800  }
0x285: {  	[sflag:s15] =	ssyncset.done $0x0  }
0x286: {  	[sflag:s15] =	ssyncadd.s32 $0xFFFFF800  }
0x287: {  	_ =	swait.ge [sflag:s15], $0x800  }
0x288: {  	[sflag:s15] =	ssyncset.done $0x0  }
0x289: {  	[sflag:s15] =	ssyncadd.s32 $0xFFFFF800  }
0x28a: {  	_ =	swait.ge [sflag:s15], $0x800  }
0x28b: {  	[sflag:s15] =	ssyncset.done $0x0  }
0x28c: {  	[sflag:s15] =	ssyncadd.s32 $0xFFFFF800  }
0x28d: {  	_ =	swait.ge [sflag:s15], $0x800  }
0x28e: {  	[sflag:s15] =	ssyncset.done $0x0  }
0x28f: {  	s1 =	ssub.s32 s8, s20;
	[sflag:s15] =	ssyncadd.s32 $0xFFFFF800  }
0x290: {  	p1 =	slt.s32 s1, $0x1;
	_ =	swait.ge [sflag:s15], $0x800  }
.Ltmp14:
0x291: {  	[sflag:s15] =	ssyncset.done $0x0;
	(pc) =	sbr.rel @p1 .LBB2_21-.Ltmp14, $4  }
0x292: {  	[sflag:s15] =	ssyncadd.s32 $0xFFFFF800  }
0x293: {  	_ =	swait.ge [sflag:s15], $0x800  }
0x294: {  	[sflag:s15] =	ssyncset.done $0x0  }
0x295: {  	[sflag:s15] =	ssyncadd.s32 $0xFFFFF800  }
0x296: {  	s1 =	sshll.u32 s11, $0x9  }
0x297: {  	s1 =	sshra.s32 s1, $0x2  }
0x298: {  	v6 =	vld [tilespmem:s1+$0x4280];
	_ =	sdelay $0x4  }
0x299: {  	(v2sf) =	vpush v6, $0x0;
	_ =	sdelay $0xd  }
0x29a: {  	v6 =	vld [tilespmem:s13+$0x0]  }
0x29b: {  	s31 =	spop (v2sf)  }
0x29c: {  	s20 =	simm.s32 $0x5D80;
	s5 =	sshrl.u32 s31, $0x6  }
0x29d: {  	v8 =	vld [tilespmem:s20+$0x0];
	s5 =	sand.u32 $0x3FFFFC0, s5  }
0x29e: {  	s5 =	sadd.s32 $0x5E80, s5  }
0x29f: {  	(v2sf) =	vpush v6, $0x0;
	v9 =	vld [tilespmem:s5+$0x30]  }
0x2a0: {  	v11 =	vld [tilespmem:s5+$0x20]  }
0x2a1: {  	p1 =	sne.s32 s18, $0x1;
	v7 =	vld [tilespmem:s5+$0x10]  }
.Ltmp15:
0x2a2: {  	v13 =	vnsel vm0, $0x0, v8;
	v6 =	vbroadcast v8, $0x0;
	v8 =	vld [tilespmem:s5+$0x0];
	(pc) =	sbr.rel @!p1 .LBB2_20-.Ltmp15, $4  }
0x2a3: {  	_ = 	snop  }
0x2a4: {  	v10 =	vunpack.i.u.bf16.f32 v9;
	v9 =	vunpack.i.l.bf16.f32 v9  }
0x2a5: {  	s22 =	simm.s32 $0x5E80;
	s6 =	sshll.u32 s31, $0x7;
	s1 =	sand.u32 $0xFFF, s31;
	v14 =	vunpack.i.u.bf16.f32 v11;
	v11 =	vunpack.i.l.bf16.f32 v11;
	v12 =	vmul.f32 v9, v6  }
0x2a6: {  	s18 =	sadd.s32 $0xFFFFFFFF, s18;
	s24 =	smov.u32 s13;
	s26 =	sand.u32 $0x7FF80, s6;
	[tilespmem:s1+$0x13E80] =	vst.add.f32.msk $0xffff, v13;
	v13 =	vunpack.i.l.bf16.f32 v7;
	v11 =	vmul.f32 v11, v6;
	v9 =	vmul.f32 v14, v6  }
.LBB2_19:
0x2a7: {  	v14 =	vunpack.i.u.bf16.f32 v8;
	v13 =	vmul.f32 v13, v6;
	v10 =	vmul.f32 v10, v6;
	[tilespmem:s26+$0x9EE0] =	vst.add.f32.msk $0xffff, v12;
	s20 =	sadd.s32 $0x1, s20;
	s24 =	sadd.s32 $0x1, s24;
	s22 =	sadd.s32 $0x80, s22  }
0x2a8: {  	p1 =	sne.s32 s18, $0x1;
	s18 =	sadd.s32 $0xFFFFFFFF, s18;
	v7 =	vunpack.i.u.bf16.f32 v7;
	v12 =	vmul.f32 v14, v6;
	[tilespmem:s26+$0x9EC0] =	vst.add.f32.msk $0xffff, v11  }
0x2a9: {  	v8 =	vunpack.i.l.bf16.f32 v8;
	v7 =	vmul.f32 v7, v6;
	[tilespmem:s26+$0x9EF0] =	vst.add.f32.msk $0xffff, v10  }
0x2aa: {  	v6 =	vmul.f32 v8, v6;
	[tilespmem:s26+$0x9E90] =	vst.add.f32.msk $0xffff, v12  }
0x2ab: {  	[tilespmem:s26+$0x9ED0] =	vst.add.f32.msk $0xffff, v9  }
0x2ac: {  	[tilespmem:s26+$0x9E80] =	vst.add.f32.msk $0xffff, v6  }
0x2ad: {  	[tilespmem:s26+$0x9EA0] =	vst.add.f32.msk $0xffff, v13  }
0x2ae: {  	[tilespmem:s26+$0x9EB0] =	vst.add.f32.msk $0xffff, v7  }
0x2af: {  	v6 =	vld [tilespmem:s24+$0x0];
	s1 =	spop (v2sf)  }
0x2b0: {  	s5 =	sshrl.u32 s1, $0x6;
	s6 =	sshll.u32 s1, $0x7  }
0x2b1: {  	s5 =	sand.u32 $0x3FFFFC0, s5  }
0x2b2: {  	v9 =	vld [tilespmem:s20+$0x0];
	s5 =	sadd.s32 s5, s22  }
0x2b3: {  	v11 =	vld [tilespmem:s5+$0x30]  }
0x2b4: {  	v12 =	vld [tilespmem:s5+$0x20];
	(v2sf) =	vpush v6, $0x0  }
0x2b5: {  	v7 =	vld [tilespmem:s5+$0x10]  }
.Ltmp16:
0x2b6: {  	v8 =	vld [tilespmem:s5+$0x0];
	(pc) =	sbr.rel @p1 .LBB2_19-.Ltmp16, $4  }
0x2b7: {  	s1 =	sand.u32 $0xFFF, s1;
	v6 =	vbroadcast v9, $0x0;
	v9 =	vnsel vm0, $0x0, v9  }
0x2b8: {  	v10 =	vunpack.i.u.bf16.f32 v11;
	v11 =	vunpack.i.l.bf16.f32 v11;
	[tilespmem:s1+$0x13E80] =	vst.add.f32.msk $0xffff, v9  }
0x2b9: {  	v9 =	vunpack.i.u.bf16.f32 v12;
	v14 =	vunpack.i.l.bf16.f32 v12;
	v12 =	vmul.f32 v11, v6  }
0x2ba: {  	s26 =	sand.u32 $0x7FF80, s6;
	v13 =	vunpack.i.l.bf16.f32 v7;
	v11 =	vmul.f32 v14, v6;
	v9 =	vmul.f32 v9, v6  }
.Ltmp17:
0x2bb: {  	_ = 	snop;
	(pc) =	sbr.rel .LBB2_20-.Ltmp17, $1  }
0x2bc: {  	_ =	sdelay $0x3  }
.LBB2_23:
0x2bd: {  	_ =	sfence.sel $0x180000  }
0x2be: {  	[bflag:$0x0] =	sbarrier.arrive $0xFFFF  }
0x2bf: {  	_ =	strace $0x90000047  }
0x2c0: {  	[bflag:$0x2] =	sbarrier.arrive $0xFFFF  }
0x2c1: {  	s0 =	rddreg [dreg:$0x3]  }
0x2c2: {  	s0 =	sadd.s32 @!p0 $0x100000, s0  }
0x2c3: {  	[sflag:s0] =	ssyncadd.tile.s32 @!p0 $0x1;
	_ =	shalt  }
.Lfunc_end2:
_tile_overlayer_lowered:
.L_overlay_start_2:
0x2c4: {  	(tag) =	ssettag $0x2  }
0x2c5: {  	s0 =	rddreg [dreg:$0x0];
	s2 =	stileid.u32  }
0x2c6: {  	s1 =	rddreg [dreg:$0x1];
	p0 =	sne.s32 s2, $0x0  }
0x2c7: {  	s3 =	rddreg [dreg:$0x2];
	[bflag:$0x3] =	sbarrier.arrive $0xFFFF;
	s2 =	simm.s32 @!p0 $0x1C03  }
0x2c8: {  	[timem:s3], [sflag:s2] =	dma.local @!p0 [hbm:s0], s1  }
0x2c9: {  	s0 =	simm.s32 @!p0 $0x3  }
0x2ca: {  	_ =	swait.ge @!p0 [sflag:s0], s1  }
0x2cb: {  	s1 =	ssub.s32 @!p0 $0x0, s1;
	[sflag:s0] =	ssyncset.done @!p0 $0x0  }
0x2cc: {  	[sflag:s0] =	ssyncadd.s32 @!p0 s1  }
0x2cd: {  	[bflag:$0x3] =	sbarrier.arrive $0xFFFF  }
0x2ce: {  	_ =	shalt  }

</sc_bundles>
